<compile_context>
chip_gen: v7x
topology: tpu7x:2x2x1
jax: 0.10.2.dev20260603
libtpu: 0.0.44.dev20260713+nightly
codegen_flags: <defaults>
</compile_context>

<pallas_src>
import functools

import jax
import jax.numpy as jnp
from jax import lax
from jax.experimental import pallas as pl
from jax.experimental.pallas import tpu as pltpu
from jax.experimental.pallas import tpu_sc as plsc

_BATCH = 64
_TOKENS = 128
_DIM = 4096
_ROWS = _BATCH * _TOKENS

_NC = 2
_NS = 16
_NW = _NC * _NS
_B_PER_W = _ROWS // _NW
_CH = 8
_NCHUNK = _B_PER_W // _CH
_STAGE = _TOKENS // _NS


def _make_sc_lookup():
    mesh = plsc.VectorSubcoreMesh(core_axis_name="c", subcore_axis_name="s")

    @functools.partial(
        pl.kernel,
        mesh=mesh,
        out_type=jax.ShapeDtypeStruct((_ROWS, _DIM), jnp.float32),
        scratch_types=[
            pltpu.VMEM((_B_PER_W + 8,), jnp.int32),
            pltpu.VMEM((2, _CH, _DIM), jnp.float32),
            pltpu.VMEM_SHARED((_TOKENS, _DIM), jnp.float32),
            pltpu.SemaphoreType.DMA,
            pltpu.SemaphoreType.DMA,
            pltpu.SemaphoreType.DMA,
        ],
    )
    def sc_lookup(idx_hbm, table_hbm, out_hbm, idx_v, bufs, shared_tab,
                  csem, wsem0, wsem1):
        sid = lax.axis_index("s")
        wid = sid * _NC + lax.axis_index("c")
        base = wid * _B_PER_W
        pltpu.sync_copy(table_hbm.at[pl.ds(sid * _STAGE, _STAGE)],
                        shared_tab.at[pl.ds(sid * _STAGE, _STAGE)])
        pltpu.sync_copy(idx_hbm.at[pl.ds(base, _B_PER_W)],
                        idx_v.at[pl.ds(0, _B_PER_W)])
        plsc.subcore_barrier()

        wsems = (wsem0, wsem1)

        def fill(c, b):
            vec = idx_v[pl.ds(c * _CH, 16)]
            handles = []
            for k in range(_CH):
                handles.append(pltpu.async_copy(
                    shared_tab.at[vec[k]], bufs.at[b].at[k], csem))
            for h in handles:
                h.wait()

        def start_write(c, b):
            return pltpu.async_copy(
                bufs.at[b], out_hbm.at[pl.ds(base + c * _CH, _CH)], wsems[b])

        def wait_write(c, b):
            pltpu.make_async_copy(
                bufs.at[b], out_hbm.at[pl.ds(base + c * _CH, _CH)],
                wsems[b]).wait()

        fill(0, 0)
        start_write(0, 0)
        fill(1, 1)
        start_write(1, 1)

        def step(i, carry):
            for b in range(2):
                c = 2 + i * 2 + b
                wait_write(c - 2, b)
                fill(c, b)
                start_write(c, b)
            return carry

        lax.fori_loop(0, (_NCHUNK - 2) // 2, step, 0)
        wait_write(_NCHUNK - 2, 0)
        wait_write(_NCHUNK - 1, 1)

    return sc_lookup


_sc_lookup = _make_sc_lookup()


def kernel(indices, table):
    idx_flat = indices.reshape(_ROWS).astype(jnp.int32)
    out = _sc_lookup(idx_flat, table)
    return out.reshape(_BATCH, _TOKENS, _DIM)

# --- scband reference (transcript-rebuilt; emitter-appended) ---
"""Pipeline reference for scband-xprompt-embedding-89928025244118 (READ-ONLY COPY).

The authoritative reference and input builder live on the scoring server;
editing this copy changes nothing except your own understanding.
"""

import jax, jax.numpy as jnp
import numpy as np

BATCH = 64
NUM_VIRTUAL_TOKENS = 128
NUM_SUBMODULES = 1
TOTAL_VIRTUAL_TOKENS = NUM_VIRTUAL_TOKENS * NUM_SUBMODULES
TOKEN_DIM = 4096


def setup_inputs(seed: int = 0) -> dict:
    key = jax.random.key(seed)
    k1, k2 = jax.random.split(key)
    indices = jax.random.randint(k1, (BATCH, TOTAL_VIRTUAL_TOKENS), 0, TOTAL_VIRTUAL_TOKENS, dtype=jnp.int64 if jax.config.jax_enable_x64 else jnp.int32)
    table = jax.random.normal(k2, (TOTAL_VIRTUAL_TOKENS, TOKEN_DIM), dtype=jnp.float32)
    return {"indices": indices, "table": table}


def reference(indices, table):
    # XPromptEmbedding.forward: self.embedding(indices)[:, list(self.kept_prune['token-level']), :]
    # Initially kept_prune contains all token positions 0..TOTAL_VIRTUAL_TOKENS-1.
    emb = jnp.take(table, indices, axis=0)  # [B, T, D] embedding gather
    kept = jnp.arange(TOTAL_VIRTUAL_TOKENS)  # all tokens kept before any pruning step
    prompt_embeddings = emb[:, kept, :]
    return prompt_embeddings

if __name__ == "__main__":
    import jax
    _d = setup_inputs()
    print(jax.jit(kernel)(*tuple(_d.values())))

</pallas_src>

<mosaic_0001>
#map = affine_map<(d0, d1) -> (0)>
#map1 = affine_map<(d0, d1) -> (0, 0)>
module attributes {stable_mosaic.version = 14 : i64} {
  func.func @sc_lookup(%arg0: i32, %arg1: i32, %arg2: memref<8192xi32, #tpu.memory_space<hbm>>, %arg3: memref<128x4096xf32, #tpu.memory_space<hbm>>, %arg4: memref<8192x4096xf32, #tpu.memory_space<hbm>>, %arg5: memref<264xi32, #tpu.memory_space<vmem>>, %arg6: memref<2x8x4096xf32, #tpu.memory_space<vmem>>, %arg7: memref<128x4096xf32, #tpu.memory_space<vmem_shared>>, %arg8: memref<!tpu.dma_semaphore, #tpu.memory_space<semaphore_mem>>, %arg9: memref<!tpu.dma_semaphore, #tpu.memory_space<semaphore_mem>>, %arg10: memref<!tpu.dma_semaphore, #tpu.memory_space<semaphore_mem>>) attributes {dimension_semantics = [#tpu.dimension_semantics<core_parallel>, #tpu.dimension_semantics<subcore_parallel>], iteration_bounds = array<i64: 2, 16>, scalar_prefetch = 0 : i64, scratch_operands = 6 : i64, tpu.core_type = #tpu.core_type<sc_vector_subcore>, window_params = [{transform_indices = #map}, {transform_indices = #map1}, {transform_indices = #map1}]} {
    %mul3A = arith.constant 2 : i32
    %mul3A_0 = arith.muli %arg1, %mul3A : i32
    %add3A = arith.addi %mul3A_0, %arg0 : i32
    %mul3A_1 = arith.constant 256 : i32
    %mul3A_2 = arith.muli %add3A, %mul3A_1 : i32
    %mul3A_3 = arith.constant 8 : i32
    %mul3A_4 = arith.muli %arg1, %mul3A_3 : i32
    %mul3A_5 = arith.constant 8 : i32
    %mul3A_6 = arith.muli %arg1, %mul3A_5 : i32
    "tpu.region"() ({
      %run_scoped3A = tpu.sem_alloc : memref<!tpu.dma_semaphore, #tpu.memory_space<semaphore_mem>>
      %dma_start3A_809 = arith.constant 0 : i32
      %dma_start3A_810 = tpu.memref_slice %arg7[%mul3A_6, %dma_start3A_809] : memref<128x4096xf32, #tpu.memory_space<vmem_shared>> -> memref<8x4096xf32, #tpu.memory_space<vmem_shared>>
      %dma_start3A_811 = arith.constant 0 : i32
      %dma_start3A_812 = tpu.memref_slice %arg3[%mul3A_4, %dma_start3A_811] : memref<128x4096xf32, #tpu.memory_space<hbm>> -> memref<8x4096xf32, #tpu.memory_space<hbm>>
      tpu.enqueue_dma source(%dma_start3A_812 : memref<8x4096xf32, #tpu.memory_space<hbm>>) target(%dma_start3A_810 : memref<8x4096xf32, #tpu.memory_space<vmem_shared>>) target_semaphore(%run_scoped3A : memref<!tpu.dma_semaphore, #tpu.memory_space<semaphore_mem>>)
      %dma_wait3A_813 = arith.constant 0 : i32
      %dma_wait3A_814 = tpu.memref_slice %arg7[%mul3A_6, %dma_wait3A_813] : memref<128x4096xf32, #tpu.memory_space<vmem_shared>> -> memref<8x4096xf32, #tpu.memory_space<vmem_shared>>
      %dma_wait3A_815 = arith.constant 0 : i32
      %dma_wait3A_816 = tpu.memref_slice %arg3[%mul3A_4, %dma_wait3A_815] : memref<128x4096xf32, #tpu.memory_space<hbm>> -> memref<8x4096xf32, #tpu.memory_space<hbm>>
      tpu.wait_dma2 semaphore(%run_scoped3A : memref<!tpu.dma_semaphore, #tpu.memory_space<semaphore_mem>>) src(%dma_wait3A_816 : memref<8x4096xf32, #tpu.memory_space<hbm>>) dst(%dma_wait3A_814 : memref<8x4096xf32, #tpu.memory_space<vmem_shared>>)
      tpu.yield
    }) : () -> ()
    "tpu.region"() ({
      %run_scoped3A = tpu.sem_alloc : memref<!tpu.dma_semaphore, #tpu.memory_space<semaphore_mem>>
      %dma_start3A_809 = arith.constant 0 : i32
      %dma_start3A_810 = tpu.memref_slice %arg5[%dma_start3A_809] : memref<264xi32, #tpu.memory_space<vmem>> -> memref<256xi32, #tpu.memory_space<vmem>>
      %dma_start3A_811 = tpu.memref_slice %arg2[%mul3A_2] : memref<8192xi32, #tpu.memory_space<hbm>> -> memref<256xi32, #tpu.memory_space<hbm>>
      %dma_start3A_812 = arith.constant 0 : i32
      %dma_start3A_813 = tpu.memref_slice %arg5[%dma_start3A_812] : memref<264xi32, #tpu.memory_space<vmem>> -> memref<256xi32, #tpu.memory_space<vmem>>
      %dma_start3A_814 = tpu.memref_slice %arg2[%mul3A_2] : memref<8192xi32, #tpu.memory_space<hbm>> -> memref<256xi32, #tpu.memory_space<hbm>>
      tpu.enqueue_dma source(%dma_start3A_814 : memref<256xi32, #tpu.memory_space<hbm>>) target(%dma_start3A_813 : memref<256xi32, #tpu.memory_space<vmem>>) target_semaphore(%run_scoped3A : memref<!tpu.dma_semaphore, #tpu.memory_space<semaphore_mem>>)
      %dma_wait3A_815 = arith.constant 0 : i32
      %dma_wait3A_816 = tpu.memref_slice %arg5[%dma_wait3A_815] : memref<264xi32, #tpu.memory_space<vmem>> -> memref<256xi32, #tpu.memory_space<vmem>>
      %dma_wait3A_817 = tpu.memref_slice %arg2[%mul3A_2] : memref<8192xi32, #tpu.memory_space<hbm>> -> memref<256xi32, #tpu.memory_space<hbm>>
      %dma_wait3A_818 = arith.constant 0 : i32
      %dma_wait3A_819 = tpu.memref_slice %arg5[%dma_wait3A_818] : memref<264xi32, #tpu.memory_space<vmem>> -> memref<256xi32, #tpu.memory_space<vmem>>
      %dma_wait3A_820 = tpu.memref_slice %arg2[%mul3A_2] : memref<8192xi32, #tpu.memory_space<hbm>> -> memref<256xi32, #tpu.memory_space<hbm>>
      tpu.wait_dma2 semaphore(%run_scoped3A : memref<!tpu.dma_semaphore, #tpu.memory_space<semaphore_mem>>) src(%dma_wait3A_820 : memref<256xi32, #tpu.memory_space<hbm>>) dst(%dma_wait3A_819 : memref<256xi32, #tpu.memory_space<vmem>>)
      tpu.yield
    }) : () -> ()
    %barrier3A = arith.constant 0 : index
    tpu.barrier barrier_id(%barrier3A)
    %get3A = arith.constant 0 : index
    %get3A_7 = tpu.vector_load %arg5[%get3A] {strides = array<i32>} : memref<264xi32, #tpu.memory_space<vmem>>, vector<16xi32>,
    %get3A_8 = vector.shape_cast %get3A_7 : vector<16xi32> to vector<16xi32>
    %slice3A = vector.extract_strided_slice %get3A_8 {offsets = [0], sizes = [1], strides = [1]} : vector<16xi32> to vector<1xi32>
    %squeeze3A = vector.extract %slice3A[0] : i32 from vector<1xi32>
    %dma_start3A = arith.constant 0 : i32
    %dma_start3A_9 = arith.constant 0 : i32
    %dma_start3A_10 = arith.constant 0 : i32
    %dma_start3A_11 = arith.constant 0 : i32
    %dma_start3A_12 = tpu.memref_slice %arg6[%dma_start3A, %dma_start3A_10, %dma_start3A_11] : memref<2x8x4096xf32, #tpu.memory_space<vmem>> -> memref<1x8x4096xf32, #tpu.memory_space<vmem>>
    %dma_start3A_13 = tpu.memref_squeeze %dma_start3A_12 : memref<1x8x4096xf32, #tpu.memory_space<vmem>> -> memref<8x4096xf32, #tpu.memory_space<vmem>>
    %dma_start3A_14 = arith.constant 0 : i32
    %dma_start3A_15 = tpu.memref_slice %dma_start3A_13[%dma_start3A_9, %dma_start3A_14] : memref<8x4096xf32, #tpu.memory_space<vmem>> -> memref<1x4096xf32, #tpu.memory_space<vmem>>
    %dma_start3A_16 = tpu.memref_squeeze %dma_start3A_15 : memref<1x4096xf32, #tpu.memory_space<vmem>> -> memref<4096xf32, #tpu.memory_space<vmem>>
    %dma_start3A_17 = arith.constant 0 : i32
    %dma_start3A_18 = tpu.memref_slice %arg7[%squeeze3A, %dma_start3A_17] : memref<128x4096xf32, #tpu.memory_space<vmem_shared>> -> memref<1x4096xf32, #tpu.memory_space<vmem_shared>>
    %dma_start3A_19 = tpu.memref_squeeze %dma_start3A_18 : memref<1x4096xf32, #tpu.memory_space<vmem_shared>> -> memref<4096xf32, #tpu.memory_space<vmem_shared>>
    %dma_start3A_20 = arith.constant 0 : i32
    %dma_start3A_21 = arith.constant 0 : i32
    %dma_start3A_22 = tpu.memref_slice %arg6[%dma_start3A, %dma_start3A_20, %dma_start3A_21] : memref<2x8x4096xf32, #tpu.memory_space<vmem>> -> memref<1x8x4096xf32, #tpu.memory_space<vmem>>
    %dma_start3A_23 = tpu.memref_squeeze %dma_start3A_22 : memref<1x8x4096xf32, #tpu.memory_space<vmem>> -> memref<8x4096xf32, #tpu.memory_space<vmem>>
    %dma_start3A_24 = arith.constant 0 : i32
    %dma_start3A_25 = tpu.memref_slice %dma_start3A_23[%dma_start3A_9, %dma_start3A_24] : memref<8x4096xf32, #tpu.memory_space<vmem>> -> memref<1x4096xf32, #tpu.memory_space<vmem>>
    %dma_start3A_26 = tpu.memref_squeeze %dma_start3A_25 : memref<1x4096xf32, #tpu.memory_space<vmem>> -> memref<4096xf32, #tpu.memory_space<vmem>>
    %dma_start3A_27 = arith.constant 0 : i32
    %dma_start3A_28 = tpu.memref_slice %arg7[%squeeze3A, %dma_start3A_27] : memref<128x4096xf32, #tpu.memory_space<vmem_shared>> -> memref<1x4096xf32, #tpu.memory_space<vmem_shared>>
    %dma_start3A_29 = tpu.memref_squeeze %dma_start3A_28 : memref<1x4096xf32, #tpu.memory_space<vmem_shared>> -> memref<4096xf32, #tpu.memory_space<vmem_shared>>
    tpu.enqueue_dma source(%dma_start3A_29 : memref<4096xf32, #tpu.memory_space<vmem_shared>>) target(%dma_start3A_26 : memref<4096xf32, #tpu.memory_space<vmem>>) target_semaphore(%arg8 : memref<!tpu.dma_semaphore, #tpu.memory_space<semaphore_mem>>)
    %slice3A_30 = vector.extract_strided_slice %get3A_8 {offsets = [1], sizes = [1], strides = [1]} : vector<16xi32> to vector<1xi32>
    %squeeze3A_31 = vector.extract %slice3A_30[0] : i32 from vector<1xi32>
    %dma_start3A_32 = arith.constant 0 : i32
    %dma_start3A_33 = arith.constant 1 : i32
    %dma_start3A_34 = arith.constant 0 : i32
    %dma_start3A_35 = arith.constant 0 : i32
    %dma_start3A_36 = tpu.memref_slice %arg6[%dma_start3A_32, %dma_start3A_34, %dma_start3A_35] : memref<2x8x4096xf32, #tpu.memory_space<vmem>> -> memref<1x8x4096xf32, #tpu.memory_space<vmem>>
    %dma_start3A_37 = tpu.memref_squeeze %dma_start3A_36 : memref<1x8x4096xf32, #tpu.memory_space<vmem>> -> memref<8x4096xf32, #tpu.memory_space<vmem>>
    %dma_start3A_38 = arith.constant 0 : i32
    %dma_start3A_39 = tpu.memref_slice %dma_start3A_37[%dma_start3A_33, %dma_start3A_38] : memref<8x4096xf32, #tpu.memory_space<vmem>> -> memref<1x4096xf32, #tpu.memory_space<vmem>>
    %dma_start3A_40 = tpu.memref_squeeze %dma_start3A_39 : memref<1x4096xf32, #tpu.memory_space<vmem>> -> memref<4096xf32, #tpu.memory_space<vmem>>
    %dma_start3A_41 = arith.constant 0 : i32
    %dma_start3A_42 = tpu.memref_slice %arg7[%squeeze3A_31, %dma_start3A_41] : memref<128x4096xf32, #tpu.memory_space<vmem_shared>> -> memref<1x4096xf32, #tpu.memory_space<vmem_shared>>
    %dma_start3A_43 = tpu.memref_squeeze %dma_start3A_42 : memref<1x4096xf32, #tpu.memory_space<vmem_shared>> -> memref<4096xf32, #tpu.memory_space<vmem_shared>>
    %dma_start3A_44 = arith.constant 0 : i32
    %dma_start3A_45 = arith.constant 0 : i32
    %dma_start3A_46 = tpu.memref_slice %arg6[%dma_start3A_32, %dma_start3A_44, %dma_start3A_45] : memref<2x8x4096xf32, #tpu.memory_space<vmem>> -> memref<1x8x4096xf32, #tpu.memory_space<vmem>>
    %dma_start3A_47 = tpu.memref_squeeze %dma_start3A_46 : memref<1x8x4096xf32, #tpu.memory_space<vmem>> -> memref<8x4096xf32, #tpu.memory_space<vmem>>
    %dma_start3A_48 = arith.constant 0 : i32
    %dma_start3A_49 = tpu.memref_slice %dma_start3A_47[%dma_start3A_33, %dma_start3A_48] : memref<8x4096xf32, #tpu.memory_space<vmem>> -> memref<1x4096xf32, #tpu.memory_space<vmem>>
    %dma_start3A_50 = tpu.memref_squeeze %dma_start3A_49 : memref<1x4096xf32, #tpu.memory_space<vmem>> -> memref<4096xf32, #tpu.memory_space<vmem>>
    %dma_start3A_51 = arith.constant 0 : i32
    %dma_start3A_52 = tpu.memref_slice %arg7[%squeeze3A_31, %dma_start3A_51] : memref<128x4096xf32, #tpu.memory_space<vmem_shared>> -> memref<1x4096xf32, #tpu.memory_space<vmem_shared>>
    %dma_start3A_53 = tpu.memref_squeeze %dma_start3A_52 : memref<1x4096xf32, #tpu.memory_space<vmem_shared>> -> memref<4096xf32, #tpu.memory_space<vmem_shared>>
    tpu.enqueue_dma source(%dma_start3A_53 : memref<4096xf32, #tpu.memory_space<vmem_shared>>) target(%dma_start3A_50 : memref<4096xf32, #tpu.memory_space<vmem>>) target_semaphore(%arg8 : memref<!tpu.dma_semaphore, #tpu.memory_space<semaphore_mem>>)
    %slice3A_54 = vector.extract_strided_slice %get3A_8 {offsets = [2], sizes = [1], strides = [1]} : vector<16xi32> to vector<1xi32>
    %squeeze3A_55 = vector.extract %slice3A_54[0] : i32 from vector<1xi32>
    %dma_start3A_56 = arith.constant 0 : i32
    %dma_start3A_57 = arith.constant 2 : i32
    %dma_start3A_58 = arith.constant 0 : i32
    %dma_start3A_59 = arith.constant 0 : i32
    %dma_start3A_60 = tpu.memref_slice %arg6[%dma_start3A_56, %dma_start3A_58, %dma_start3A_59] : memref<2x8x4096xf32, #tpu.memory_space<vmem>> -> memref<1x8x4096xf32, #tpu.memory_space<vmem>>
    %dma_start3A_61 = tpu.memref_squeeze %dma_start3A_60 : memref<1x8x4096xf32, #tpu.memory_space<vmem>> -> memref<8x4096xf32, #tpu.memory_space<vmem>>
    %dma_start3A_62 = arith.constant 0 : i32
    %dma_start3A_63 = tpu.memref_slice %dma_start3A_61[%dma_start3A_57, %dma_start3A_62] : memref<8x4096xf32, #tpu.memory_space<vmem>> -> memref<1x4096xf32, #tpu.memory_space<vmem>>
    %dma_start3A_64 = tpu.memref_squeeze %dma_start3A_63 : memref<1x4096xf32, #tpu.memory_space<vmem>> -> memref<4096xf32, #tpu.memory_space<vmem>>
    %dma_start3A_65 = arith.constant 0 : i32
    %dma_start3A_66 = tpu.memref_slice %arg7[%squeeze3A_55, %dma_start3A_65] : memref<128x4096xf32, #tpu.memory_space<vmem_shared>> -> memref<1x4096xf32, #tpu.memory_space<vmem_shared>>
    %dma_start3A_67 = tpu.memref_squeeze %dma_start3A_66 : memref<1x4096xf32, #tpu.memory_space<vmem_shared>> -> memref<4096xf32, #tpu.memory_space<vmem_shared>>
    %dma_start3A_68 = arith.constant 0 : i32
    %dma_start3A_69 = arith.constant 0 : i32
    %dma_start3A_70 = tpu.memref_slice %arg6[%dma_start3A_56, %dma_start3A_68, %dma_start3A_69] : memref<2x8x4096xf32, #tpu.memory_space<vmem>> -> memref<1x8x4096xf32, #tpu.memory_space<vmem>>
    %dma_start3A_71 = tpu.memref_squeeze %dma_start3A_70 : memref<1x8x4096xf32, #tpu.memory_space<vmem>> -> memref<8x4096xf32, #tpu.memory_space<vmem>>
    %dma_start3A_72 = arith.constant 0 : i32
    %dma_start3A_73 = tpu.memref_slice %dma_start3A_71[%dma_start3A_57, %dma_start3A_72] : memref<8x4096xf32, #tpu.memory_space<vmem>> -> memref<1x4096xf32, #tpu.memory_space<vmem>>
    %dma_start3A_74 = tpu.memref_squeeze %dma_start3A_73 : memref<1x4096xf32, #tpu.memory_space<vmem>> -> memref<4096xf32, #tpu.memory_space<vmem>>
    %dma_start3A_75 = arith.constant 0 : i32
    %dma_start3A_76 = tpu.memref_slice %arg7[%squeeze3A_55, %dma_start3A_75] : memref<128x4096xf32, #tpu.memory_space<vmem_shared>> -> memref<1x4096xf32, #tpu.memory_space<vmem_shared>>
    %dma_start3A_77 = tpu.memref_squeeze %dma_start3A_76 : memref<1x4096xf32, #tpu.memory_space<vmem_shared>> -> memref<4096xf32, #tpu.memory_space<vmem_shared>>
    tpu.enqueue_dma source(%dma_start3A_77 : memref<4096xf32, #tpu.memory_space<vmem_shared>>) target(%dma_start3A_74 : memref<4096xf32, #tpu.memory_space<vmem>>) target_semaphore(%arg8 : memref<!tpu.dma_semaphore, #tpu.memory_space<semaphore_mem>>)
    %slice3A_78 = vector.extract_strided_slice %get3A_8 {offsets = [3], sizes = [1], strides = [1]} : vector<16xi32> to vector<1xi32>
    %squeeze3A_79 = vector.extract %slice3A_78[0] : i32 from vector<1xi32>
    %dma_start3A_80 = arith.constant 0 : i32
    %dma_start3A_81 = arith.constant 3 : i32
    %dma_start3A_82 = arith.constant 0 : i32
    %dma_start3A_83 = arith.constant 0 : i32
    %dma_start3A_84 = tpu.memref_slice %arg6[%dma_start3A_80, %dma_start3A_82, %dma_start3A_83] : memref<2x8x4096xf32, #tpu.memory_space<vmem>> -> memref<1x8x4096xf32, #tpu.memory_space<vmem>>
    %dma_start3A_85 = tpu.memref_squeeze %dma_start3A_84 : memref<1x8x4096xf32, #tpu.memory_space<vmem>> -> memref<8x4096xf32, #tpu.memory_space<vmem>>
    %dma_start3A_86 = arith.constant 0 : i32
    %dma_start3A_87 = tpu.memref_slice %dma_start3A_85[%dma_start3A_81, %dma_start3A_86] : memref<8x4096xf32, #tpu.memory_space<vmem>> -> memref<1x4096xf32, #tpu.memory_space<vmem>>
    %dma_start3A_88 = tpu.memref_squeeze %dma_start3A_87 : memref<1x4096xf32, #tpu.memory_space<vmem>> -> memref<4096xf32, #tpu.memory_space<vmem>>
    %dma_start3A_89 = arith.constant 0 : i32
    %dma_start3A_90 = tpu.memref_slice %arg7[%squeeze3A_79, %dma_start3A_89] : memref<128x4096xf32, #tpu.memory_space<vmem_shared>> -> memref<1x4096xf32, #tpu.memory_space<vmem_shared>>
    %dma_start3A_91 = tpu.memref_squeeze %dma_start3A_90 : memref<1x4096xf32, #tpu.memory_space<vmem_shared>> -> memref<4096xf32, #tpu.memory_space<vmem_shared>>
    %dma_start3A_92 = arith.constant 0 : i32
    %dma_start3A_93 = arith.constant 0 : i32
    %dma_start3A_94 = tpu.memref_slice %arg6[%dma_start3A_80, %dma_start3A_92, %dma_start3A_93] : memref<2x8x4096xf32, #tpu.memory_space<vmem>> -> memref<1x8x4096xf32, #tpu.memory_space<vmem>>
    %dma_start3A_95 = tpu.memref_squeeze %dma_start3A_94 : memref<1x8x4096xf32, #tpu.memory_space<vmem>> -> memref<8x4096xf32, #tpu.memory_space<vmem>>
    %dma_start3A_96 = arith.constant 0 : i32
    %dma_start3A_97 = tpu.memref_slice %dma_start3A_95[%dma_start3A_81, %dma_start3A_96] : memref<8x4096xf32, #tpu.memory_space<vmem>> -> memref<1x4096xf32, #tpu.memory_space<vmem>>
    %dma_start3A_98 = tpu.memref_squeeze %dma_start3A_97 : memref<1x4096xf32, #tpu.memory_space<vmem>> -> memref<4096xf32, #tpu.memory_space<vmem>>
    %dma_start3A_99 = arith.constant 0 : i32
    %dma_start3A_100 = tpu.memref_slice %arg7[%squeeze3A_79, %dma_start3A_99] : memref<128x4096xf32, #tpu.memory_space<vmem_shared>> -> memref<1x4096xf32, #tpu.memory_space<vmem_shared>>
    %dma_start3A_101 = tpu.memref_squeeze %dma_start3A_100 : memref<1x4096xf32, #tpu.memory_space<vmem_shared>> -> memref<4096xf32, #tpu.memory_space<vmem_shared>>
    tpu.enqueue_dma source(%dma_start3A_101 : memref<4096xf32, #tpu.memory_space<vmem_shared>>) target(%dma_start3A_98 : memref<4096xf32, #tpu.memory_space<vmem>>) target_semaphore(%arg8 : memref<!tpu.dma_semaphore, #tpu.memory_space<semaphore_mem>>)
    %slice3A_102 = vector.extract_strided_slice %get3A_8 {offsets = [4], sizes = [1], strides = [1]} : vector<16xi32> to vector<1xi32>
    %squeeze3A_103 = vector.extract %slice3A_102[0] : i32 from vector<1xi32>
    %dma_start3A_104 = arith.constant 0 : i32
    %dma_start3A_105 = arith.constant 4 : i32
    %dma_start3A_106 = arith.constant 0 : i32
    %dma_start3A_107 = arith.constant 0 : i32
    %dma_start3A_108 = tpu.memref_slice %arg6[%dma_start3A_104, %dma_start3A_106, %dma_start3A_107] : memref<2x8x4096xf32, #tpu.memory_space<vmem>> -> memref<1x8x4096xf32, #tpu.memory_space<vmem>>
    %dma_start3A_109 = tpu.memref_squeeze %dma_start3A_108 : memref<1x8x4096xf32, #tpu.memory_space<vmem>> -> memref<8x4096xf32, #tpu.memory_space<vmem>>
    %dma_start3A_110 = arith.constant 0 : i32
    %dma_start3A_111 = tpu.memref_slice %dma_start3A_109[%dma_start3A_105, %dma_start3A_110] : memref<8x4096xf32, #tpu.memory_space<vmem>> -> memref<1x4096xf32, #tpu.memory_space<vmem>>
    %dma_start3A_112 = tpu.memref_squeeze %dma_start3A_111 : memref<1x4096xf32, #tpu.memory_space<vmem>> -> memref<4096xf32, #tpu.memory_space<vmem>>
    %dma_start3A_113 = arith.constant 0 : i32
    %dma_start3A_114 = tpu.memref_slice %arg7[%squeeze3A_103, %dma_start3A_113] : memref<128x4096xf32, #tpu.memory_space<vmem_shared>> -> memref<1x4096xf32, #tpu.memory_space<vmem_shared>>
    %dma_start3A_115 = tpu.memref_squeeze %dma_start3A_114 : memref<1x4096xf32, #tpu.memory_space<vmem_shared>> -> memref<4096xf32, #tpu.memory_space<vmem_shared>>
    %dma_start3A_116 = arith.constant 0 : i32
    %dma_start3A_117 = arith.constant 0 : i32
    %dma_start3A_118 = tpu.memref_slice %arg6[%dma_start3A_104, %dma_start3A_116, %dma_start3A_117] : memref<2x8x4096xf32, #tpu.memory_space<vmem>> -> memref<1x8x4096xf32, #tpu.memory_space<vmem>>
    %dma_start3A_119 = tpu.memref_squeeze %dma_start3A_118 : memref<1x8x4096xf32, #tpu.memory_space<vmem>> -> memref<8x4096xf32, #tpu.memory_space<vmem>>
    %dma_start3A_120 = arith.constant 0 : i32
    %dma_start3A_121 = tpu.memref_slice %dma_start3A_119[%dma_start3A_105, %dma_start3A_120] : memref<8x4096xf32, #tpu.memory_space<vmem>> -> memref<1x4096xf32, #tpu.memory_space<vmem>>
    %dma_start3A_122 = tpu.memref_squeeze %dma_start3A_121 : memref<1x4096xf32, #tpu.memory_space<vmem>> -> memref<4096xf32, #tpu.memory_space<vmem>>
    %dma_start3A_123 = arith.constant 0 : i32
    %dma_start3A_124 = tpu.memref_slice %arg7[%squeeze3A_103, %dma_start3A_123] : memref<128x4096xf32, #tpu.memory_space<vmem_shared>> -> memref<1x4096xf32, #tpu.memory_space<vmem_shared>>
    %dma_start3A_125 = tpu.memref_squeeze %dma_start3A_124 : memref<1x4096xf32, #tpu.memory_space<vmem_shared>> -> memref<4096xf32, #tpu.memory_space<vmem_shared>>
    tpu.enqueue_dma source(%dma_start3A_125 : memref<4096xf32, #tpu.memory_space<vmem_shared>>) target(%dma_start3A_122 : memref<4096xf32, #tpu.memory_space<vmem>>) target_semaphore(%arg8 : memref<!tpu.dma_semaphore, #tpu.memory_space<semaphore_mem>>)
    %slice3A_126 = vector.extract_strided_slice %get3A_8 {offsets = [5], sizes = [1], strides = [1]} : vector<16xi32> to vector<1xi32>
    %squeeze3A_127 = vector.extract %slice3A_126[0] : i32 from vector<1xi32>
    %dma_start3A_128 = arith.constant 0 : i32
    %dma_start3A_129 = arith.constant 5 : i32
    %dma_start3A_130 = arith.constant 0 : i32
    %dma_start3A_131 = arith.constant 0 : i32
    %dma_start3A_132 = tpu.memref_slice %arg6[%dma_start3A_128, %dma_start3A_130, %dma_start3A_131] : memref<2x8x4096xf32, #tpu.memory_space<vmem>> -> memref<1x8x4096xf32, #tpu.memory_space<vmem>>
    %dma_start3A_133 = tpu.memref_squeeze %dma_start3A_132 : memref<1x8x4096xf32, #tpu.memory_space<vmem>> -> memref<8x4096xf32, #tpu.memory_space<vmem>>
    %dma_start3A_134 = arith.constant 0 : i32
    %dma_start3A_135 = tpu.memref_slice %dma_start3A_133[%dma_start3A_129, %dma_start3A_134] : memref<8x4096xf32, #tpu.memory_space<vmem>> -> memref<1x4096xf32, #tpu.memory_space<vmem>>
    %dma_start3A_136 = tpu.memref_squeeze %dma_start3A_135 : memref<1x4096xf32, #tpu.memory_space<vmem>> -> memref<4096xf32, #tpu.memory_space<vmem>>
    %dma_start3A_137 = arith.constant 0 : i32
    %dma_start3A_138 = tpu.memref_slice %arg7[%squeeze3A_127, %dma_start3A_137] : memref<128x4096xf32, #tpu.memory_space<vmem_shared>> -> memref<1x4096xf32, #tpu.memory_space<vmem_shared>>
    %dma_start3A_139 = tpu.memref_squeeze %dma_start3A_138 : memref<1x4096xf32, #tpu.memory_space<vmem_shared>> -> memref<4096xf32, #tpu.memory_space<vmem_shared>>
    %dma_start3A_140 = arith.constant 0 : i32
    %dma_start3A_141 = arith.constant 0 : i32
    %dma_start3A_142 = tpu.memref_slice %arg6[%dma_start3A_128, %dma_start3A_140, %dma_start3A_141] : memref<2x8x4096xf32, #tpu.memory_space<vmem>> -> memref<1x8x4096xf32, #tpu.memory_space<vmem>>
    %dma_start3A_143 = tpu.memref_squeeze %dma_start3A_142 : memref<1x8x4096xf32, #tpu.memory_space<vmem>> -> memref<8x4096xf32, #tpu.memory_space<vmem>>
    %dma_start3A_144 = arith.constant 0 : i32
    %dma_start3A_145 = tpu.memref_slice %dma_start3A_143[%dma_start3A_129, %dma_start3A_144] : memref<8x4096xf32, #tpu.memory_space<vmem>> -> memref<1x4096xf32, #tpu.memory_space<vmem>>
    %dma_start3A_146 = tpu.memref_squeeze %dma_start3A_145 : memref<1x4096xf32, #tpu.memory_space<vmem>> -> memref<4096xf32, #tpu.memory_space<vmem>>
    %dma_start3A_147 = arith.constant 0 : i32
    %dma_start3A_148 = tpu.memref_slice %arg7[%squeeze3A_127, %dma_start3A_147] : memref<128x4096xf32, #tpu.memory_space<vmem_shared>> -> memref<1x4096xf32, #tpu.memory_space<vmem_shared>>
    %dma_start3A_149 = tpu.memref_squeeze %dma_start3A_148 : memref<1x4096xf32, #tpu.memory_space<vmem_shared>> -> memref<4096xf32, #tpu.memory_space<vmem_shared>>
    tpu.enqueue_dma source(%dma_start3A_149 : memref<4096xf32, #tpu.memory_space<vmem_shared>>) target(%dma_start3A_146 : memref<4096xf32, #tpu.memory_space<vmem>>) target_semaphore(%arg8 : memref<!tpu.dma_semaphore, #tpu.memory_space<semaphore_mem>>)
    %slice3A_150 = vector.extract_strided_slice %get3A_8 {offsets = [6], sizes = [1], strides = [1]} : vector<16xi32> to vector<1xi32>
    %squeeze3A_151 = vector.extract %slice3A_150[0] : i32 from vector<1xi32>
    %dma_start3A_152 = arith.constant 0 : i32
    %dma_start3A_153 = arith.constant 6 : i32
    %dma_start3A_154 = arith.constant 0 : i32
    %dma_start3A_155 = arith.constant 0 : i32
    %dma_start3A_156 = tpu.memref_slice %arg6[%dma_start3A_152, %dma_start3A_154, %dma_start3A_155] : memref<2x8x4096xf32, #tpu.memory_space<vmem>> -> memref<1x8x4096xf32, #tpu.memory_space<vmem>>
    %dma_start3A_157 = tpu.memref_squeeze %dma_start3A_156 : memref<1x8x4096xf32, #tpu.memory_space<vmem>> -> memref<8x4096xf32, #tpu.memory_space<vmem>>
    %dma_start3A_158 = arith.constant 0 : i32
    %dma_start3A_159 = tpu.memref_slice %dma_start3A_157[%dma_start3A_153, %dma_start3A_158] : memref<8x4096xf32, #tpu.memory_space<vmem>> -> memref<1x4096xf32, #tpu.memory_space<vmem>>
    %dma_start3A_160 = tpu.memref_squeeze %dma_start3A_159 : memref<1x4096xf32, #tpu.memory_space<vmem>> -> memref<4096xf32, #tpu.memory_space<vmem>>
    %dma_start3A_161 = arith.constant 0 : i32
    %dma_start3A_162 = tpu.memref_slice %arg7[%squeeze3A_151, %dma_start3A_161] : memref<128x4096xf32, #tpu.memory_space<vmem_shared>> -> memref<1x4096xf32, #tpu.memory_space<vmem_shared>>
    %dma_start3A_163 = tpu.memref_squeeze %dma_start3A_162 : memref<1x4096xf32, #tpu.memory_space<vmem_shared>> -> memref<4096xf32, #tpu.memory_space<vmem_shared>>
    %dma_start3A_164 = arith.constant 0 : i32
    %dma_start3A_165 = arith.constant 0 : i32
    %dma_start3A_166 = tpu.memref_slice %arg6[%dma_start3A_152, %dma_start3A_164, %dma_start3A_165] : memref<2x8x4096xf32, #tpu.memory_space<vmem>> -> memref<1x8x4096xf32, #tpu.memory_space<vmem>>
    %dma_start3A_167 = tpu.memref_squeeze %dma_start3A_166 : memref<1x8x4096xf32, #tpu.memory_space<vmem>> -> memref<8x4096xf32, #tpu.memory_space<vmem>>
    %dma_start3A_168 = arith.constant 0 : i32
    %dma_start3A_169 = tpu.memref_slice %dma_start3A_167[%dma_start3A_153, %dma_start3A_168] : memref<8x4096xf32, #tpu.memory_space<vmem>> -> memref<1x4096xf32, #tpu.memory_space<vmem>>
    %dma_start3A_170 = tpu.memref_squeeze %dma_start3A_169 : memref<1x4096xf32, #tpu.memory_space<vmem>> -> memref<4096xf32, #tpu.memory_space<vmem>>
    %dma_start3A_171 = arith.constant 0 : i32
    %dma_start3A_172 = tpu.memref_slice %arg7[%squeeze3A_151, %dma_start3A_171] : memref<128x4096xf32, #tpu.memory_space<vmem_shared>> -> memref<1x4096xf32, #tpu.memory_space<vmem_shared>>
    %dma_start3A_173 = tpu.memref_squeeze %dma_start3A_172 : memref<1x4096xf32, #tpu.memory_space<vmem_shared>> -> memref<4096xf32, #tpu.memory_space<vmem_shared>>
    tpu.enqueue_dma source(%dma_start3A_173 : memref<4096xf32, #tpu.memory_space<vmem_shared>>) target(%dma_start3A_170 : memref<4096xf32, #tpu.memory_space<vmem>>) target_semaphore(%arg8 : memref<!tpu.dma_semaphore, #tpu.memory_space<semaphore_mem>>)
    %slice3A_174 = vector.extract_strided_slice %get3A_8 {offsets = [7], sizes = [1], strides = [1]} : vector<16xi32> to vector<1xi32>
    %squeeze3A_175 = vector.extract %slice3A_174[0] : i32 from vector<1xi32>
    %dma_start3A_176 = arith.constant 0 : i32
    %dma_start3A_177 = arith.constant 7 : i32
    %dma_start3A_178 = arith.constant 0 : i32
    %dma_start3A_179 = arith.constant 0 : i32
    %dma_start3A_180 = tpu.memref_slice %arg6[%dma_start3A_176, %dma_start3A_178, %dma_start3A_179] : memref<2x8x4096xf32, #tpu.memory_space<vmem>> -> memref<1x8x4096xf32, #tpu.memory_space<vmem>>
    %dma_start3A_181 = tpu.memref_squeeze %dma_start3A_180 : memref<1x8x4096xf32, #tpu.memory_space<vmem>> -> memref<8x4096xf32, #tpu.memory_space<vmem>>
    %dma_start3A_182 = arith.constant 0 : i32
    %dma_start3A_183 = tpu.memref_slice %dma_start3A_181[%dma_start3A_177, %dma_start3A_182] : memref<8x4096xf32, #tpu.memory_space<vmem>> -> memref<1x4096xf32, #tpu.memory_space<vmem>>
    %dma_start3A_184 = tpu.memref_squeeze %dma_start3A_183 : memref<1x4096xf32, #tpu.memory_space<vmem>> -> memref<4096xf32, #tpu.memory_space<vmem>>
    %dma_start3A_185 = arith.constant 0 : i32
    %dma_start3A_186 = tpu.memref_slice %arg7[%squeeze3A_175, %dma_start3A_185] : memref<128x4096xf32, #tpu.memory_space<vmem_shared>> -> memref<1x4096xf32, #tpu.memory_space<vmem_shared>>
    %dma_start3A_187 = tpu.memref_squeeze %dma_start3A_186 : memref<1x4096xf32, #tpu.memory_space<vmem_shared>> -> memref<4096xf32, #tpu.memory_space<vmem_shared>>
    %dma_start3A_188 = arith.constant 0 : i32
    %dma_start3A_189 = arith.constant 0 : i32
    %dma_start3A_190 = tpu.memref_slice %arg6[%dma_start3A_176, %dma_start3A_188, %dma_start3A_189] : memref<2x8x4096xf32, #tpu.memory_space<vmem>> -> memref<1x8x4096xf32, #tpu.memory_space<vmem>>
    %dma_start3A_191 = tpu.memref_squeeze %dma_start3A_190 : memref<1x8x4096xf32, #tpu.memory_space<vmem>> -> memref<8x4096xf32, #tpu.memory_space<vmem>>
    %dma_start3A_192 = arith.constant 0 : i32
    %dma_start3A_193 = tpu.memref_slice %dma_start3A_191[%dma_start3A_177, %dma_start3A_192] : memref<8x4096xf32, #tpu.memory_space<vmem>> -> memref<1x4096xf32, #tpu.memory_space<vmem>>
    %dma_start3A_194 = tpu.memref_squeeze %dma_start3A_193 : memref<1x4096xf32, #tpu.memory_space<vmem>> -> memref<4096xf32, #tpu.memory_space<vmem>>
    %dma_start3A_195 = arith.constant 0 : i32
    %dma_start3A_196 = tpu.memref_slice %arg7[%squeeze3A_175, %dma_start3A_195] : memref<128x4096xf32, #tpu.memory_space<vmem_shared>> -> memref<1x4096xf32, #tpu.memory_space<vmem_shared>>
    %dma_start3A_197 = tpu.memref_squeeze %dma_start3A_196 : memref<1x4096xf32, #tpu.memory_space<vmem_shared>> -> memref<4096xf32, #tpu.memory_space<vmem_shared>>
    tpu.enqueue_dma source(%dma_start3A_197 : memref<4096xf32, #tpu.memory_space<vmem_shared>>) target(%dma_start3A_194 : memref<4096xf32, #tpu.memory_space<vmem>>) target_semaphore(%arg8 : memref<!tpu.dma_semaphore, #tpu.memory_space<semaphore_mem>>)
    %dma_wait3A = arith.constant 0 : i32
    %dma_wait3A_198 = arith.constant 0 : i32
    %dma_wait3A_199 = arith.constant 0 : i32
    %dma_wait3A_200 = arith.constant 0 : i32
    %dma_wait3A_201 = tpu.memref_slice %arg6[%dma_wait3A, %dma_wait3A_199, %dma_wait3A_200] : memref<2x8x4096xf32, #tpu.memory_space<vmem>> -> memref<1x8x4096xf32, #tpu.memory_space<vmem>>
    %dma_wait3A_202 = tpu.memref_squeeze %dma_wait3A_201 : memref<1x8x4096xf32, #tpu.memory_space<vmem>> -> memref<8x4096xf32, #tpu.memory_space<vmem>>
    %dma_wait3A_203 = arith.constant 0 : i32
    %dma_wait3A_204 = tpu.memref_slice %dma_wait3A_202[%dma_wait3A_198, %dma_wait3A_203] : memref<8x4096xf32, #tpu.memory_space<vmem>> -> memref<1x4096xf32, #tpu.memory_space<vmem>>
    %dma_wait3A_205 = tpu.memref_squeeze %dma_wait3A_204 : memref<1x4096xf32, #tpu.memory_space<vmem>> -> memref<4096xf32, #tpu.memory_space<vmem>>
    %dma_wait3A_206 = arith.constant 0 : i32
    %dma_wait3A_207 = tpu.memref_slice %arg7[%squeeze3A, %dma_wait3A_206] : memref<128x4096xf32, #tpu.memory_space<vmem_shared>> -> memref<1x4096xf32, #tpu.memory_space<vmem_shared>>
    %dma_wait3A_208 = tpu.memref_squeeze %dma_wait3A_207 : memref<1x4096xf32, #tpu.memory_space<vmem_shared>> -> memref<4096xf32, #tpu.memory_space<vmem_shared>>
    %dma_wait3A_209 = arith.constant 0 : i32
    %dma_wait3A_210 = arith.constant 0 : i32
    %dma_wait3A_211 = tpu.memref_slice %arg6[%dma_wait3A, %dma_wait3A_209, %dma_wait3A_210] : memref<2x8x4096xf32, #tpu.memory_space<vmem>> -> memref<1x8x4096xf32, #tpu.memory_space<vmem>>
    %dma_wait3A_212 = tpu.memref_squeeze %dma_wait3A_211 : memref<1x8x4096xf32, #tpu.memory_space<vmem>> -> memref<8x4096xf32, #tpu.memory_space<vmem>>
    %dma_wait3A_213 = arith.constant 0 : i32
    %dma_wait3A_214 = tpu.memref_slice %dma_wait3A_212[%dma_wait3A_198, %dma_wait3A_213] : memref<8x4096xf32, #tpu.memory_space<vmem>> -> memref<1x4096xf32, #tpu.memory_space<vmem>>
    %dma_wait3A_215 = tpu.memref_squeeze %dma_wait3A_214 : memref<1x4096xf32, #tpu.memory_space<vmem>> -> memref<4096xf32, #tpu.memory_space<vmem>>
    %dma_wait3A_216 = arith.constant 0 : i32
    %dma_wait3A_217 = tpu.memref_slice %arg7[%squeeze3A, %dma_wait3A_216] : memref<128x4096xf32, #tpu.memory_space<vmem_shared>> -> memref<1x4096xf32, #tpu.memory_space<vmem_shared>>
    %dma_wait3A_218 = tpu.memref_squeeze %dma_wait3A_217 : memref<1x4096xf32, #tpu.memory_space<vmem_shared>> -> memref<4096xf32, #tpu.memory_space<vmem_shared>>
    tpu.wait_dma2 semaphore(%arg8 : memref<!tpu.dma_semaphore, #tpu.memory_space<semaphore_mem>>) src(%dma_wait3A_218 : memref<4096xf32, #tpu.memory_space<vmem_shared>>) dst(%dma_wait3A_215 : memref<4096xf32, #tpu.memory_space<vmem>>)
    %dma_wait3A_219 = arith.constant 0 : i32
    %dma_wait3A_220 = arith.constant 1 : i32
    %dma_wait3A_221 = arith.constant 0 : i32
    %dma_wait3A_222 = arith.constant 0 : i32
    %dma_wait3A_223 = tpu.memref_slice %arg6[%dma_wait3A_219, %dma_wait3A_221, %dma_wait3A_222] : memref<2x8x4096xf32, #tpu.memory_space<vmem>> -> memref<1x8x4096xf32, #tpu.memory_space<vmem>>
    %dma_wait3A_224 = tpu.memref_squeeze %dma_wait3A_223 : memref<1x8x4096xf32, #tpu.memory_space<vmem>> -> memref<8x4096xf32, #tpu.memory_space<vmem>>
    %dma_wait3A_225 = arith.constant 0 : i32
    %dma_wait3A_226 = tpu.memref_slice %dma_wait3A_224[%dma_wait3A_220, %dma_wait3A_225] : memref<8x4096xf32, #tpu.memory_space<vmem>> -> memref<1x4096xf32, #tpu.memory_space<vmem>>
    %dma_wait3A_227 = tpu.memref_squeeze %dma_wait3A_226 : memref<1x4096xf32, #tpu.memory_space<vmem>> -> memref<4096xf32, #tpu.memory_space<vmem>>
    %dma_wait3A_228 = arith.constant 0 : i32
    %dma_wait3A_229 = tpu.memref_slice %arg7[%squeeze3A_31, %dma_wait3A_228] : memref<128x4096xf32, #tpu.memory_space<vmem_shared>> -> memref<1x4096xf32, #tpu.memory_space<vmem_shared>>
    %dma_wait3A_230 = tpu.memref_squeeze %dma_wait3A_229 : memref<1x4096xf32, #tpu.memory_space<vmem_shared>> -> memref<4096xf32, #tpu.memory_space<vmem_shared>>
    %dma_wait3A_231 = arith.constant 0 : i32
    %dma_wait3A_232 = arith.constant 0 : i32
    %dma_wait3A_233 = tpu.memref_slice %arg6[%dma_wait3A_219, %dma_wait3A_231, %dma_wait3A_232] : memref<2x8x4096xf32, #tpu.memory_space<vmem>> -> memref<1x8x4096xf32, #tpu.memory_space<vmem>>
    %dma_wait3A_234 = tpu.memref_squeeze %dma_wait3A_233 : memref<1x8x4096xf32, #tpu.memory_space<vmem>> -> memref<8x4096xf32, #tpu.memory_space<vmem>>
    %dma_wait3A_235 = arith.constant 0 : i32
    %dma_wait3A_236 = tpu.memref_slice %dma_wait3A_234[%dma_wait3A_220, %dma_wait3A_235] : memref<8x4096xf32, #tpu.memory_space<vmem>> -> memref<1x4096xf32, #tpu.memory_space<vmem>>
    %dma_wait3A_237 = tpu.memref_squeeze %dma_wait3A_236 : memref<1x4096xf32, #tpu.memory_space<vmem>> -> memref<4096xf32, #tpu.memory_space<vmem>>
    %dma_wait3A_238 = arith.constant 0 : i32
    %dma_wait3A_239 = tpu.memref_slice %arg7[%squeeze3A_31, %dma_wait3A_238] : memref<128x4096xf32, #tpu.memory_space<vmem_shared>> -> memref<1x4096xf32, #tpu.memory_space<vmem_shared>>
    %dma_wait3A_240 = tpu.memref_squeeze %dma_wait3A_239 : memref<1x4096xf32, #tpu.memory_space<vmem_shared>> -> memref<4096xf32, #tpu.memory_space<vmem_shared>>
    tpu.wait_dma2 semaphore(%arg8 : memref<!tpu.dma_semaphore, #tpu.memory_space<semaphore_mem>>) src(%dma_wait3A_240 : memref<4096xf32, #tpu.memory_space<vmem_shared>>) dst(%dma_wait3A_237 : memref<4096xf32, #tpu.memory_space<vmem>>)
    %dma_wait3A_241 = arith.constant 0 : i32
    %dma_wait3A_242 = arith.constant 2 : i32
    %dma_wait3A_243 = arith.constant 0 : i32
    %dma_wait3A_244 = arith.constant 0 : i32
    %dma_wait3A_245 = tpu.memref_slice %arg6[%dma_wait3A_241, %dma_wait3A_243, %dma_wait3A_244] : memref<2x8x4096xf32, #tpu.memory_space<vmem>> -> memref<1x8x4096xf32, #tpu.memory_space<vmem>>
    %dma_wait3A_246 = tpu.memref_squeeze %dma_wait3A_245 : memref<1x8x4096xf32, #tpu.memory_space<vmem>> -> memref<8x4096xf32, #tpu.memory_space<vmem>>
    %dma_wait3A_247 = arith.constant 0 : i32
    %dma_wait3A_248 = tpu.memref_slice %dma_wait3A_246[%dma_wait3A_242, %dma_wait3A_247] : memref<8x4096xf32, #tpu.memory_space<vmem>> -> memref<1x4096xf32, #tpu.memory_space<vmem>>
    %dma_wait3A_249 = tpu.memref_squeeze %dma_wait3A_248 : memref<1x4096xf32, #tpu.memory_space<vmem>> -> memref<4096xf32, #tpu.memory_space<vmem>>
    %dma_wait3A_250 = arith.constant 0 : i32
    %dma_wait3A_251 = tpu.memref_slice %arg7[%squeeze3A_55, %dma_wait3A_250] : memref<128x4096xf32, #tpu.memory_space<vmem_shared>> -> memref<1x4096xf32, #tpu.memory_space<vmem_shared>>
    %dma_wait3A_252 = tpu.memref_squeeze %dma_wait3A_251 : memref<1x4096xf32, #tpu.memory_space<vmem_shared>> -> memref<4096xf32, #tpu.memory_space<vmem_shared>>
    %dma_wait3A_253 = arith.constant 0 : i32
    %dma_wait3A_254 = arith.constant 0 : i32
    %dma_wait3A_255 = tpu.memref_slice %arg6[%dma_wait3A_241, %dma_wait3A_253, %dma_wait3A_254] : memref<2x8x4096xf32, #tpu.memory_space<vmem>> -> memref<1x8x4096xf32, #tpu.memory_space<vmem>>
    %dma_wait3A_256 = tpu.memref_squeeze %dma_wait3A_255 : memref<1x8x4096xf32, #tpu.memory_space<vmem>> -> memref<8x4096xf32, #tpu.memory_space<vmem>>
    %dma_wait3A_257 = arith.constant 0 : i32
    %dma_wait3A_258 = tpu.memref_slice %dma_wait3A_256[%dma_wait3A_242, %dma_wait3A_257] : memref<8x4096xf32, #tpu.memory_space<vmem>> -> memref<1x4096xf32, #tpu.memory_space<vmem>>
    %dma_wait3A_259 = tpu.memref_squeeze %dma_wait3A_258 : memref<1x4096xf32, #tpu.memory_space<vmem>> -> memref<4096xf32, #tpu.memory_space<vmem>>
    %dma_wait3A_260 = arith.constant 0 : i32
    %dma_wait3A_261 = tpu.memref_slice %arg7[%squeeze3A_55, %dma_wait3A_260] : memref<128x4096xf32, #tpu.memory_space<vmem_shared>> -> memref<1x4096xf32, #tpu.memory_space<vmem_shared>>
    %dma_wait3A_262 = tpu.memref_squeeze %dma_wait3A_261 : memref<1x4096xf32, #tpu.memory_space<vmem_shared>> -> memref<4096xf32, #tpu.memory_space<vmem_shared>>
    tpu.wait_dma2 semaphore(%arg8 : memref<!tpu.dma_semaphore, #tpu.memory_space<semaphore_mem>>) src(%dma_wait3A_262 : memref<4096xf32, #tpu.memory_space<vmem_shared>>) dst(%dma_wait3A_259 : memref<4096xf32, #tpu.memory_space<vmem>>)
    %dma_wait3A_263 = arith.constant 0 : i32
    %dma_wait3A_264 = arith.constant 3 : i32
    %dma_wait3A_265 = arith.constant 0 : i32
    %dma_wait3A_266 = arith.constant 0 : i32
    %dma_wait3A_267 = tpu.memref_slice %arg6[%dma_wait3A_263, %dma_wait3A_265, %dma_wait3A_266] : memref<2x8x4096xf32, #tpu.memory_space<vmem>> -> memref<1x8x4096xf32, #tpu.memory_space<vmem>>
    %dma_wait3A_268 = tpu.memref_squeeze %dma_wait3A_267 : memref<1x8x4096xf32, #tpu.memory_space<vmem>> -> memref<8x4096xf32, #tpu.memory_space<vmem>>
    %dma_wait3A_269 = arith.constant 0 : i32
    %dma_wait3A_270 = tpu.memref_slice %dma_wait3A_268[%dma_wait3A_264, %dma_wait3A_269] : memref<8x4096xf32, #tpu.memory_space<vmem>> -> memref<1x4096xf32, #tpu.memory_space<vmem>>
    %dma_wait3A_271 = tpu.memref_squeeze %dma_wait3A_270 : memref<1x4096xf32, #tpu.memory_space<vmem>> -> memref<4096xf32, #tpu.memory_space<vmem>>
    %dma_wait3A_272 = arith.constant 0 : i32
    %dma_wait3A_273 = tpu.memref_slice %arg7[%squeeze3A_79, %dma_wait3A_272] : memref<128x4096xf32, #tpu.memory_space<vmem_shared>> -> memref<1x4096xf32, #tpu.memory_space<vmem_shared>>
    %dma_wait3A_274 = tpu.memref_squeeze %dma_wait3A_273 : memref<1x4096xf32, #tpu.memory_space<vmem_shared>> -> memref<4096xf32, #tpu.memory_space<vmem_shared>>
    %dma_wait3A_275 = arith.constant 0 : i32
    %dma_wait3A_276 = arith.constant 0 : i32
    %dma_wait3A_277 = tpu.memref_slice %arg6[%dma_wait3A_263, %dma_wait3A_275, %dma_wait3A_276] : memref<2x8x4096xf32, #tpu.memory_space<vmem>> -> memref<1x8x4096xf32, #tpu.memory_space<vmem>>
    %dma_wait3A_278 = tpu.memref_squeeze %dma_wait3A_277 : memref<1x8x4096xf32, #tpu.memory_space<vmem>> -> memref<8x4096xf32, #tpu.memory_space<vmem>>
    %dma_wait3A_279 = arith.constant 0 : i32
    %dma_wait3A_280 = tpu.memref_slice %dma_wait3A_278[%dma_wait3A_264, %dma_wait3A_279] : memref<8x4096xf32, #tpu.memory_space<vmem>> -> memref<1x4096xf32, #tpu.memory_space<vmem>>
    %dma_wait3A_281 = tpu.memref_squeeze %dma_wait3A_280 : memref<1x4096xf32, #tpu.memory_space<vmem>> -> memref<4096xf32, #tpu.memory_space<vmem>>
    %dma_wait3A_282 = arith.constant 0 : i32
    %dma_wait3A_283 = tpu.memref_slice %arg7[%squeeze3A_79, %dma_wait3A_282] : memref<128x4096xf32, #tpu.memory_space<vmem_shared>> -> memref<1x4096xf32, #tpu.memory_space<vmem_shared>>
    %dma_wait3A_284 = tpu.memref_squeeze %dma_wait3A_283 : memref<1x4096xf32, #tpu.memory_space<vmem_shared>> -> memref<4096xf32, #tpu.memory_space<vmem_shared>>
    tpu.wait_dma2 semaphore(%arg8 : memref<!tpu.dma_semaphore, #tpu.memory_space<semaphore_mem>>) src(%dma_wait3A_284 : memref<4096xf32, #tpu.memory_space<vmem_shared>>) dst(%dma_wait3A_281 : memref<4096xf32, #tpu.memory_space<vmem>>)
    %dma_wait3A_285 = arith.constant 0 : i32
    %dma_wait3A_286 = arith.constant 4 : i32
    %dma_wait3A_287 = arith.constant 0 : i32
    %dma_wait3A_288 = arith.constant 0 : i32
    %dma_wait3A_289 = tpu.memref_slice %arg6[%dma_wait3A_285, %dma_wait3A_287, %dma_wait3A_288] : memref<2x8x4096xf32, #tpu.memory_space<vmem>> -> memref<1x8x4096xf32, #tpu.memory_space<vmem>>
    %dma_wait3A_290 = tpu.memref_squeeze %dma_wait3A_289 : memref<1x8x4096xf32, #tpu.memory_space<vmem>> -> memref<8x4096xf32, #tpu.memory_space<vmem>>
    %dma_wait3A_291 = arith.constant 0 : i32
    %dma_wait3A_292 = tpu.memref_slice %dma_wait3A_290[%dma_wait3A_286, %dma_wait3A_291] : memref<8x4096xf32, #tpu.memory_space<vmem>> -> memref<1x4096xf32, #tpu.memory_space<vmem>>
    %dma_wait3A_293 = tpu.memref_squeeze %dma_wait3A_292 : memref<1x4096xf32, #tpu.memory_space<vmem>> -> memref<4096xf32, #tpu.memory_space<vmem>>
    %dma_wait3A_294 = arith.constant 0 : i32
    %dma_wait3A_295 = tpu.memref_slice %arg7[%squeeze3A_103, %dma_wait3A_294] : memref<128x4096xf32, #tpu.memory_space<vmem_shared>> -> memref<1x4096xf32, #tpu.memory_space<vmem_shared>>
    %dma_wait3A_296 = tpu.memref_squeeze %dma_wait3A_295 : memref<1x4096xf32, #tpu.memory_space<vmem_shared>> -> memref<4096xf32, #tpu.memory_space<vmem_shared>>
    %dma_wait3A_297 = arith.constant 0 : i32
    %dma_wait3A_298 = arith.constant 0 : i32
    %dma_wait3A_299 = tpu.memref_slice %arg6[%dma_wait3A_285, %dma_wait3A_297, %dma_wait3A_298] : memref<2x8x4096xf32, #tpu.memory_space<vmem>> -> memref<1x8x4096xf32, #tpu.memory_space<vmem>>
    %dma_wait3A_300 = tpu.memref_squeeze %dma_wait3A_299 : memref<1x8x4096xf32, #tpu.memory_space<vmem>> -> memref<8x4096xf32, #tpu.memory_space<vmem>>
    %dma_wait3A_301 = arith.constant 0 : i32
    %dma_wait3A_302 = tpu.memref_slice %dma_wait3A_300[%dma_wait3A_286, %dma_wait3A_301] : memref<8x4096xf32, #tpu.memory_space<vmem>> -> memref<1x4096xf32, #tpu.memory_space<vmem>>
    %dma_wait3A_303 = tpu.memref_squeeze %dma_wait3A_302 : memref<1x4096xf32, #tpu.memory_space<vmem>> -> memref<4096xf32, #tpu.memory_space<vmem>>
    %dma_wait3A_304 = arith.constant 0 : i32
    %dma_wait3A_305 = tpu.memref_slice %arg7[%squeeze3A_103, %dma_wait3A_304] : memref<128x4096xf32, #tpu.memory_space<vmem_shared>> -> memref<1x4096xf32, #tpu.memory_space<vmem_shared>>
    %dma_wait3A_306 = tpu.memref_squeeze %dma_wait3A_305 : memref<1x4096xf32, #tpu.memory_space<vmem_shared>> -> memref<4096xf32, #tpu.memory_space<vmem_shared>>
    tpu.wait_dma2 semaphore(%arg8 : memref<!tpu.dma_semaphore, #tpu.memory_space<semaphore_mem>>) src(%dma_wait3A_306 : memref<4096xf32, #tpu.memory_space<vmem_shared>>) dst(%dma_wait3A_303 : memref<4096xf32, #tpu.memory_space<vmem>>)
    %dma_wait3A_307 = arith.constant 0 : i32
    %dma_wait3A_308 = arith.constant 5 : i32
    %dma_wait3A_309 = arith.constant 0 : i32
    %dma_wait3A_310 = arith.constant 0 : i32
    %dma_wait3A_311 = tpu.memref_slice %arg6[%dma_wait3A_307, %dma_wait3A_309, %dma_wait3A_310] : memref<2x8x4096xf32, #tpu.memory_space<vmem>> -> memref<1x8x4096xf32, #tpu.memory_space<vmem>>
    %dma_wait3A_312 = tpu.memref_squeeze %dma_wait3A_311 : memref<1x8x4096xf32, #tpu.memory_space<vmem>> -> memref<8x4096xf32, #tpu.memory_space<vmem>>
    %dma_wait3A_313 = arith.constant 0 : i32
    %dma_wait3A_314 = tpu.memref_slice %dma_wait3A_312[%dma_wait3A_308, %dma_wait3A_313] : memref<8x4096xf32, #tpu.memory_space<vmem>> -> memref<1x4096xf32, #tpu.memory_space<vmem>>
    %dma_wait3A_315 = tpu.memref_squeeze %dma_wait3A_314 : memref<1x4096xf32, #tpu.memory_space<vmem>> -> memref<4096xf32, #tpu.memory_space<vmem>>
    %dma_wait3A_316 = arith.constant 0 : i32
    %dma_wait3A_317 = tpu.memref_slice %arg7[%squeeze3A_127, %dma_wait3A_316] : memref<128x4096xf32, #tpu.memory_space<vmem_shared>> -> memref<1x4096xf32, #tpu.memory_space<vmem_shared>>
    %dma_wait3A_318 = tpu.memref_squeeze %dma_wait3A_317 : memref<1x4096xf32, #tpu.memory_space<vmem_shared>> -> memref<4096xf32, #tpu.memory_space<vmem_shared>>
    %dma_wait3A_319 = arith.constant 0 : i32
    %dma_wait3A_320 = arith.constant 0 : i32
    %dma_wait3A_321 = tpu.memref_slice %arg6[%dma_wait3A_307, %dma_wait3A_319, %dma_wait3A_320] : memref<2x8x4096xf32, #tpu.memory_space<vmem>> -> memref<1x8x4096xf32, #tpu.memory_space<vmem>>
    %dma_wait3A_322 = tpu.memref_squeeze %dma_wait3A_321 : memref<1x8x4096xf32, #tpu.memory_space<vmem>> -> memref<8x4096xf32, #tpu.memory_space<vmem>>
    %dma_wait3A_323 = arith.constant 0 : i32
    %dma_wait3A_324 = tpu.memref_slice %dma_wait3A_322[%dma_wait3A_308, %dma_wait3A_323] : memref<8x4096xf32, #tpu.memory_space<vmem>> -> memref<1x4096xf32, #tpu.memory_space<vmem>>
    %dma_wait3A_325 = tpu.memref_squeeze %dma_wait3A_324 : memref<1x4096xf32, #tpu.memory_space<vmem>> -> memref<4096xf32, #tpu.memory_space<vmem>>
    %dma_wait3A_326 = arith.constant 0 : i32
    %dma_wait3A_327 = tpu.memref_slice %arg7[%squeeze3A_127, %dma_wait3A_326] : memref<128x4096xf32, #tpu.memory_space<vmem_shared>> -> memref<1x4096xf32, #tpu.memory_space<vmem_shared>>
    %dma_wait3A_328 = tpu.memref_squeeze %dma_wait3A_327 : memref<1x4096xf32, #tpu.memory_space<vmem_shared>> -> memref<4096xf32, #tpu.memory_space<vmem_shared>>
    tpu.wait_dma2 semaphore(%arg8 : memref<!tpu.dma_semaphore, #tpu.memory_space<semaphore_mem>>) src(%dma_wait3A_328 : memref<4096xf32, #tpu.memory_space<vmem_shared>>) dst(%dma_wait3A_325 : memref<4096xf32, #tpu.memory_space<vmem>>)
    %dma_wait3A_329 = arith.constant 0 : i32
    %dma_wait3A_330 = arith.constant 6 : i32
    %dma_wait3A_331 = arith.constant 0 : i32
    %dma_wait3A_332 = arith.constant 0 : i32
    %dma_wait3A_333 = tpu.memref_slice %arg6[%dma_wait3A_329, %dma_wait3A_331, %dma_wait3A_332] : memref<2x8x4096xf32, #tpu.memory_space<vmem>> -> memref<1x8x4096xf32, #tpu.memory_space<vmem>>
    %dma_wait3A_334 = tpu.memref_squeeze %dma_wait3A_333 : memref<1x8x4096xf32, #tpu.memory_space<vmem>> -> memref<8x4096xf32, #tpu.memory_space<vmem>>
    %dma_wait3A_335 = arith.constant 0 : i32
    %dma_wait3A_336 = tpu.memref_slice %dma_wait3A_334[%dma_wait3A_330, %dma_wait3A_335] : memref<8x4096xf32, #tpu.memory_space<vmem>> -> memref<1x4096xf32, #tpu.memory_space<vmem>>
    %dma_wait3A_337 = tpu.memref_squeeze %dma_wait3A_336 : memref<1x4096xf32, #tpu.memory_space<vmem>> -> memref<4096xf32, #tpu.memory_space<vmem>>
    %dma_wait3A_338 = arith.constant 0 : i32
    %dma_wait3A_339 = tpu.memref_slice %arg7[%squeeze3A_151, %dma_wait3A_338] : memref<128x4096xf32, #tpu.memory_space<vmem_shared>> -> memref<1x4096xf32, #tpu.memory_space<vmem_shared>>
    %dma_wait3A_340 = tpu.memref_squeeze %dma_wait3A_339 : memref<1x4096xf32, #tpu.memory_space<vmem_shared>> -> memref<4096xf32, #tpu.memory_space<vmem_shared>>
    %dma_wait3A_341 = arith.constant 0 : i32
    %dma_wait3A_342 = arith.constant 0 : i32
    %dma_wait3A_343 = tpu.memref_slice %arg6[%dma_wait3A_329, %dma_wait3A_341, %dma_wait3A_342] : memref<2x8x4096xf32, #tpu.memory_space<vmem>> -> memref<1x8x4096xf32, #tpu.memory_space<vmem>>
    %dma_wait3A_344 = tpu.memref_squeeze %dma_wait3A_343 : memref<1x8x4096xf32, #tpu.memory_space<vmem>> -> memref<8x4096xf32, #tpu.memory_space<vmem>>
    %dma_wait3A_345 = arith.constant 0 : i32
    %dma_wait3A_346 = tpu.memref_slice %dma_wait3A_344[%dma_wait3A_330, %dma_wait3A_345] : memref<8x4096xf32, #tpu.memory_space<vmem>> -> memref<1x4096xf32, #tpu.memory_space<vmem>>
    %dma_wait3A_347 = tpu.memref_squeeze %dma_wait3A_346 : memref<1x4096xf32, #tpu.memory_space<vmem>> -> memref<4096xf32, #tpu.memory_space<vmem>>
    %dma_wait3A_348 = arith.constant 0 : i32
    %dma_wait3A_349 = tpu.memref_slice %arg7[%squeeze3A_151, %dma_wait3A_348] : memref<128x4096xf32, #tpu.memory_space<vmem_shared>> -> memref<1x4096xf32, #tpu.memory_space<vmem_shared>>
    %dma_wait3A_350 = tpu.memref_squeeze %dma_wait3A_349 : memref<1x4096xf32, #tpu.memory_space<vmem_shared>> -> memref<4096xf32, #tpu.memory_space<vmem_shared>>
    tpu.wait_dma2 semaphore(%arg8 : memref<!tpu.dma_semaphore, #tpu.memory_space<semaphore_mem>>) src(%dma_wait3A_350 : memref<4096xf32, #tpu.memory_space<vmem_shared>>) dst(%dma_wait3A_347 : memref<4096xf32, #tpu.memory_space<vmem>>)
    %dma_wait3A_351 = arith.constant 0 : i32
    %dma_wait3A_352 = arith.constant 7 : i32
    %dma_wait3A_353 = arith.constant 0 : i32
    %dma_wait3A_354 = arith.constant 0 : i32
    %dma_wait3A_355 = tpu.memref_slice %arg6[%dma_wait3A_351, %dma_wait3A_353, %dma_wait3A_354] : memref<2x8x4096xf32, #tpu.memory_space<vmem>> -> memref<1x8x4096xf32, #tpu.memory_space<vmem>>
    %dma_wait3A_356 = tpu.memref_squeeze %dma_wait3A_355 : memref<1x8x4096xf32, #tpu.memory_space<vmem>> -> memref<8x4096xf32, #tpu.memory_space<vmem>>
    %dma_wait3A_357 = arith.constant 0 : i32
    %dma_wait3A_358 = tpu.memref_slice %dma_wait3A_356[%dma_wait3A_352, %dma_wait3A_357] : memref<8x4096xf32, #tpu.memory_space<vmem>> -> memref<1x4096xf32, #tpu.memory_space<vmem>>
    %dma_wait3A_359 = tpu.memref_squeeze %dma_wait3A_358 : memref<1x4096xf32, #tpu.memory_space<vmem>> -> memref<4096xf32, #tpu.memory_space<vmem>>
    %dma_wait3A_360 = arith.constant 0 : i32
    %dma_wait3A_361 = tpu.memref_slice %arg7[%squeeze3A_175, %dma_wait3A_360] : memref<128x4096xf32, #tpu.memory_space<vmem_shared>> -> memref<1x4096xf32, #tpu.memory_space<vmem_shared>>
    %dma_wait3A_362 = tpu.memref_squeeze %dma_wait3A_361 : memref<1x4096xf32, #tpu.memory_space<vmem_shared>> -> memref<4096xf32, #tpu.memory_space<vmem_shared>>
    %dma_wait3A_363 = arith.constant 0 : i32
    %dma_wait3A_364 = arith.constant 0 : i32
    %dma_wait3A_365 = tpu.memref_slice %arg6[%dma_wait3A_351, %dma_wait3A_363, %dma_wait3A_364] : memref<2x8x4096xf32, #tpu.memory_space<vmem>> -> memref<1x8x4096xf32, #tpu.memory_space<vmem>>
    %dma_wait3A_366 = tpu.memref_squeeze %dma_wait3A_365 : memref<1x8x4096xf32, #tpu.memory_space<vmem>> -> memref<8x4096xf32, #tpu.memory_space<vmem>>
    %dma_wait3A_367 = arith.constant 0 : i32
    %dma_wait3A_368 = tpu.memref_slice %dma_wait3A_366[%dma_wait3A_352, %dma_wait3A_367] : memref<8x4096xf32, #tpu.memory_space<vmem>> -> memref<1x4096xf32, #tpu.memory_space<vmem>>
    %dma_wait3A_369 = tpu.memref_squeeze %dma_wait3A_368 : memref<1x4096xf32, #tpu.memory_space<vmem>> -> memref<4096xf32, #tpu.memory_space<vmem>>
    %dma_wait3A_370 = arith.constant 0 : i32
    %dma_wait3A_371 = tpu.memref_slice %arg7[%squeeze3A_175, %dma_wait3A_370] : memref<128x4096xf32, #tpu.memory_space<vmem_shared>> -> memref<1x4096xf32, #tpu.memory_space<vmem_shared>>
    %dma_wait3A_372 = tpu.memref_squeeze %dma_wait3A_371 : memref<1x4096xf32, #tpu.memory_space<vmem_shared>> -> memref<4096xf32, #tpu.memory_space<vmem_shared>>
    tpu.wait_dma2 semaphore(%arg8 : memref<!tpu.dma_semaphore, #tpu.memory_space<semaphore_mem>>) src(%dma_wait3A_372 : memref<4096xf32, #tpu.memory_space<vmem_shared>>) dst(%dma_wait3A_369 : memref<4096xf32, #tpu.memory_space<vmem>>)
    %add3A_373 = arith.constant 0 : i32
    %add3A_374 = arith.addi %mul3A_2, %add3A_373 : i32
    %dma_start3A_375 = arith.constant 0 : i32
    %dma_start3A_376 = arith.constant 0 : i32
    %dma_start3A_377 = arith.constant 0 : i32
    %dma_start3A_378 = tpu.memref_slice %arg6[%dma_start3A_375, %dma_start3A_376, %dma_start3A_377] : memref<2x8x4096xf32, #tpu.memory_space<vmem>> -> memref<1x8x4096xf32, #tpu.memory_space<vmem>>
    %dma_start3A_379 = tpu.memref_squeeze %dma_start3A_378 : memref<1x8x4096xf32, #tpu.memory_space<vmem>> -> memref<8x4096xf32, #tpu.memory_space<vmem>>
    %dma_start3A_380 = arith.constant 0 : i32
    %dma_start3A_381 = tpu.memref_slice %arg4[%add3A_374, %dma_start3A_380] : memref<8192x4096xf32, #tpu.memory_space<hbm>> -> memref<8x4096xf32, #tpu.memory_space<hbm>>
    %dma_start3A_382 = arith.constant 0 : i32
    %dma_start3A_383 = tpu.memref_slice %arg4[%add3A_374, %dma_start3A_382] : memref<8192x4096xf32, #tpu.memory_space<hbm>> -> memref<8x4096xf32, #tpu.memory_space<hbm>>
    %dma_start3A_384 = arith.constant 0 : i32
    %dma_start3A_385 = arith.constant 0 : i32
    %dma_start3A_386 = tpu.memref_slice %arg6[%dma_start3A_375, %dma_start3A_384, %dma_start3A_385] : memref<2x8x4096xf32, #tpu.memory_space<vmem>> -> memref<1x8x4096xf32, #tpu.memory_space<vmem>>
    %dma_start3A_387 = tpu.memref_squeeze %dma_start3A_386 : memref<1x8x4096xf32, #tpu.memory_space<vmem>> -> memref<8x4096xf32, #tpu.memory_space<vmem>>
    tpu.enqueue_dma source(%dma_start3A_387 : memref<8x4096xf32, #tpu.memory_space<vmem>>) target(%dma_start3A_383 : memref<8x4096xf32, #tpu.memory_space<hbm>>) target_semaphore(%arg9 : memref<!tpu.dma_semaphore, #tpu.memory_space<semaphore_mem>>)
    %get3A_388 = arith.constant 8 : index
    %get3A_389 = tpu.vector_load %arg5[%get3A_388] {strides = array<i32>} : memref<264xi32, #tpu.memory_space<vmem>>, vector<16xi32>,
    %get3A_390 = vector.shape_cast %get3A_389 : vector<16xi32> to vector<16xi32>
    %slice3A_391 = vector.extract_strided_slice %get3A_390 {offsets = [0], sizes = [1], strides = [1]} : vector<16xi32> to vector<1xi32>
    %squeeze3A_392 = vector.extract %slice3A_391[0] : i32 from vector<1xi32>
    %dma_start3A_393 = arith.constant 1 : i32
    %dma_start3A_394 = arith.constant 0 : i32
    %dma_start3A_395 = arith.constant 0 : i32
    %dma_start3A_396 = arith.constant 0 : i32
    %dma_start3A_397 = tpu.memref_slice %arg6[%dma_start3A_393, %dma_start3A_395, %dma_start3A_396] : memref<2x8x4096xf32, #tpu.memory_space<vmem>> -> memref<1x8x4096xf32, #tpu.memory_space<vmem>>
    %dma_start3A_398 = tpu.memref_squeeze %dma_start3A_397 : memref<1x8x4096xf32, #tpu.memory_space<vmem>> -> memref<8x4096xf32, #tpu.memory_space<vmem>>
    %dma_start3A_399 = arith.constant 0 : i32
    %dma_start3A_400 = tpu.memref_slice %dma_start3A_398[%dma_start3A_394, %dma_start3A_399] : memref<8x4096xf32, #tpu.memory_space<vmem>> -> memref<1x4096xf32, #tpu.memory_space<vmem>>
    %dma_start3A_401 = tpu.memref_squeeze %dma_start3A_400 : memref<1x4096xf32, #tpu.memory_space<vmem>> -> memref<4096xf32, #tpu.memory_space<vmem>>
    %dma_start3A_402 = arith.constant 0 : i32
    %dma_start3A_403 = tpu.memref_slice %arg7[%squeeze3A_392, %dma_start3A_402] : memref<128x4096xf32, #tpu.memory_space<vmem_shared>> -> memref<1x4096xf32, #tpu.memory_space<vmem_shared>>
    %dma_start3A_404 = tpu.memref_squeeze %dma_start3A_403 : memref<1x4096xf32, #tpu.memory_space<vmem_shared>> -> memref<4096xf32, #tpu.memory_space<vmem_shared>>
    %dma_start3A_405 = arith.constant 0 : i32
    %dma_start3A_406 = arith.constant 0 : i32
    %dma_start3A_407 = tpu.memref_slice %arg6[%dma_start3A_393, %dma_start3A_405, %dma_start3A_406] : memref<2x8x4096xf32, #tpu.memory_space<vmem>> -> memref<1x8x4096xf32, #tpu.memory_space<vmem>>
    %dma_start3A_408 = tpu.memref_squeeze %dma_start3A_407 : memref<1x8x4096xf32, #tpu.memory_space<vmem>> -> memref<8x4096xf32, #tpu.memory_space<vmem>>
    %dma_start3A_409 = arith.constant 0 : i32
    %dma_start3A_410 = tpu.memref_slice %dma_start3A_408[%dma_start3A_394, %dma_start3A_409] : memref<8x4096xf32, #tpu.memory_space<vmem>> -> memref<1x4096xf32, #tpu.memory_space<vmem>>
    %dma_start3A_411 = tpu.memref_squeeze %dma_start3A_410 : memref<1x4096xf32, #tpu.memory_space<vmem>> -> memref<4096xf32, #tpu.memory_space<vmem>>
    %dma_start3A_412 = arith.constant 0 : i32
    %dma_start3A_413 = tpu.memref_slice %arg7[%squeeze3A_392, %dma_start3A_412] : memref<128x4096xf32, #tpu.memory_space<vmem_shared>> -> memref<1x4096xf32, #tpu.memory_space<vmem_shared>>
    %dma_start3A_414 = tpu.memref_squeeze %dma_start3A_413 : memref<1x4096xf32, #tpu.memory_space<vmem_shared>> -> memref<4096xf32, #tpu.memory_space<vmem_shared>>
    tpu.enqueue_dma source(%dma_start3A_414 : memref<4096xf32, #tpu.memory_space<vmem_shared>>) target(%dma_start3A_411 : memref<4096xf32, #tpu.memory_space<vmem>>) target_semaphore(%arg8 : memref<!tpu.dma_semaphore, #tpu.memory_space<semaphore_mem>>)
    %slice3A_415 = vector.extract_strided_slice %get3A_390 {offsets = [1], sizes = [1], strides = [1]} : vector<16xi32> to vector<1xi32>
    %squeeze3A_416 = vector.extract %slice3A_415[0] : i32 from vector<1xi32>
    %dma_start3A_417 = arith.constant 1 : i32
    %dma_start3A_418 = arith.constant 1 : i32
    %dma_start3A_419 = arith.constant 0 : i32
    %dma_start3A_420 = arith.constant 0 : i32
    %dma_start3A_421 = tpu.memref_slice %arg6[%dma_start3A_417, %dma_start3A_419, %dma_start3A_420] : memref<2x8x4096xf32, #tpu.memory_space<vmem>> -> memref<1x8x4096xf32, #tpu.memory_space<vmem>>
    %dma_start3A_422 = tpu.memref_squeeze %dma_start3A_421 : memref<1x8x4096xf32, #tpu.memory_space<vmem>> -> memref<8x4096xf32, #tpu.memory_space<vmem>>
    %dma_start3A_423 = arith.constant 0 : i32
    %dma_start3A_424 = tpu.memref_slice %dma_start3A_422[%dma_start3A_418, %dma_start3A_423] : memref<8x4096xf32, #tpu.memory_space<vmem>> -> memref<1x4096xf32, #tpu.memory_space<vmem>>
    %dma_start3A_425 = tpu.memref_squeeze %dma_start3A_424 : memref<1x4096xf32, #tpu.memory_space<vmem>> -> memref<4096xf32, #tpu.memory_space<vmem>>
    %dma_start3A_426 = arith.constant 0 : i32
    %dma_start3A_427 = tpu.memref_slice %arg7[%squeeze3A_416, %dma_start3A_426] : memref<128x4096xf32, #tpu.memory_space<vmem_shared>> -> memref<1x4096xf32, #tpu.memory_space<vmem_shared>>
    %dma_start3A_428 = tpu.memref_squeeze %dma_start3A_427 : memref<1x4096xf32, #tpu.memory_space<vmem_shared>> -> memref<4096xf32, #tpu.memory_space<vmem_shared>>
    %dma_start3A_429 = arith.constant 0 : i32
    %dma_start3A_430 = arith.constant 0 : i32
    %dma_start3A_431 = tpu.memref_slice %arg6[%dma_start3A_417, %dma_start3A_429, %dma_start3A_430] : memref<2x8x4096xf32, #tpu.memory_space<vmem>> -> memref<1x8x4096xf32, #tpu.memory_space<vmem>>
    %dma_start3A_432 = tpu.memref_squeeze %dma_start3A_431 : memref<1x8x4096xf32, #tpu.memory_space<vmem>> -> memref<8x4096xf32, #tpu.memory_space<vmem>>
    %dma_start3A_433 = arith.constant 0 : i32
    %dma_start3A_434 = tpu.memref_slice %dma_start3A_432[%dma_start3A_418, %dma_start3A_433] : memref<8x4096xf32, #tpu.memory_space<vmem>> -> memref<1x4096xf32, #tpu.memory_space<vmem>>
    %dma_start3A_435 = tpu.memref_squeeze %dma_start3A_434 : memref<1x4096xf32, #tpu.memory_space<vmem>> -> memref<4096xf32, #tpu.memory_space<vmem>>
    %dma_start3A_436 = arith.constant 0 : i32
    %dma_start3A_437 = tpu.memref_slice %arg7[%squeeze3A_416, %dma_start3A_436] : memref<128x4096xf32, #tpu.memory_space<vmem_shared>> -> memref<1x4096xf32, #tpu.memory_space<vmem_shared>>
    %dma_start3A_438 = tpu.memref_squeeze %dma_start3A_437 : memref<1x4096xf32, #tpu.memory_space<vmem_shared>> -> memref<4096xf32, #tpu.memory_space<vmem_shared>>
    tpu.enqueue_dma source(%dma_start3A_438 : memref<4096xf32, #tpu.memory_space<vmem_shared>>) target(%dma_start3A_435 : memref<4096xf32, #tpu.memory_space<vmem>>) target_semaphore(%arg8 : memref<!tpu.dma_semaphore, #tpu.memory_space<semaphore_mem>>)
    %slice3A_439 = vector.extract_strided_slice %get3A_390 {offsets = [2], sizes = [1], strides = [1]} : vector<16xi32> to vector<1xi32>
    %squeeze3A_440 = vector.extract %slice3A_439[0] : i32 from vector<1xi32>
    %dma_start3A_441 = arith.constant 1 : i32
    %dma_start3A_442 = arith.constant 2 : i32
    %dma_start3A_443 = arith.constant 0 : i32
    %dma_start3A_444 = arith.constant 0 : i32
    %dma_start3A_445 = tpu.memref_slice %arg6[%dma_start3A_441, %dma_start3A_443, %dma_start3A_444] : memref<2x8x4096xf32, #tpu.memory_space<vmem>> -> memref<1x8x4096xf32, #tpu.memory_space<vmem>>
    %dma_start3A_446 = tpu.memref_squeeze %dma_start3A_445 : memref<1x8x4096xf32, #tpu.memory_space<vmem>> -> memref<8x4096xf32, #tpu.memory_space<vmem>>
    %dma_start3A_447 = arith.constant 0 : i32
    %dma_start3A_448 = tpu.memref_slice %dma_start3A_446[%dma_start3A_442, %dma_start3A_447] : memref<8x4096xf32, #tpu.memory_space<vmem>> -> memref<1x4096xf32, #tpu.memory_space<vmem>>
    %dma_start3A_449 = tpu.memref_squeeze %dma_start3A_448 : memref<1x4096xf32, #tpu.memory_space<vmem>> -> memref<4096xf32, #tpu.memory_space<vmem>>
    %dma_start3A_450 = arith.constant 0 : i32
    %dma_start3A_451 = tpu.memref_slice %arg7[%squeeze3A_440, %dma_start3A_450] : memref<128x4096xf32, #tpu.memory_space<vmem_shared>> -> memref<1x4096xf32, #tpu.memory_space<vmem_shared>>
    %dma_start3A_452 = tpu.memref_squeeze %dma_start3A_451 : memref<1x4096xf32, #tpu.memory_space<vmem_shared>> -> memref<4096xf32, #tpu.memory_space<vmem_shared>>
    %dma_start3A_453 = arith.constant 0 : i32
    %dma_start3A_454 = arith.constant 0 : i32
    %dma_start3A_455 = tpu.memref_slice %arg6[%dma_start3A_441, %dma_start3A_453, %dma_start3A_454] : memref<2x8x4096xf32, #tpu.memory_space<vmem>> -> memref<1x8x4096xf32, #tpu.memory_space<vmem>>
    %dma_start3A_456 = tpu.memref_squeeze %dma_start3A_455 : memref<1x8x4096xf32, #tpu.memory_space<vmem>> -> memref<8x4096xf32, #tpu.memory_space<vmem>>
    %dma_start3A_457 = arith.constant 0 : i32
    %dma_start3A_458 = tpu.memref_slice %dma_start3A_456[%dma_start3A_442, %dma_start3A_457] : memref<8x4096xf32, #tpu.memory_space<vmem>> -> memref<1x4096xf32, #tpu.memory_space<vmem>>
    %dma_start3A_459 = tpu.memref_squeeze %dma_start3A_458 : memref<1x4096xf32, #tpu.memory_space<vmem>> -> memref<4096xf32, #tpu.memory_space<vmem>>
    %dma_start3A_460 = arith.constant 0 : i32
    %dma_start3A_461 = tpu.memref_slice %arg7[%squeeze3A_440, %dma_start3A_460] : memref<128x4096xf32, #tpu.memory_space<vmem_shared>> -> memref<1x4096xf32, #tpu.memory_space<vmem_shared>>
    %dma_start3A_462 = tpu.memref_squeeze %dma_start3A_461 : memref<1x4096xf32, #tpu.memory_space<vmem_shared>> -> memref<4096xf32, #tpu.memory_space<vmem_shared>>
    tpu.enqueue_dma source(%dma_start3A_462 : memref<4096xf32, #tpu.memory_space<vmem_shared>>) target(%dma_start3A_459 : memref<4096xf32, #tpu.memory_space<vmem>>) target_semaphore(%arg8 : memref<!tpu.dma_semaphore, #tpu.memory_space<semaphore_mem>>)
    %slice3A_463 = vector.extract_strided_slice %get3A_390 {offsets = [3], sizes = [1], strides = [1]} : vector<16xi32> to vector<1xi32>
    %squeeze3A_464 = vector.extract %slice3A_463[0] : i32 from vector<1xi32>
    %dma_start3A_465 = arith.constant 1 : i32
    %dma_start3A_466 = arith.constant 3 : i32
    %dma_start3A_467 = arith.constant 0 : i32
    %dma_start3A_468 = arith.constant 0 : i32
    %dma_start3A_469 = tpu.memref_slice %arg6[%dma_start3A_465, %dma_start3A_467, %dma_start3A_468] : memref<2x8x4096xf32, #tpu.memory_space<vmem>> -> memref<1x8x4096xf32, #tpu.memory_space<vmem>>
    %dma_start3A_470 = tpu.memref_squeeze %dma_start3A_469 : memref<1x8x4096xf32, #tpu.memory_space<vmem>> -> memref<8x4096xf32, #tpu.memory_space<vmem>>
    %dma_start3A_471 = arith.constant 0 : i32
    %dma_start3A_472 = tpu.memref_slice %dma_start3A_470[%dma_start3A_466, %dma_start3A_471] : memref<8x4096xf32, #tpu.memory_space<vmem>> -> memref<1x4096xf32, #tpu.memory_space<vmem>>
    %dma_start3A_473 = tpu.memref_squeeze %dma_start3A_472 : memref<1x4096xf32, #tpu.memory_space<vmem>> -> memref<4096xf32, #tpu.memory_space<vmem>>
    %dma_start3A_474 = arith.constant 0 : i32
    %dma_start3A_475 = tpu.memref_slice %arg7[%squeeze3A_464, %dma_start3A_474] : memref<128x4096xf32, #tpu.memory_space<vmem_shared>> -> memref<1x4096xf32, #tpu.memory_space<vmem_shared>>
    %dma_start3A_476 = tpu.memref_squeeze %dma_start3A_475 : memref<1x4096xf32, #tpu.memory_space<vmem_shared>> -> memref<4096xf32, #tpu.memory_space<vmem_shared>>
    %dma_start3A_477 = arith.constant 0 : i32
    %dma_start3A_478 = arith.constant 0 : i32
    %dma_start3A_479 = tpu.memref_slice %arg6[%dma_start3A_465, %dma_start3A_477, %dma_start3A_478] : memref<2x8x4096xf32, #tpu.memory_space<vmem>> -> memref<1x8x4096xf32, #tpu.memory_space<vmem>>
    %dma_start3A_480 = tpu.memref_squeeze %dma_start3A_479 : memref<1x8x4096xf32, #tpu.memory_space<vmem>> -> memref<8x4096xf32, #tpu.memory_space<vmem>>
    %dma_start3A_481 = arith.constant 0 : i32
    %dma_start3A_482 = tpu.memref_slice %dma_start3A_480[%dma_start3A_466, %dma_start3A_481] : memref<8x4096xf32, #tpu.memory_space<vmem>> -> memref<1x4096xf32, #tpu.memory_space<vmem>>
    %dma_start3A_483 = tpu.memref_squeeze %dma_start3A_482 : memref<1x4096xf32, #tpu.memory_space<vmem>> -> memref<4096xf32, #tpu.memory_space<vmem>>
    %dma_start3A_484 = arith.constant 0 : i32
    %dma_start3A_485 = tpu.memref_slice %arg7[%squeeze3A_464, %dma_start3A_484] : memref<128x4096xf32, #tpu.memory_space<vmem_shared>> -> memref<1x4096xf32, #tpu.memory_space<vmem_shared>>
    %dma_start3A_486 = tpu.memref_squeeze %dma_start3A_485 : memref<1x4096xf32, #tpu.memory_space<vmem_shared>> -> memref<4096xf32, #tpu.memory_space<vmem_shared>>
    tpu.enqueue_dma source(%dma_start3A_486 : memref<4096xf32, #tpu.memory_space<vmem_shared>>) target(%dma_start3A_483 : memref<4096xf32, #tpu.memory_space<vmem>>) target_semaphore(%arg8 : memref<!tpu.dma_semaphore, #tpu.memory_space<semaphore_mem>>)
    %slice3A_487 = vector.extract_strided_slice %get3A_390 {offsets = [4], sizes = [1], strides = [1]} : vector<16xi32> to vector<1xi32>
    %squeeze3A_488 = vector.extract %slice3A_487[0] : i32 from vector<1xi32>
    %dma_start3A_489 = arith.constant 1 : i32
    %dma_start3A_490 = arith.constant 4 : i32
    %dma_start3A_491 = arith.constant 0 : i32
    %dma_start3A_492 = arith.constant 0 : i32
    %dma_start3A_493 = tpu.memref_slice %arg6[%dma_start3A_489, %dma_start3A_491, %dma_start3A_492] : memref<2x8x4096xf32, #tpu.memory_space<vmem>> -> memref<1x8x4096xf32, #tpu.memory_space<vmem>>
    %dma_start3A_494 = tpu.memref_squeeze %dma_start3A_493 : memref<1x8x4096xf32, #tpu.memory_space<vmem>> -> memref<8x4096xf32, #tpu.memory_space<vmem>>
    %dma_start3A_495 = arith.constant 0 : i32
    %dma_start3A_496 = tpu.memref_slice %dma_start3A_494[%dma_start3A_490, %dma_start3A_495] : memref<8x4096xf32, #tpu.memory_space<vmem>> -> memref<1x4096xf32, #tpu.memory_space<vmem>>
    %dma_start3A_497 = tpu.memref_squeeze %dma_start3A_496 : memref<1x4096xf32, #tpu.memory_space<vmem>> -> memref<4096xf32, #tpu.memory_space<vmem>>
    %dma_start3A_498 = arith.constant 0 : i32
    %dma_start3A_499 = tpu.memref_slice %arg7[%squeeze3A_488, %dma_start3A_498] : memref<128x4096xf32, #tpu.memory_space<vmem_shared>> -> memref<1x4096xf32, #tpu.memory_space<vmem_shared>>
    %dma_start3A_500 = tpu.memref_squeeze %dma_start3A_499 : memref<1x4096xf32, #tpu.memory_space<vmem_shared>> -> memref<4096xf32, #tpu.memory_space<vmem_shared>>
    %dma_start3A_501 = arith.constant 0 : i32
    %dma_start3A_502 = arith.constant 0 : i32
    %dma_start3A_503 = tpu.memref_slice %arg6[%dma_start3A_489, %dma_start3A_501, %dma_start3A_502] : memref<2x8x4096xf32, #tpu.memory_space<vmem>> -> memref<1x8x4096xf32, #tpu.memory_space<vmem>>
    %dma_start3A_504 = tpu.memref_squeeze %dma_start3A_503 : memref<1x8x4096xf32, #tpu.memory_space<vmem>> -> memref<8x4096xf32, #tpu.memory_space<vmem>>
    %dma_start3A_505 = arith.constant 0 : i32
    %dma_start3A_506 = tpu.memref_slice %dma_start3A_504[%dma_start3A_490, %dma_start3A_505] : memref<8x4096xf32, #tpu.memory_space<vmem>> -> memref<1x4096xf32, #tpu.memory_space<vmem>>
    %dma_start3A_507 = tpu.memref_squeeze %dma_start3A_506 : memref<1x4096xf32, #tpu.memory_space<vmem>> -> memref<4096xf32, #tpu.memory_space<vmem>>
    %dma_start3A_508 = arith.constant 0 : i32
    %dma_start3A_509 = tpu.memref_slice %arg7[%squeeze3A_488, %dma_start3A_508] : memref<128x4096xf32, #tpu.memory_space<vmem_shared>> -> memref<1x4096xf32, #tpu.memory_space<vmem_shared>>
    %dma_start3A_510 = tpu.memref_squeeze %dma_start3A_509 : memref<1x4096xf32, #tpu.memory_space<vmem_shared>> -> memref<4096xf32, #tpu.memory_space<vmem_shared>>
    tpu.enqueue_dma source(%dma_start3A_510 : memref<4096xf32, #tpu.memory_space<vmem_shared>>) target(%dma_start3A_507 : memref<4096xf32, #tpu.memory_space<vmem>>) target_semaphore(%arg8 : memref<!tpu.dma_semaphore, #tpu.memory_space<semaphore_mem>>)
    %slice3A_511 = vector.extract_strided_slice %get3A_390 {offsets = [5], sizes = [1], strides = [1]} : vector<16xi32> to vector<1xi32>
    %squeeze3A_512 = vector.extract %slice3A_511[0] : i32 from vector<1xi32>
    %dma_start3A_513 = arith.constant 1 : i32
    %dma_start3A_514 = arith.constant 5 : i32
    %dma_start3A_515 = arith.constant 0 : i32
    %dma_start3A_516 = arith.constant 0 : i32
    %dma_start3A_517 = tpu.memref_slice %arg6[%dma_start3A_513, %dma_start3A_515, %dma_start3A_516] : memref<2x8x4096xf32, #tpu.memory_space<vmem>> -> memref<1x8x4096xf32, #tpu.memory_space<vmem>>
    %dma_start3A_518 = tpu.memref_squeeze %dma_start3A_517 : memref<1x8x4096xf32, #tpu.memory_space<vmem>> -> memref<8x4096xf32, #tpu.memory_space<vmem>>
    %dma_start3A_519 = arith.constant 0 : i32
    %dma_start3A_520 = tpu.memref_slice %dma_start3A_518[%dma_start3A_514, %dma_start3A_519] : memref<8x4096xf32, #tpu.memory_space<vmem>> -> memref<1x4096xf32, #tpu.memory_space<vmem>>
    %dma_start3A_521 = tpu.memref_squeeze %dma_start3A_520 : memref<1x4096xf32, #tpu.memory_space<vmem>> -> memref<4096xf32, #tpu.memory_space<vmem>>
    %dma_start3A_522 = arith.constant 0 : i32
    %dma_start3A_523 = tpu.memref_slice %arg7[%squeeze3A_512, %dma_start3A_522] : memref<128x4096xf32, #tpu.memory_space<vmem_shared>> -> memref<1x4096xf32, #tpu.memory_space<vmem_shared>>
    %dma_start3A_524 = tpu.memref_squeeze %dma_start3A_523 : memref<1x4096xf32, #tpu.memory_space<vmem_shared>> -> memref<4096xf32, #tpu.memory_space<vmem_shared>>
    %dma_start3A_525 = arith.constant 0 : i32
    %dma_start3A_526 = arith.constant 0 : i32
    %dma_start3A_527 = tpu.memref_slice %arg6[%dma_start3A_513, %dma_start3A_525, %dma_start3A_526] : memref<2x8x4096xf32, #tpu.memory_space<vmem>> -> memref<1x8x4096xf32, #tpu.memory_space<vmem>>
    %dma_start3A_528 = tpu.memref_squeeze %dma_start3A_527 : memref<1x8x4096xf32, #tpu.memory_space<vmem>> -> memref<8x4096xf32, #tpu.memory_space<vmem>>
    %dma_start3A_529 = arith.constant 0 : i32
    %dma_start3A_530 = tpu.memref_slice %dma_start3A_528[%dma_start3A_514, %dma_start3A_529] : memref<8x4096xf32, #tpu.memory_space<vmem>> -> memref<1x4096xf32, #tpu.memory_space<vmem>>
    %dma_start3A_531 = tpu.memref_squeeze %dma_start3A_530 : memref<1x4096xf32, #tpu.memory_space<vmem>> -> memref<4096xf32, #tpu.memory_space<vmem>>
    %dma_start3A_532 = arith.constant 0 : i32
    %dma_start3A_533 = tpu.memref_slice %arg7[%squeeze3A_512, %dma_start3A_532] : memref<128x4096xf32, #tpu.memory_space<vmem_shared>> -> memref<1x4096xf32, #tpu.memory_space<vmem_shared>>
    %dma_start3A_534 = tpu.memref_squeeze %dma_start3A_533 : memref<1x4096xf32, #tpu.memory_space<vmem_shared>> -> memref<4096xf32, #tpu.memory_space<vmem_shared>>
    tpu.enqueue_dma source(%dma_start3A_534 : memref<4096xf32, #tpu.memory_space<vmem_shared>>) target(%dma_start3A_531 : memref<4096xf32, #tpu.memory_space<vmem>>) target_semaphore(%arg8 : memref<!tpu.dma_semaphore, #tpu.memory_space<semaphore_mem>>)
    %slice3A_535 = vector.extract_strided_slice %get3A_390 {offsets = [6], sizes = [1], strides = [1]} : vector<16xi32> to vector<1xi32>
    %squeeze3A_536 = vector.extract %slice3A_535[0] : i32 from vector<1xi32>
    %dma_start3A_537 = arith.constant 1 : i32
    %dma_start3A_538 = arith.constant 6 : i32
    %dma_start3A_539 = arith.constant 0 : i32
    %dma_start3A_540 = arith.constant 0 : i32
    %dma_start3A_541 = tpu.memref_slice %arg6[%dma_start3A_537, %dma_start3A_539, %dma_start3A_540] : memref<2x8x4096xf32, #tpu.memory_space<vmem>> -> memref<1x8x4096xf32, #tpu.memory_space<vmem>>
    %dma_start3A_542 = tpu.memref_squeeze %dma_start3A_541 : memref<1x8x4096xf32, #tpu.memory_space<vmem>> -> memref<8x4096xf32, #tpu.memory_space<vmem>>
    %dma_start3A_543 = arith.constant 0 : i32
    %dma_start3A_544 = tpu.memref_slice %dma_start3A_542[%dma_start3A_538, %dma_start3A_543] : memref<8x4096xf32, #tpu.memory_space<vmem>> -> memref<1x4096xf32, #tpu.memory_space<vmem>>
    %dma_start3A_545 = tpu.memref_squeeze %dma_start3A_544 : memref<1x4096xf32, #tpu.memory_space<vmem>> -> memref<4096xf32, #tpu.memory_space<vmem>>
    %dma_start3A_546 = arith.constant 0 : i32
    %dma_start3A_547 = tpu.memref_slice %arg7[%squeeze3A_536, %dma_start3A_546] : memref<128x4096xf32, #tpu.memory_space<vmem_shared>> -> memref<1x4096xf32, #tpu.memory_space<vmem_shared>>
    %dma_start3A_548 = tpu.memref_squeeze %dma_start3A_547 : memref<1x4096xf32, #tpu.memory_space<vmem_shared>> -> memref<4096xf32, #tpu.memory_space<vmem_shared>>
    %dma_start3A_549 = arith.constant 0 : i32
    %dma_start3A_550 = arith.constant 0 : i32
    %dma_start3A_551 = tpu.memref_slice %arg6[%dma_start3A_537, %dma_start3A_549, %dma_start3A_550] : memref<2x8x4096xf32, #tpu.memory_space<vmem>> -> memref<1x8x4096xf32, #tpu.memory_space<vmem>>
    %dma_start3A_552 = tpu.memref_squeeze %dma_start3A_551 : memref<1x8x4096xf32, #tpu.memory_space<vmem>> -> memref<8x4096xf32, #tpu.memory_space<vmem>>
    %dma_start3A_553 = arith.constant 0 : i32
    %dma_start3A_554 = tpu.memref_slice %dma_start3A_552[%dma_start3A_538, %dma_start3A_553] : memref<8x4096xf32, #tpu.memory_space<vmem>> -> memref<1x4096xf32, #tpu.memory_space<vmem>>
    %dma_start3A_555 = tpu.memref_squeeze %dma_start3A_554 : memref<1x4096xf32, #tpu.memory_space<vmem>> -> memref<4096xf32, #tpu.memory_space<vmem>>
    %dma_start3A_556 = arith.constant 0 : i32
    %dma_start3A_557 = tpu.memref_slice %arg7[%squeeze3A_536, %dma_start3A_556] : memref<128x4096xf32, #tpu.memory_space<vmem_shared>> -> memref<1x4096xf32, #tpu.memory_space<vmem_shared>>
    %dma_start3A_558 = tpu.memref_squeeze %dma_start3A_557 : memref<1x4096xf32, #tpu.memory_space<vmem_shared>> -> memref<4096xf32, #tpu.memory_space<vmem_shared>>
    tpu.enqueue_dma source(%dma_start3A_558 : memref<4096xf32, #tpu.memory_space<vmem_shared>>) target(%dma_start3A_555 : memref<4096xf32, #tpu.memory_space<vmem>>) target_semaphore(%arg8 : memref<!tpu.dma_semaphore, #tpu.memory_space<semaphore_mem>>)
    %slice3A_559 = vector.extract_strided_slice %get3A_390 {offsets = [7], sizes = [1], strides = [1]} : vector<16xi32> to vector<1xi32>
    %squeeze3A_560 = vector.extract %slice3A_559[0] : i32 from vector<1xi32>
    %dma_start3A_561 = arith.constant 1 : i32
    %dma_start3A_562 = arith.constant 7 : i32
    %dma_start3A_563 = arith.constant 0 : i32
    %dma_start3A_564 = arith.constant 0 : i32
    %dma_start3A_565 = tpu.memref_slice %arg6[%dma_start3A_561, %dma_start3A_563, %dma_start3A_564] : memref<2x8x4096xf32, #tpu.memory_space<vmem>> -> memref<1x8x4096xf32, #tpu.memory_space<vmem>>
    %dma_start3A_566 = tpu.memref_squeeze %dma_start3A_565 : memref<1x8x4096xf32, #tpu.memory_space<vmem>> -> memref<8x4096xf32, #tpu.memory_space<vmem>>
    %dma_start3A_567 = arith.constant 0 : i32
    %dma_start3A_568 = tpu.memref_slice %dma_start3A_566[%dma_start3A_562, %dma_start3A_567] : memref<8x4096xf32, #tpu.memory_space<vmem>> -> memref<1x4096xf32, #tpu.memory_space<vmem>>
    %dma_start3A_569 = tpu.memref_squeeze %dma_start3A_568 : memref<1x4096xf32, #tpu.memory_space<vmem>> -> memref<4096xf32, #tpu.memory_space<vmem>>
    %dma_start3A_570 = arith.constant 0 : i32
    %dma_start3A_571 = tpu.memref_slice %arg7[%squeeze3A_560, %dma_start3A_570] : memref<128x4096xf32, #tpu.memory_space<vmem_shared>> -> memref<1x4096xf32, #tpu.memory_space<vmem_shared>>
    %dma_start3A_572 = tpu.memref_squeeze %dma_start3A_571 : memref<1x4096xf32, #tpu.memory_space<vmem_shared>> -> memref<4096xf32, #tpu.memory_space<vmem_shared>>
    %dma_start3A_573 = arith.constant 0 : i32
    %dma_start3A_574 = arith.constant 0 : i32
    %dma_start3A_575 = tpu.memref_slice %arg6[%dma_start3A_561, %dma_start3A_573, %dma_start3A_574] : memref<2x8x4096xf32, #tpu.memory_space<vmem>> -> memref<1x8x4096xf32, #tpu.memory_space<vmem>>
    %dma_start3A_576 = tpu.memref_squeeze %dma_start3A_575 : memref<1x8x4096xf32, #tpu.memory_space<vmem>> -> memref<8x4096xf32, #tpu.memory_space<vmem>>
    %dma_start3A_577 = arith.constant 0 : i32
    %dma_start3A_578 = tpu.memref_slice %dma_start3A_576[%dma_start3A_562, %dma_start3A_577] : memref<8x4096xf32, #tpu.memory_space<vmem>> -> memref<1x4096xf32, #tpu.memory_space<vmem>>
    %dma_start3A_579 = tpu.memref_squeeze %dma_start3A_578 : memref<1x4096xf32, #tpu.memory_space<vmem>> -> memref<4096xf32, #tpu.memory_space<vmem>>
    %dma_start3A_580 = arith.constant 0 : i32
    %dma_start3A_581 = tpu.memref_slice %arg7[%squeeze3A_560, %dma_start3A_580] : memref<128x4096xf32, #tpu.memory_space<vmem_shared>> -> memref<1x4096xf32, #tpu.memory_space<vmem_shared>>
    %dma_start3A_582 = tpu.memref_squeeze %dma_start3A_581 : memref<1x4096xf32, #tpu.memory_space<vmem_shared>> -> memref<4096xf32, #tpu.memory_space<vmem_shared>>
    tpu.enqueue_dma source(%dma_start3A_582 : memref<4096xf32, #tpu.memory_space<vmem_shared>>) target(%dma_start3A_579 : memref<4096xf32, #tpu.memory_space<vmem>>) target_semaphore(%arg8 : memref<!tpu.dma_semaphore, #tpu.memory_space<semaphore_mem>>)
    %dma_wait3A_583 = arith.constant 1 : i32
    %dma_wait3A_584 = arith.constant 0 : i32
    %dma_wait3A_585 = arith.constant 0 : i32
    %dma_wait3A_586 = arith.constant 0 : i32
    %dma_wait3A_587 = tpu.memref_slice %arg6[%dma_wait3A_583, %dma_wait3A_585, %dma_wait3A_586] : memref<2x8x4096xf32, #tpu.memory_space<vmem>> -> memref<1x8x4096xf32, #tpu.memory_space<vmem>>
    %dma_wait3A_588 = tpu.memref_squeeze %dma_wait3A_587 : memref<1x8x4096xf32, #tpu.memory_space<vmem>> -> memref<8x4096xf32, #tpu.memory_space<vmem>>
    %dma_wait3A_589 = arith.constant 0 : i32
    %dma_wait3A_590 = tpu.memref_slice %dma_wait3A_588[%dma_wait3A_584, %dma_wait3A_589] : memref<8x4096xf32, #tpu.memory_space<vmem>> -> memref<1x4096xf32, #tpu.memory_space<vmem>>
    %dma_wait3A_591 = tpu.memref_squeeze %dma_wait3A_590 : memref<1x4096xf32, #tpu.memory_space<vmem>> -> memref<4096xf32, #tpu.memory_space<vmem>>
    %dma_wait3A_592 = arith.constant 0 : i32
    %dma_wait3A_593 = tpu.memref_slice %arg7[%squeeze3A_392, %dma_wait3A_592] : memref<128x4096xf32, #tpu.memory_space<vmem_shared>> -> memref<1x4096xf32, #tpu.memory_space<vmem_shared>>
    %dma_wait3A_594 = tpu.memref_squeeze %dma_wait3A_593 : memref<1x4096xf32, #tpu.memory_space<vmem_shared>> -> memref<4096xf32, #tpu.memory_space<vmem_shared>>
    %dma_wait3A_595 = arith.constant 0 : i32
    %dma_wait3A_596 = arith.constant 0 : i32
    %dma_wait3A_597 = tpu.memref_slice %arg6[%dma_wait3A_583, %dma_wait3A_595, %dma_wait3A_596] : memref<2x8x4096xf32, #tpu.memory_space<vmem>> -> memref<1x8x4096xf32, #tpu.memory_space<vmem>>
    %dma_wait3A_598 = tpu.memref_squeeze %dma_wait3A_597 : memref<1x8x4096xf32, #tpu.memory_space<vmem>> -> memref<8x4096xf32, #tpu.memory_space<vmem>>
    %dma_wait3A_599 = arith.constant 0 : i32
    %dma_wait3A_600 = tpu.memref_slice %dma_wait3A_598[%dma_wait3A_584, %dma_wait3A_599] : memref<8x4096xf32, #tpu.memory_space<vmem>> -> memref<1x4096xf32, #tpu.memory_space<vmem>>
    %dma_wait3A_601 = tpu.memref_squeeze %dma_wait3A_600 : memref<1x4096xf32, #tpu.memory_space<vmem>> -> memref<4096xf32, #tpu.memory_space<vmem>>
    %dma_wait3A_602 = arith.constant 0 : i32
    %dma_wait3A_603 = tpu.memref_slice %arg7[%squeeze3A_392, %dma_wait3A_602] : memref<128x4096xf32, #tpu.memory_space<vmem_shared>> -> memref<1x4096xf32, #tpu.memory_space<vmem_shared>>
    %dma_wait3A_604 = tpu.memref_squeeze %dma_wait3A_603 : memref<1x4096xf32, #tpu.memory_space<vmem_shared>> -> memref<4096xf32, #tpu.memory_space<vmem_shared>>
    tpu.wait_dma2 semaphore(%arg8 : memref<!tpu.dma_semaphore, #tpu.memory_space<semaphore_mem>>) src(%dma_wait3A_604 : memref<4096xf32, #tpu.memory_space<vmem_shared>>) dst(%dma_wait3A_601 : memref<4096xf32, #tpu.memory_space<vmem>>)
    %dma_wait3A_605 = arith.constant 1 : i32
    %dma_wait3A_606 = arith.constant 1 : i32
    %dma_wait3A_607 = arith.constant 0 : i32
    %dma_wait3A_608 = arith.constant 0 : i32
    %dma_wait3A_609 = tpu.memref_slice %arg6[%dma_wait3A_605, %dma_wait3A_607, %dma_wait3A_608] : memref<2x8x4096xf32, #tpu.memory_space<vmem>> -> memref<1x8x4096xf32, #tpu.memory_space<vmem>>
    %dma_wait3A_610 = tpu.memref_squeeze %dma_wait3A_609 : memref<1x8x4096xf32, #tpu.memory_space<vmem>> -> memref<8x4096xf32, #tpu.memory_space<vmem>>
    %dma_wait3A_611 = arith.constant 0 : i32
    %dma_wait3A_612 = tpu.memref_slice %dma_wait3A_610[%dma_wait3A_606, %dma_wait3A_611] : memref<8x4096xf32, #tpu.memory_space<vmem>> -> memref<1x4096xf32, #tpu.memory_space<vmem>>
    %dma_wait3A_613 = tpu.memref_squeeze %dma_wait3A_612 : memref<1x4096xf32, #tpu.memory_space<vmem>> -> memref<4096xf32, #tpu.memory_space<vmem>>
    %dma_wait3A_614 = arith.constant 0 : i32
    %dma_wait3A_615 = tpu.memref_slice %arg7[%squeeze3A_416, %dma_wait3A_614] : memref<128x4096xf32, #tpu.memory_space<vmem_shared>> -> memref<1x4096xf32, #tpu.memory_space<vmem_shared>>
    %dma_wait3A_616 = tpu.memref_squeeze %dma_wait3A_615 : memref<1x4096xf32, #tpu.memory_space<vmem_shared>> -> memref<4096xf32, #tpu.memory_space<vmem_shared>>
    %dma_wait3A_617 = arith.constant 0 : i32
    %dma_wait3A_618 = arith.constant 0 : i32
    %dma_wait3A_619 = tpu.memref_slice %arg6[%dma_wait3A_605, %dma_wait3A_617, %dma_wait3A_618] : memref<2x8x4096xf32, #tpu.memory_space<vmem>> -> memref<1x8x4096xf32, #tpu.memory_space<vmem>>
    %dma_wait3A_620 = tpu.memref_squeeze %dma_wait3A_619 : memref<1x8x4096xf32, #tpu.memory_space<vmem>> -> memref<8x4096xf32, #tpu.memory_space<vmem>>
    %dma_wait3A_621 = arith.constant 0 : i32
    %dma_wait3A_622 = tpu.memref_slice %dma_wait3A_620[%dma_wait3A_606, %dma_wait3A_621] : memref<8x4096xf32, #tpu.memory_space<vmem>> -> memref<1x4096xf32, #tpu.memory_space<vmem>>
    %dma_wait3A_623 = tpu.memref_squeeze %dma_wait3A_622 : memref<1x4096xf32, #tpu.memory_space<vmem>> -> memref<4096xf32, #tpu.memory_space<vmem>>
    %dma_wait3A_624 = arith.constant 0 : i32
    %dma_wait3A_625 = tpu.memref_slice %arg7[%squeeze3A_416, %dma_wait3A_624] : memref<128x4096xf32, #tpu.memory_space<vmem_shared>> -> memref<1x4096xf32, #tpu.memory_space<vmem_shared>>
    %dma_wait3A_626 = tpu.memref_squeeze %dma_wait3A_625 : memref<1x4096xf32, #tpu.memory_space<vmem_shared>> -> memref<4096xf32, #tpu.memory_space<vmem_shared>>
    tpu.wait_dma2 semaphore(%arg8 : memref<!tpu.dma_semaphore, #tpu.memory_space<semaphore_mem>>) src(%dma_wait3A_626 : memref<4096xf32, #tpu.memory_space<vmem_shared>>) dst(%dma_wait3A_623 : memref<4096xf32, #tpu.memory_space<vmem>>)
    %dma_wait3A_627 = arith.constant 1 : i32
    %dma_wait3A_628 = arith.constant 2 : i32
    %dma_wait3A_629 = arith.constant 0 : i32
    %dma_wait3A_630 = arith.constant 0 : i32
    %dma_wait3A_631 = tpu.memref_slice %arg6[%dma_wait3A_627, %dma_wait3A_629, %dma_wait3A_630] : memref<2x8x4096xf32, #tpu.memory_space<vmem>> -> memref<1x8x4096xf32, #tpu.memory_space<vmem>>
    %dma_wait3A_632 = tpu.memref_squeeze %dma_wait3A_631 : memref<1x8x4096xf32, #tpu.memory_space<vmem>> -> memref<8x4096xf32, #tpu.memory_space<vmem>>
    %dma_wait3A_633 = arith.constant 0 : i32
    %dma_wait3A_634 = tpu.memref_slice %dma_wait3A_632[%dma_wait3A_628, %dma_wait3A_633] : memref<8x4096xf32, #tpu.memory_space<vmem>> -> memref<1x4096xf32, #tpu.memory_space<vmem>>
    %dma_wait3A_635 = tpu.memref_squeeze %dma_wait3A_634 : memref<1x4096xf32, #tpu.memory_space<vmem>> -> memref<4096xf32, #tpu.memory_space<vmem>>
    %dma_wait3A_636 = arith.constant 0 : i32
    %dma_wait3A_637 = tpu.memref_slice %arg7[%squeeze3A_440, %dma_wait3A_636] : memref<128x4096xf32, #tpu.memory_space<vmem_shared>> -> memref<1x4096xf32, #tpu.memory_space<vmem_shared>>
    %dma_wait3A_638 = tpu.memref_squeeze %dma_wait3A_637 : memref<1x4096xf32, #tpu.memory_space<vmem_shared>> -> memref<4096xf32, #tpu.memory_space<vmem_shared>>
    %dma_wait3A_639 = arith.constant 0 : i32
    %dma_wait3A_640 = arith.constant 0 : i32
    %dma_wait3A_641 = tpu.memref_slice %arg6[%dma_wait3A_627, %dma_wait3A_639, %dma_wait3A_640] : memref<2x8x4096xf32, #tpu.memory_space<vmem>> -> memref<1x8x4096xf32, #tpu.memory_space<vmem>>
    %dma_wait3A_642 = tpu.memref_squeeze %dma_wait3A_641 : memref<1x8x4096xf32, #tpu.memory_space<vmem>> -> memref<8x4096xf32, #tpu.memory_space<vmem>>
    %dma_wait3A_643 = arith.constant 0 : i32
    %dma_wait3A_644 = tpu.memref_slice %dma_wait3A_642[%dma_wait3A_628, %dma_wait3A_643] : memref<8x4096xf32, #tpu.memory_space<vmem>> -> memref<1x4096xf32, #tpu.memory_space<vmem>>
    %dma_wait3A_645 = tpu.memref_squeeze %dma_wait3A_644 : memref<1x4096xf32, #tpu.memory_space<vmem>> -> memref<4096xf32, #tpu.memory_space<vmem>>
    %dma_wait3A_646 = arith.constant 0 : i32
    %dma_wait3A_647 = tpu.memref_slice %arg7[%squeeze3A_440, %dma_wait3A_646] : memref<128x4096xf32, #tpu.memory_space<vmem_shared>> -> memref<1x4096xf32, #tpu.memory_space<vmem_shared>>
    %dma_wait3A_648 = tpu.memref_squeeze %dma_wait3A_647 : memref<1x4096xf32, #tpu.memory_space<vmem_shared>> -> memref<4096xf32, #tpu.memory_space<vmem_shared>>
    tpu.wait_dma2 semaphore(%arg8 : memref<!tpu.dma_semaphore, #tpu.memory_space<semaphore_mem>>) src(%dma_wait3A_648 : memref<4096xf32, #tpu.memory_space<vmem_shared>>) dst(%dma_wait3A_645 : memref<4096xf32, #tpu.memory_space<vmem>>)
    %dma_wait3A_649 = arith.constant 1 : i32
    %dma_wait3A_650 = arith.constant 3 : i32
    %dma_wait3A_651 = arith.constant 0 : i32
    %dma_wait3A_652 = arith.constant 0 : i32
    %dma_wait3A_653 = tpu.memref_slice %arg6[%dma_wait3A_649, %dma_wait3A_651, %dma_wait3A_652] : memref<2x8x4096xf32, #tpu.memory_space<vmem>> -> memref<1x8x4096xf32, #tpu.memory_space<vmem>>
    %dma_wait3A_654 = tpu.memref_squeeze %dma_wait3A_653 : memref<1x8x4096xf32, #tpu.memory_space<vmem>> -> memref<8x4096xf32, #tpu.memory_space<vmem>>
    %dma_wait3A_655 = arith.constant 0 : i32
    %dma_wait3A_656 = tpu.memref_slice %dma_wait3A_654[%dma_wait3A_650, %dma_wait3A_655] : memref<8x4096xf32, #tpu.memory_space<vmem>> -> memref<1x4096xf32, #tpu.memory_space<vmem>>
    %dma_wait3A_657 = tpu.memref_squeeze %dma_wait3A_656 : memref<1x4096xf32, #tpu.memory_space<vmem>> -> memref<4096xf32, #tpu.memory_space<vmem>>
    %dma_wait3A_658 = arith.constant 0 : i32
    %dma_wait3A_659 = tpu.memref_slice %arg7[%squeeze3A_464, %dma_wait3A_658] : memref<128x4096xf32, #tpu.memory_space<vmem_shared>> -> memref<1x4096xf32, #tpu.memory_space<vmem_shared>>
    %dma_wait3A_660 = tpu.memref_squeeze %dma_wait3A_659 : memref<1x4096xf32, #tpu.memory_space<vmem_shared>> -> memref<4096xf32, #tpu.memory_space<vmem_shared>>
    %dma_wait3A_661 = arith.constant 0 : i32
    %dma_wait3A_662 = arith.constant 0 : i32
    %dma_wait3A_663 = tpu.memref_slice %arg6[%dma_wait3A_649, %dma_wait3A_661, %dma_wait3A_662] : memref<2x8x4096xf32, #tpu.memory_space<vmem>> -> memref<1x8x4096xf32, #tpu.memory_space<vmem>>
    %dma_wait3A_664 = tpu.memref_squeeze %dma_wait3A_663 : memref<1x8x4096xf32, #tpu.memory_space<vmem>> -> memref<8x4096xf32, #tpu.memory_space<vmem>>
    %dma_wait3A_665 = arith.constant 0 : i32
    %dma_wait3A_666 = tpu.memref_slice %dma_wait3A_664[%dma_wait3A_650, %dma_wait3A_665] : memref<8x4096xf32, #tpu.memory_space<vmem>> -> memref<1x4096xf32, #tpu.memory_space<vmem>>
    %dma_wait3A_667 = tpu.memref_squeeze %dma_wait3A_666 : memref<1x4096xf32, #tpu.memory_space<vmem>> -> memref<4096xf32, #tpu.memory_space<vmem>>
    %dma_wait3A_668 = arith.constant 0 : i32
    %dma_wait3A_669 = tpu.memref_slice %arg7[%squeeze3A_464, %dma_wait3A_668] : memref<128x4096xf32, #tpu.memory_space<vmem_shared>> -> memref<1x4096xf32, #tpu.memory_space<vmem_shared>>
    %dma_wait3A_670 = tpu.memref_squeeze %dma_wait3A_669 : memref<1x4096xf32, #tpu.memory_space<vmem_shared>> -> memref<4096xf32, #tpu.memory_space<vmem_shared>>
    tpu.wait_dma2 semaphore(%arg8 : memref<!tpu.dma_semaphore, #tpu.memory_space<semaphore_mem>>) src(%dma_wait3A_670 : memref<4096xf32, #tpu.memory_space<vmem_shared>>) dst(%dma_wait3A_667 : memref<4096xf32, #tpu.memory_space<vmem>>)
    %dma_wait3A_671 = arith.constant 1 : i32
    %dma_wait3A_672 = arith.constant 4 : i32
    %dma_wait3A_673 = arith.constant 0 : i32
    %dma_wait3A_674 = arith.constant 0 : i32
    %dma_wait3A_675 = tpu.memref_slice %arg6[%dma_wait3A_671, %dma_wait3A_673, %dma_wait3A_674] : memref<2x8x4096xf32, #tpu.memory_space<vmem>> -> memref<1x8x4096xf32, #tpu.memory_space<vmem>>
    %dma_wait3A_676 = tpu.memref_squeeze %dma_wait3A_675 : memref<1x8x4096xf32, #tpu.memory_space<vmem>> -> memref<8x4096xf32, #tpu.memory_space<vmem>>
    %dma_wait3A_677 = arith.constant 0 : i32
    %dma_wait3A_678 = tpu.memref_slice %dma_wait3A_676[%dma_wait3A_672, %dma_wait3A_677] : memref<8x4096xf32, #tpu.memory_space<vmem>> -> memref<1x4096xf32, #tpu.memory_space<vmem>>
    %dma_wait3A_679 = tpu.memref_squeeze %dma_wait3A_678 : memref<1x4096xf32, #tpu.memory_space<vmem>> -> memref<4096xf32, #tpu.memory_space<vmem>>
    %dma_wait3A_680 = arith.constant 0 : i32
    %dma_wait3A_681 = tpu.memref_slice %arg7[%squeeze3A_488, %dma_wait3A_680] : memref<128x4096xf32, #tpu.memory_space<vmem_shared>> -> memref<1x4096xf32, #tpu.memory_space<vmem_shared>>
    %dma_wait3A_682 = tpu.memref_squeeze %dma_wait3A_681 : memref<1x4096xf32, #tpu.memory_space<vmem_shared>> -> memref<4096xf32, #tpu.memory_space<vmem_shared>>
    %dma_wait3A_683 = arith.constant 0 : i32
    %dma_wait3A_684 = arith.constant 0 : i32
    %dma_wait3A_685 = tpu.memref_slice %arg6[%dma_wait3A_671, %dma_wait3A_683, %dma_wait3A_684] : memref<2x8x4096xf32, #tpu.memory_space<vmem>> -> memref<1x8x4096xf32, #tpu.memory_space<vmem>>
    %dma_wait3A_686 = tpu.memref_squeeze %dma_wait3A_685 : memref<1x8x4096xf32, #tpu.memory_space<vmem>> -> memref<8x4096xf32, #tpu.memory_space<vmem>>
    %dma_wait3A_687 = arith.constant 0 : i32
    %dma_wait3A_688 = tpu.memref_slice %dma_wait3A_686[%dma_wait3A_672, %dma_wait3A_687] : memref<8x4096xf32, #tpu.memory_space<vmem>> -> memref<1x4096xf32, #tpu.memory_space<vmem>>
    %dma_wait3A_689 = tpu.memref_squeeze %dma_wait3A_688 : memref<1x4096xf32, #tpu.memory_space<vmem>> -> memref<4096xf32, #tpu.memory_space<vmem>>
    %dma_wait3A_690 = arith.constant 0 : i32
    %dma_wait3A_691 = tpu.memref_slice %arg7[%squeeze3A_488, %dma_wait3A_690] : memref<128x4096xf32, #tpu.memory_space<vmem_shared>> -> memref<1x4096xf32, #tpu.memory_space<vmem_shared>>
    %dma_wait3A_692 = tpu.memref_squeeze %dma_wait3A_691 : memref<1x4096xf32, #tpu.memory_space<vmem_shared>> -> memref<4096xf32, #tpu.memory_space<vmem_shared>>
    tpu.wait_dma2 semaphore(%arg8 : memref<!tpu.dma_semaphore, #tpu.memory_space<semaphore_mem>>) src(%dma_wait3A_692 : memref<4096xf32, #tpu.memory_space<vmem_shared>>) dst(%dma_wait3A_689 : memref<4096xf32, #tpu.memory_space<vmem>>)
    %dma_wait3A_693 = arith.constant 1 : i32
    %dma_wait3A_694 = arith.constant 5 : i32
    %dma_wait3A_695 = arith.constant 0 : i32
    %dma_wait3A_696 = arith.constant 0 : i32
    %dma_wait3A_697 = tpu.memref_slice %arg6[%dma_wait3A_693, %dma_wait3A_695, %dma_wait3A_696] : memref<2x8x4096xf32, #tpu.memory_space<vmem>> -> memref<1x8x4096xf32, #tpu.memory_space<vmem>>
    %dma_wait3A_698 = tpu.memref_squeeze %dma_wait3A_697 : memref<1x8x4096xf32, #tpu.memory_space<vmem>> -> memref<8x4096xf32, #tpu.memory_space<vmem>>
    %dma_wait3A_699 = arith.constant 0 : i32
    %dma_wait3A_700 = tpu.memref_slice %dma_wait3A_698[%dma_wait3A_694, %dma_wait3A_699] : memref<8x4096xf32, #tpu.memory_space<vmem>> -> memref<1x4096xf32, #tpu.memory_space<vmem>>
    %dma_wait3A_701 = tpu.memref_squeeze %dma_wait3A_700 : memref<1x4096xf32, #tpu.memory_space<vmem>> -> memref<4096xf32, #tpu.memory_space<vmem>>
    %dma_wait3A_702 = arith.constant 0 : i32
    %dma_wait3A_703 = tpu.memref_slice %arg7[%squeeze3A_512, %dma_wait3A_702] : memref<128x4096xf32, #tpu.memory_space<vmem_shared>> -> memref<1x4096xf32, #tpu.memory_space<vmem_shared>>
    %dma_wait3A_704 = tpu.memref_squeeze %dma_wait3A_703 : memref<1x4096xf32, #tpu.memory_space<vmem_shared>> -> memref<4096xf32, #tpu.memory_space<vmem_shared>>
    %dma_wait3A_705 = arith.constant 0 : i32
    %dma_wait3A_706 = arith.constant 0 : i32
    %dma_wait3A_707 = tpu.memref_slice %arg6[%dma_wait3A_693, %dma_wait3A_705, %dma_wait3A_706] : memref<2x8x4096xf32, #tpu.memory_space<vmem>> -> memref<1x8x4096xf32, #tpu.memory_space<vmem>>
    %dma_wait3A_708 = tpu.memref_squeeze %dma_wait3A_707 : memref<1x8x4096xf32, #tpu.memory_space<vmem>> -> memref<8x4096xf32, #tpu.memory_space<vmem>>
    %dma_wait3A_709 = arith.constant 0 : i32
    %dma_wait3A_710 = tpu.memref_slice %dma_wait3A_708[%dma_wait3A_694, %dma_wait3A_709] : memref<8x4096xf32, #tpu.memory_space<vmem>> -> memref<1x4096xf32, #tpu.memory_space<vmem>>
    %dma_wait3A_711 = tpu.memref_squeeze %dma_wait3A_710 : memref<1x4096xf32, #tpu.memory_space<vmem>> -> memref<4096xf32, #tpu.memory_space<vmem>>
    %dma_wait3A_712 = arith.constant 0 : i32
    %dma_wait3A_713 = tpu.memref_slice %arg7[%squeeze3A_512, %dma_wait3A_712] : memref<128x4096xf32, #tpu.memory_space<vmem_shared>> -> memref<1x4096xf32, #tpu.memory_space<vmem_shared>>
    %dma_wait3A_714 = tpu.memref_squeeze %dma_wait3A_713 : memref<1x4096xf32, #tpu.memory_space<vmem_shared>> -> memref<4096xf32, #tpu.memory_space<vmem_shared>>
    tpu.wait_dma2 semaphore(%arg8 : memref<!tpu.dma_semaphore, #tpu.memory_space<semaphore_mem>>) src(%dma_wait3A_714 : memref<4096xf32, #tpu.memory_space<vmem_shared>>) dst(%dma_wait3A_711 : memref<4096xf32, #tpu.memory_space<vmem>>)
    %dma_wait3A_715 = arith.constant 1 : i32
    %dma_wait3A_716 = arith.constant 6 : i32
    %dma_wait3A_717 = arith.constant 0 : i32
    %dma_wait3A_718 = arith.constant 0 : i32
    %dma_wait3A_719 = tpu.memref_slice %arg6[%dma_wait3A_715, %dma_wait3A_717, %dma_wait3A_718] : memref<2x8x4096xf32, #tpu.memory_space<vmem>> -> memref<1x8x4096xf32, #tpu.memory_space<vmem>>
    %dma_wait3A_720 = tpu.memref_squeeze %dma_wait3A_719 : memref<1x8x4096xf32, #tpu.memory_space<vmem>> -> memref<8x4096xf32, #tpu.memory_space<vmem>>
    %dma_wait3A_721 = arith.constant 0 : i32
    %dma_wait3A_722 = tpu.memref_slice %dma_wait3A_720[%dma_wait3A_716, %dma_wait3A_721] : memref<8x4096xf32, #tpu.memory_space<vmem>> -> memref<1x4096xf32, #tpu.memory_space<vmem>>
    %dma_wait3A_723 = tpu.memref_squeeze %dma_wait3A_722 : memref<1x4096xf32, #tpu.memory_space<vmem>> -> memref<4096xf32, #tpu.memory_space<vmem>>
    %dma_wait3A_724 = arith.constant 0 : i32
    %dma_wait3A_725 = tpu.memref_slice %arg7[%squeeze3A_536, %dma_wait3A_724] : memref<128x4096xf32, #tpu.memory_space<vmem_shared>> -> memref<1x4096xf32, #tpu.memory_space<vmem_shared>>
    %dma_wait3A_726 = tpu.memref_squeeze %dma_wait3A_725 : memref<1x4096xf32, #tpu.memory_space<vmem_shared>> -> memref<4096xf32, #tpu.memory_space<vmem_shared>>
    %dma_wait3A_727 = arith.constant 0 : i32
    %dma_wait3A_728 = arith.constant 0 : i32
    %dma_wait3A_729 = tpu.memref_slice %arg6[%dma_wait3A_715, %dma_wait3A_727, %dma_wait3A_728] : memref<2x8x4096xf32, #tpu.memory_space<vmem>> -> memref<1x8x4096xf32, #tpu.memory_space<vmem>>
    %dma_wait3A_730 = tpu.memref_squeeze %dma_wait3A_729 : memref<1x8x4096xf32, #tpu.memory_space<vmem>> -> memref<8x4096xf32, #tpu.memory_space<vmem>>
    %dma_wait3A_731 = arith.constant 0 : i32
    %dma_wait3A_732 = tpu.memref_slice %dma_wait3A_730[%dma_wait3A_716, %dma_wait3A_731] : memref<8x4096xf32, #tpu.memory_space<vmem>> -> memref<1x4096xf32, #tpu.memory_space<vmem>>
    %dma_wait3A_733 = tpu.memref_squeeze %dma_wait3A_732 : memref<1x4096xf32, #tpu.memory_space<vmem>> -> memref<4096xf32, #tpu.memory_space<vmem>>
    %dma_wait3A_734 = arith.constant 0 : i32
    %dma_wait3A_735 = tpu.memref_slice %arg7[%squeeze3A_536, %dma_wait3A_734] : memref<128x4096xf32, #tpu.memory_space<vmem_shared>> -> memref<1x4096xf32, #tpu.memory_space<vmem_shared>>
    %dma_wait3A_736 = tpu.memref_squeeze %dma_wait3A_735 : memref<1x4096xf32, #tpu.memory_space<vmem_shared>> -> memref<4096xf32, #tpu.memory_space<vmem_shared>>
    tpu.wait_dma2 semaphore(%arg8 : memref<!tpu.dma_semaphore, #tpu.memory_space<semaphore_mem>>) src(%dma_wait3A_736 : memref<4096xf32, #tpu.memory_space<vmem_shared>>) dst(%dma_wait3A_733 : memref<4096xf32, #tpu.memory_space<vmem>>)
    %dma_wait3A_737 = arith.constant 1 : i32
    %dma_wait3A_738 = arith.constant 7 : i32
    %dma_wait3A_739 = arith.constant 0 : i32
    %dma_wait3A_740 = arith.constant 0 : i32
    %dma_wait3A_741 = tpu.memref_slice %arg6[%dma_wait3A_737, %dma_wait3A_739, %dma_wait3A_740] : memref<2x8x4096xf32, #tpu.memory_space<vmem>> -> memref<1x8x4096xf32, #tpu.memory_space<vmem>>
    %dma_wait3A_742 = tpu.memref_squeeze %dma_wait3A_741 : memref<1x8x4096xf32, #tpu.memory_space<vmem>> -> memref<8x4096xf32, #tpu.memory_space<vmem>>
    %dma_wait3A_743 = arith.constant 0 : i32
    %dma_wait3A_744 = tpu.memref_slice %dma_wait3A_742[%dma_wait3A_738, %dma_wait3A_743] : memref<8x4096xf32, #tpu.memory_space<vmem>> -> memref<1x4096xf32, #tpu.memory_space<vmem>>
    %dma_wait3A_745 = tpu.memref_squeeze %dma_wait3A_744 : memref<1x4096xf32, #tpu.memory_space<vmem>> -> memref<4096xf32, #tpu.memory_space<vmem>>
    %dma_wait3A_746 = arith.constant 0 : i32
    %dma_wait3A_747 = tpu.memref_slice %arg7[%squeeze3A_560, %dma_wait3A_746] : memref<128x4096xf32, #tpu.memory_space<vmem_shared>> -> memref<1x4096xf32, #tpu.memory_space<vmem_shared>>
    %dma_wait3A_748 = tpu.memref_squeeze %dma_wait3A_747 : memref<1x4096xf32, #tpu.memory_space<vmem_shared>> -> memref<4096xf32, #tpu.memory_space<vmem_shared>>
    %dma_wait3A_749 = arith.constant 0 : i32
    %dma_wait3A_750 = arith.constant 0 : i32
    %dma_wait3A_751 = tpu.memref_slice %arg6[%dma_wait3A_737, %dma_wait3A_749, %dma_wait3A_750] : memref<2x8x4096xf32, #tpu.memory_space<vmem>> -> memref<1x8x4096xf32, #tpu.memory_space<vmem>>
    %dma_wait3A_752 = tpu.memref_squeeze %dma_wait3A_751 : memref<1x8x4096xf32, #tpu.memory_space<vmem>> -> memref<8x4096xf32, #tpu.memory_space<vmem>>
    %dma_wait3A_753 = arith.constant 0 : i32
    %dma_wait3A_754 = tpu.memref_slice %dma_wait3A_752[%dma_wait3A_738, %dma_wait3A_753] : memref<8x4096xf32, #tpu.memory_space<vmem>> -> memref<1x4096xf32, #tpu.memory_space<vmem>>
    %dma_wait3A_755 = tpu.memref_squeeze %dma_wait3A_754 : memref<1x4096xf32, #tpu.memory_space<vmem>> -> memref<4096xf32, #tpu.memory_space<vmem>>
    %dma_wait3A_756 = arith.constant 0 : i32
    %dma_wait3A_757 = tpu.memref_slice %arg7[%squeeze3A_560, %dma_wait3A_756] : memref<128x4096xf32, #tpu.memory_space<vmem_shared>> -> memref<1x4096xf32, #tpu.memory_space<vmem_shared>>
    %dma_wait3A_758 = tpu.memref_squeeze %dma_wait3A_757 : memref<1x4096xf32, #tpu.memory_space<vmem_shared>> -> memref<4096xf32, #tpu.memory_space<vmem_shared>>
    tpu.wait_dma2 semaphore(%arg8 : memref<!tpu.dma_semaphore, #tpu.memory_space<semaphore_mem>>) src(%dma_wait3A_758 : memref<4096xf32, #tpu.memory_space<vmem_shared>>) dst(%dma_wait3A_755 : memref<4096xf32, #tpu.memory_space<vmem>>)
    %add3A_759 = arith.constant 8 : i32
    %add3A_760 = arith.addi %mul3A_2, %add3A_759 : i32
    %dma_start3A_761 = arith.constant 1 : i32
    %dma_start3A_762 = arith.constant 0 : i32
    %dma_start3A_763 = arith.constant 0 : i32
    %dma_start3A_764 = tpu.memref_slice %arg6[%dma_start3A_761, %dma_start3A_762, %dma_start3A_763] : memref<2x8x4096xf32, #tpu.memory_space<vmem>> -> memref<1x8x4096xf32, #tpu.memory_space<vmem>>
    %dma_start3A_765 = tpu.memref_squeeze %dma_start3A_764 : memref<1x8x4096xf32, #tpu.memory_space<vmem>> -> memref<8x4096xf32, #tpu.memory_space<vmem>>
    %dma_start3A_766 = arith.constant 0 : i32
    %dma_start3A_767 = tpu.memref_slice %arg4[%add3A_760, %dma_start3A_766] : memref<8192x4096xf32, #tpu.memory_space<hbm>> -> memref<8x4096xf32, #tpu.memory_space<hbm>>
    %dma_start3A_768 = arith.constant 0 : i32
    %dma_start3A_769 = tpu.memref_slice %arg4[%add3A_760, %dma_start3A_768] : memref<8192x4096xf32, #tpu.memory_space<hbm>> -> memref<8x4096xf32, #tpu.memory_space<hbm>>
    %dma_start3A_770 = arith.constant 0 : i32
    %dma_start3A_771 = arith.constant 0 : i32
    %dma_start3A_772 = tpu.memref_slice %arg6[%dma_start3A_761, %dma_start3A_770, %dma_start3A_771] : memref<2x8x4096xf32, #tpu.memory_space<vmem>> -> memref<1x8x4096xf32, #tpu.memory_space<vmem>>
    %dma_start3A_773 = tpu.memref_squeeze %dma_start3A_772 : memref<1x8x4096xf32, #tpu.memory_space<vmem>> -> memref<8x4096xf32, #tpu.memory_space<vmem>>
    tpu.enqueue_dma source(%dma_start3A_773 : memref<8x4096xf32, #tpu.memory_space<vmem>>) target(%dma_start3A_769 : memref<8x4096xf32, #tpu.memory_space<hbm>>) target_semaphore(%arg10 : memref<!tpu.dma_semaphore, #tpu.memory_space<semaphore_mem>>)
    %scan3A = arith.constant 0 : i32
    %scan3A_774 = arith.constant 0 : i32
    %scan3A_775 = arith.constant 15 : i32
    %scan3A_776 = arith.addi %scan3A_774, %scan3A_775 : i32
    %scan3A_777 = arith.constant 1 : i32
    scf.for %scan3A_809 = %scan3A_774 to %scan3A_776 step %scan3A_777  : i32 {
      %mul3A_810 = arith.constant 2 : i32
      %mul3A_811 = arith.muli %scan3A_809, %mul3A_810 : i32
      %add3A_812 = arith.constant 2 : i32
      %add3A_813 = arith.addi %add3A_812, %mul3A_811 : i32
      %add3A_814 = arith.constant 0 : i32
      %add3A_815 = arith.addi %add3A_813, %add3A_814 : i32
      %sub3A = arith.constant 2 : i32
      %sub3A_816 = arith.subi %add3A_815, %sub3A : i32
      %mul3A_817 = arith.constant 8 : i32
      %mul3A_818 = arith.muli %sub3A_816, %mul3A_817 : i32
      %add3A_819 = arith.addi %mul3A_2, %mul3A_818 : i32
      %dma_wait3A_820 = arith.constant 0 : i32
      %dma_wait3A_821 = arith.constant 0 : i32
      %dma_wait3A_822 = arith.constant 0 : i32
      %dma_wait3A_823 = tpu.memref_slice %arg6[%dma_wait3A_820, %dma_wait3A_821, %dma_wait3A_822] : memref<2x8x4096xf32, #tpu.memory_space<vmem>> -> memref<1x8x4096xf32, #tpu.memory_space<vmem>>
      %dma_wait3A_824 = tpu.memref_squeeze %dma_wait3A_823 : memref<1x8x4096xf32, #tpu.memory_space<vmem>> -> memref<8x4096xf32, #tpu.memory_space<vmem>>
      %dma_wait3A_825 = arith.constant 0 : i32
      %dma_wait3A_826 = tpu.memref_slice %arg4[%add3A_819, %dma_wait3A_825] : memref<8192x4096xf32, #tpu.memory_space<hbm>> -> memref<8x4096xf32, #tpu.memory_space<hbm>>
      %dma_wait3A_827 = arith.constant 0 : i32
      %dma_wait3A_828 = tpu.memref_slice %arg4[%add3A_819, %dma_wait3A_827] : memref<8192x4096xf32, #tpu.memory_space<hbm>> -> memref<8x4096xf32, #tpu.memory_space<hbm>>
      %dma_wait3A_829 = arith.constant 0 : i32
      %dma_wait3A_830 = arith.constant 0 : i32
      %dma_wait3A_831 = tpu.memref_slice %arg6[%dma_wait3A_820, %dma_wait3A_829, %dma_wait3A_830] : memref<2x8x4096xf32, #tpu.memory_space<vmem>> -> memref<1x8x4096xf32, #tpu.memory_space<vmem>>
      %dma_wait3A_832 = tpu.memref_squeeze %dma_wait3A_831 : memref<1x8x4096xf32, #tpu.memory_space<vmem>> -> memref<8x4096xf32, #tpu.memory_space<vmem>>
      tpu.wait_dma2 semaphore(%arg9 : memref<!tpu.dma_semaphore, #tpu.memory_space<semaphore_mem>>) src(%dma_wait3A_832 : memref<8x4096xf32, #tpu.memory_space<vmem>>) dst(%dma_wait3A_828 : memref<8x4096xf32, #tpu.memory_space<hbm>>)
      %mul3A_833 = arith.constant 8 : i32
      %mul3A_834 = arith.muli %add3A_815, %mul3A_833 : i32
      %get3A_835 = arith.index_cast %mul3A_834 : i32 to index
      %get3A_836 = tpu.vector_load %arg5[%get3A_835] {strides = array<i32>} : memref<264xi32, #tpu.memory_space<vmem>>, vector<16xi32>,
      %get3A_837 = vector.shape_cast %get3A_836 : vector<16xi32> to vector<16xi32>
      %slice3A_838 = vector.extract_strided_slice %get3A_837 {offsets = [0], sizes = [1], strides = [1]} : vector<16xi32> to vector<1xi32>
      %squeeze3A_839 = vector.extract %slice3A_838[0] : i32 from vector<1xi32>
      %dma_start3A_840 = arith.constant 0 : i32
      %dma_start3A_841 = arith.constant 0 : i32
      %dma_start3A_842 = arith.constant 0 : i32
      %dma_start3A_843 = arith.constant 0 : i32
      %dma_start3A_844 = tpu.memref_slice %arg6[%dma_start3A_840, %dma_start3A_842, %dma_start3A_843] : memref<2x8x4096xf32, #tpu.memory_space<vmem>> -> memref<1x8x4096xf32, #tpu.memory_space<vmem>>
      %dma_start3A_845 = tpu.memref_squeeze %dma_start3A_844 : memref<1x8x4096xf32, #tpu.memory_space<vmem>> -> memref<8x4096xf32, #tpu.memory_space<vmem>>
      %dma_start3A_846 = arith.constant 0 : i32
      %dma_start3A_847 = tpu.memref_slice %dma_start3A_845[%dma_start3A_841, %dma_start3A_846] : memref<8x4096xf32, #tpu.memory_space<vmem>> -> memref<1x4096xf32, #tpu.memory_space<vmem>>
      %dma_start3A_848 = tpu.memref_squeeze %dma_start3A_847 : memref<1x4096xf32, #tpu.memory_space<vmem>> -> memref<4096xf32, #tpu.memory_space<vmem>>
      %dma_start3A_849 = arith.constant 0 : i32
      %dma_start3A_850 = tpu.memref_slice %arg7[%squeeze3A_839, %dma_start3A_849] : memref<128x4096xf32, #tpu.memory_space<vmem_shared>> -> memref<1x4096xf32, #tpu.memory_space<vmem_shared>>
      %dma_start3A_851 = tpu.memref_squeeze %dma_start3A_850 : memref<1x4096xf32, #tpu.memory_space<vmem_shared>> -> memref<4096xf32, #tpu.memory_space<vmem_shared>>
      %dma_start3A_852 = arith.constant 0 : i32
      %dma_start3A_853 = arith.constant 0 : i32
      %dma_start3A_854 = tpu.memref_slice %arg6[%dma_start3A_840, %dma_start3A_852, %dma_start3A_853] : memref<2x8x4096xf32, #tpu.memory_space<vmem>> -> memref<1x8x4096xf32, #tpu.memory_space<vmem>>
      %dma_start3A_855 = tpu.memref_squeeze %dma_start3A_854 : memref<1x8x4096xf32, #tpu.memory_space<vmem>> -> memref<8x4096xf32, #tpu.memory_space<vmem>>
      %dma_start3A_856 = arith.constant 0 : i32
      %dma_start3A_857 = tpu.memref_slice %dma_start3A_855[%dma_start3A_841, %dma_start3A_856] : memref<8x4096xf32, #tpu.memory_space<vmem>> -> memref<1x4096xf32, #tpu.memory_space<vmem>>
      %dma_start3A_858 = tpu.memref_squeeze %dma_start3A_857 : memref<1x4096xf32, #tpu.memory_space<vmem>> -> memref<4096xf32, #tpu.memory_space<vmem>>
      %dma_start3A_859 = arith.constant 0 : i32
      %dma_start3A_860 = tpu.memref_slice %arg7[%squeeze3A_839, %dma_start3A_859] : memref<128x4096xf32, #tpu.memory_space<vmem_shared>> -> memref<1x4096xf32, #tpu.memory_space<vmem_shared>>
      %dma_start3A_861 = tpu.memref_squeeze %dma_start3A_860 : memref<1x4096xf32, #tpu.memory_space<vmem_shared>> -> memref<4096xf32, #tpu.memory_space<vmem_shared>>
      tpu.enqueue_dma source(%dma_start3A_861 : memref<4096xf32, #tpu.memory_space<vmem_shared>>) target(%dma_start3A_858 : memref<4096xf32, #tpu.memory_space<vmem>>) target_semaphore(%arg8 : memref<!tpu.dma_semaphore, #tpu.memory_space<semaphore_mem>>)
      %slice3A_862 = vector.extract_strided_slice %get3A_837 {offsets = [1], sizes = [1], strides = [1]} : vector<16xi32> to vector<1xi32>
      %squeeze3A_863 = vector.extract %slice3A_862[0] : i32 from vector<1xi32>
      %dma_start3A_864 = arith.constant 0 : i32
      %dma_start3A_865 = arith.constant 1 : i32
      %dma_start3A_866 = arith.constant 0 : i32
      %dma_start3A_867 = arith.constant 0 : i32
      %dma_start3A_868 = tpu.memref_slice %arg6[%dma_start3A_864, %dma_start3A_866, %dma_start3A_867] : memref<2x8x4096xf32, #tpu.memory_space<vmem>> -> memref<1x8x4096xf32, #tpu.memory_space<vmem>>
      %dma_start3A_869 = tpu.memref_squeeze %dma_start3A_868 : memref<1x8x4096xf32, #tpu.memory_space<vmem>> -> memref<8x4096xf32, #tpu.memory_space<vmem>>
      %dma_start3A_870 = arith.constant 0 : i32
      %dma_start3A_871 = tpu.memref_slice %dma_start3A_869[%dma_start3A_865, %dma_start3A_870] : memref<8x4096xf32, #tpu.memory_space<vmem>> -> memref<1x4096xf32, #tpu.memory_space<vmem>>
      %dma_start3A_872 = tpu.memref_squeeze %dma_start3A_871 : memref<1x4096xf32, #tpu.memory_space<vmem>> -> memref<4096xf32, #tpu.memory_space<vmem>>
      %dma_start3A_873 = arith.constant 0 : i32
      %dma_start3A_874 = tpu.memref_slice %arg7[%squeeze3A_863, %dma_start3A_873] : memref<128x4096xf32, #tpu.memory_space<vmem_shared>> -> memref<1x4096xf32, #tpu.memory_space<vmem_shared>>
      %dma_start3A_875 = tpu.memref_squeeze %dma_start3A_874 : memref<1x4096xf32, #tpu.memory_space<vmem_shared>> -> memref<4096xf32, #tpu.memory_space<vmem_shared>>
      %dma_start3A_876 = arith.constant 0 : i32
      %dma_start3A_877 = arith.constant 0 : i32
      %dma_start3A_878 = tpu.memref_slice %arg6[%dma_start3A_864, %dma_start3A_876, %dma_start3A_877] : memref<2x8x4096xf32, #tpu.memory_space<vmem>> -> memref<1x8x4096xf32, #tpu.memory_space<vmem>>
      %dma_start3A_879 = tpu.memref_squeeze %dma_start3A_878 : memref<1x8x4096xf32, #tpu.memory_space<vmem>> -> memref<8x4096xf32, #tpu.memory_space<vmem>>
      %dma_start3A_880 = arith.constant 0 : i32
      %dma_start3A_881 = tpu.memref_slice %dma_start3A_879[%dma_start3A_865, %dma_start3A_880] : memref<8x4096xf32, #tpu.memory_space<vmem>> -> memref<1x4096xf32, #tpu.memory_space<vmem>>
      %dma_start3A_882 = tpu.memref_squeeze %dma_start3A_881 : memref<1x4096xf32, #tpu.memory_space<vmem>> -> memref<4096xf32, #tpu.memory_space<vmem>>
      %dma_start3A_883 = arith.constant 0 : i32
      %dma_start3A_884 = tpu.memref_slice %arg7[%squeeze3A_863, %dma_start3A_883] : memref<128x4096xf32, #tpu.memory_space<vmem_shared>> -> memref<1x4096xf32, #tpu.memory_space<vmem_shared>>
      %dma_start3A_885 = tpu.memref_squeeze %dma_start3A_884 : memref<1x4096xf32, #tpu.memory_space<vmem_shared>> -> memref<4096xf32, #tpu.memory_space<vmem_shared>>
      tpu.enqueue_dma source(%dma_start3A_885 : memref<4096xf32, #tpu.memory_space<vmem_shared>>) target(%dma_start3A_882 : memref<4096xf32, #tpu.memory_space<vmem>>) target_semaphore(%arg8 : memref<!tpu.dma_semaphore, #tpu.memory_space<semaphore_mem>>)
      %slice3A_886 = vector.extract_strided_slice %get3A_837 {offsets = [2], sizes = [1], strides = [1]} : vector<16xi32> to vector<1xi32>
      %squeeze3A_887 = vector.extract %slice3A_886[0] : i32 from vector<1xi32>
      %dma_start3A_888 = arith.constant 0 : i32
      %dma_start3A_889 = arith.constant 2 : i32
      %dma_start3A_890 = arith.constant 0 : i32
      %dma_start3A_891 = arith.constant 0 : i32
      %dma_start3A_892 = tpu.memref_slice %arg6[%dma_start3A_888, %dma_start3A_890, %dma_start3A_891] : memref<2x8x4096xf32, #tpu.memory_space<vmem>> -> memref<1x8x4096xf32, #tpu.memory_space<vmem>>
      %dma_start3A_893 = tpu.memref_squeeze %dma_start3A_892 : memref<1x8x4096xf32, #tpu.memory_space<vmem>> -> memref<8x4096xf32, #tpu.memory_space<vmem>>
      %dma_start3A_894 = arith.constant 0 : i32
      %dma_start3A_895 = tpu.memref_slice %dma_start3A_893[%dma_start3A_889, %dma_start3A_894] : memref<8x4096xf32, #tpu.memory_space<vmem>> -> memref<1x4096xf32, #tpu.memory_space<vmem>>
      %dma_start3A_896 = tpu.memref_squeeze %dma_start3A_895 : memref<1x4096xf32, #tpu.memory_space<vmem>> -> memref<4096xf32, #tpu.memory_space<vmem>>
      %dma_start3A_897 = arith.constant 0 : i32
      %dma_start3A_898 = tpu.memref_slice %arg7[%squeeze3A_887, %dma_start3A_897] : memref<128x4096xf32, #tpu.memory_space<vmem_shared>> -> memref<1x4096xf32, #tpu.memory_space<vmem_shared>>
      %dma_start3A_899 = tpu.memref_squeeze %dma_start3A_898 : memref<1x4096xf32, #tpu.memory_space<vmem_shared>> -> memref<4096xf32, #tpu.memory_space<vmem_shared>>
      %dma_start3A_900 = arith.constant 0 : i32
      %dma_start3A_901 = arith.constant 0 : i32
      %dma_start3A_902 = tpu.memref_slice %arg6[%dma_start3A_888, %dma_start3A_900, %dma_start3A_901] : memref<2x8x4096xf32, #tpu.memory_space<vmem>> -> memref<1x8x4096xf32, #tpu.memory_space<vmem>>
      %dma_start3A_903 = tpu.memref_squeeze %dma_start3A_902 : memref<1x8x4096xf32, #tpu.memory_space<vmem>> -> memref<8x4096xf32, #tpu.memory_space<vmem>>
      %dma_start3A_904 = arith.constant 0 : i32
      %dma_start3A_905 = tpu.memref_slice %dma_start3A_903[%dma_start3A_889, %dma_start3A_904] : memref<8x4096xf32, #tpu.memory_space<vmem>> -> memref<1x4096xf32, #tpu.memory_space<vmem>>
      %dma_start3A_906 = tpu.memref_squeeze %dma_start3A_905 : memref<1x4096xf32, #tpu.memory_space<vmem>> -> memref<4096xf32, #tpu.memory_space<vmem>>
      %dma_start3A_907 = arith.constant 0 : i32
      %dma_start3A_908 = tpu.memref_slice %arg7[%squeeze3A_887, %dma_start3A_907] : memref<128x4096xf32, #tpu.memory_space<vmem_shared>> -> memref<1x4096xf32, #tpu.memory_space<vmem_shared>>
      %dma_start3A_909 = tpu.memref_squeeze %dma_start3A_908 : memref<1x4096xf32, #tpu.memory_space<vmem_shared>> -> memref<4096xf32, #tpu.memory_space<vmem_shared>>
      tpu.enqueue_dma source(%dma_start3A_909 : memref<4096xf32, #tpu.memory_space<vmem_shared>>) target(%dma_start3A_906 : memref<4096xf32, #tpu.memory_space<vmem>>) target_semaphore(%arg8 : memref<!tpu.dma_semaphore, #tpu.memory_space<semaphore_mem>>)
      %slice3A_910 = vector.extract_strided_slice %get3A_837 {offsets = [3], sizes = [1], strides = [1]} : vector<16xi32> to vector<1xi32>
      %squeeze3A_911 = vector.extract %slice3A_910[0] : i32 from vector<1xi32>
      %dma_start3A_912 = arith.constant 0 : i32
      %dma_start3A_913 = arith.constant 3 : i32
      %dma_start3A_914 = arith.constant 0 : i32
      %dma_start3A_915 = arith.constant 0 : i32
      %dma_start3A_916 = tpu.memref_slice %arg6[%dma_start3A_912, %dma_start3A_914, %dma_start3A_915] : memref<2x8x4096xf32, #tpu.memory_space<vmem>> -> memref<1x8x4096xf32, #tpu.memory_space<vmem>>
      %dma_start3A_917 = tpu.memref_squeeze %dma_start3A_916 : memref<1x8x4096xf32, #tpu.memory_space<vmem>> -> memref<8x4096xf32, #tpu.memory_space<vmem>>
      %dma_start3A_918 = arith.constant 0 : i32
      %dma_start3A_919 = tpu.memref_slice %dma_start3A_917[%dma_start3A_913, %dma_start3A_918] : memref<8x4096xf32, #tpu.memory_space<vmem>> -> memref<1x4096xf32, #tpu.memory_space<vmem>>
      %dma_start3A_920 = tpu.memref_squeeze %dma_start3A_919 : memref<1x4096xf32, #tpu.memory_space<vmem>> -> memref<4096xf32, #tpu.memory_space<vmem>>
      %dma_start3A_921 = arith.constant 0 : i32
      %dma_start3A_922 = tpu.memref_slice %arg7[%squeeze3A_911, %dma_start3A_921] : memref<128x4096xf32, #tpu.memory_space<vmem_shared>> -> memref<1x4096xf32, #tpu.memory_space<vmem_shared>>
      %dma_start3A_923 = tpu.memref_squeeze %dma_start3A_922 : memref<1x4096xf32, #tpu.memory_space<vmem_shared>> -> memref<4096xf32, #tpu.memory_space<vmem_shared>>
      %dma_start3A_924 = arith.constant 0 : i32
      %dma_start3A_925 = arith.constant 0 : i32
      %dma_start3A_926 = tpu.memref_slice %arg6[%dma_start3A_912, %dma_start3A_924, %dma_start3A_925] : memref<2x8x4096xf32, #tpu.memory_space<vmem>> -> memref<1x8x4096xf32, #tpu.memory_space<vmem>>
      %dma_start3A_927 = tpu.memref_squeeze %dma_start3A_926 : memref<1x8x4096xf32, #tpu.memory_space<vmem>> -> memref<8x4096xf32, #tpu.memory_space<vmem>>
      %dma_start3A_928 = arith.constant 0 : i32
      %dma_start3A_929 = tpu.memref_slice %dma_start3A_927[%dma_start3A_913, %dma_start3A_928] : memref<8x4096xf32, #tpu.memory_space<vmem>> -> memref<1x4096xf32, #tpu.memory_space<vmem>>
      %dma_start3A_930 = tpu.memref_squeeze %dma_start3A_929 : memref<1x4096xf32, #tpu.memory_space<vmem>> -> memref<4096xf32, #tpu.memory_space<vmem>>
      %dma_start3A_931 = arith.constant 0 : i32
      %dma_start3A_932 = tpu.memref_slice %arg7[%squeeze3A_911, %dma_start3A_931] : memref<128x4096xf32, #tpu.memory_space<vmem_shared>> -> memref<1x4096xf32, #tpu.memory_space<vmem_shared>>
      %dma_start3A_933 = tpu.memref_squeeze %dma_start3A_932 : memref<1x4096xf32, #tpu.memory_space<vmem_shared>> -> memref<4096xf32, #tpu.memory_space<vmem_shared>>
      tpu.enqueue_dma source(%dma_start3A_933 : memref<4096xf32, #tpu.memory_space<vmem_shared>>) target(%dma_start3A_930 : memref<4096xf32, #tpu.memory_space<vmem>>) target_semaphore(%arg8 : memref<!tpu.dma_semaphore, #tpu.memory_space<semaphore_mem>>)
      %slice3A_934 = vector.extract_strided_slice %get3A_837 {offsets = [4], sizes = [1], strides = [1]} : vector<16xi32> to vector<1xi32>
      %squeeze3A_935 = vector.extract %slice3A_934[0] : i32 from vector<1xi32>
      %dma_start3A_936 = arith.constant 0 : i32
      %dma_start3A_937 = arith.constant 4 : i32
      %dma_start3A_938 = arith.constant 0 : i32
      %dma_start3A_939 = arith.constant 0 : i32
      %dma_start3A_940 = tpu.memref_slice %arg6[%dma_start3A_936, %dma_start3A_938, %dma_start3A_939] : memref<2x8x4096xf32, #tpu.memory_space<vmem>> -> memref<1x8x4096xf32, #tpu.memory_space<vmem>>
      %dma_start3A_941 = tpu.memref_squeeze %dma_start3A_940 : memref<1x8x4096xf32, #tpu.memory_space<vmem>> -> memref<8x4096xf32, #tpu.memory_space<vmem>>
      %dma_start3A_942 = arith.constant 0 : i32
      %dma_start3A_943 = tpu.memref_slice %dma_start3A_941[%dma_start3A_937, %dma_start3A_942] : memref<8x4096xf32, #tpu.memory_space<vmem>> -> memref<1x4096xf32, #tpu.memory_space<vmem>>
      %dma_start3A_944 = tpu.memref_squeeze %dma_start3A_943 : memref<1x4096xf32, #tpu.memory_space<vmem>> -> memref<4096xf32, #tpu.memory_space<vmem>>
      %dma_start3A_945 = arith.constant 0 : i32
      %dma_start3A_946 = tpu.memref_slice %arg7[%squeeze3A_935, %dma_start3A_945] : memref<128x4096xf32, #tpu.memory_space<vmem_shared>> -> memref<1x4096xf32, #tpu.memory_space<vmem_shared>>
      %dma_start3A_947 = tpu.memref_squeeze %dma_start3A_946 : memref<1x4096xf32, #tpu.memory_space<vmem_shared>> -> memref<4096xf32, #tpu.memory_space<vmem_shared>>
      %dma_start3A_948 = arith.constant 0 : i32
      %dma_start3A_949 = arith.constant 0 : i32
      %dma_start3A_950 = tpu.memref_slice %arg6[%dma_start3A_936, %dma_start3A_948, %dma_start3A_949] : memref<2x8x4096xf32, #tpu.memory_space<vmem>> -> memref<1x8x4096xf32, #tpu.memory_space<vmem>>
      %dma_start3A_951 = tpu.memref_squeeze %dma_start3A_950 : memref<1x8x4096xf32, #tpu.memory_space<vmem>> -> memref<8x4096xf32, #tpu.memory_space<vmem>>
      %dma_start3A_952 = arith.constant 0 : i32
      %dma_start3A_953 = tpu.memref_slice %dma_start3A_951[%dma_start3A_937, %dma_start3A_952] : memref<8x4096xf32, #tpu.memory_space<vmem>> -> memref<1x4096xf32, #tpu.memory_space<vmem>>
      %dma_start3A_954 = tpu.memref_squeeze %dma_start3A_953 : memref<1x4096xf32, #tpu.memory_space<vmem>> -> memref<4096xf32, #tpu.memory_space<vmem>>
      %dma_start3A_955 = arith.constant 0 : i32
      %dma_start3A_956 = tpu.memref_slice %arg7[%squeeze3A_935, %dma_start3A_955] : memref<128x4096xf32, #tpu.memory_space<vmem_shared>> -> memref<1x4096xf32, #tpu.memory_space<vmem_shared>>
      %dma_start3A_957 = tpu.memref_squeeze %dma_start3A_956 : memref<1x4096xf32, #tpu.memory_space<vmem_shared>> -> memref<4096xf32, #tpu.memory_space<vmem_shared>>
      tpu.enqueue_dma source(%dma_start3A_957 : memref<4096xf32, #tpu.memory_space<vmem_shared>>) target(%dma_start3A_954 : memref<4096xf32, #tpu.memory_space<vmem>>) target_semaphore(%arg8 : memref<!tpu.dma_semaphore, #tpu.memory_space<semaphore_mem>>)
      %slice3A_958 = vector.extract_strided_slice %get3A_837 {offsets = [5], sizes = [1], strides = [1]} : vector<16xi32> to vector<1xi32>
      %squeeze3A_959 = vector.extract %slice3A_958[0] : i32 from vector<1xi32>
      %dma_start3A_960 = arith.constant 0 : i32
      %dma_start3A_961 = arith.constant 5 : i32
      %dma_start3A_962 = arith.constant 0 : i32
      %dma_start3A_963 = arith.constant 0 : i32
      %dma_start3A_964 = tpu.memref_slice %arg6[%dma_start3A_960, %dma_start3A_962, %dma_start3A_963] : memref<2x8x4096xf32, #tpu.memory_space<vmem>> -> memref<1x8x4096xf32, #tpu.memory_space<vmem>>
      %dma_start3A_965 = tpu.memref_squeeze %dma_start3A_964 : memref<1x8x4096xf32, #tpu.memory_space<vmem>> -> memref<8x4096xf32, #tpu.memory_space<vmem>>
      %dma_start3A_966 = arith.constant 0 : i32
      %dma_start3A_967 = tpu.memref_slice %dma_start3A_965[%dma_start3A_961, %dma_start3A_966] : memref<8x4096xf32, #tpu.memory_space<vmem>> -> memref<1x4096xf32, #tpu.memory_space<vmem>>
      %dma_start3A_968 = tpu.memref_squeeze %dma_start3A_967 : memref<1x4096xf32, #tpu.memory_space<vmem>> -> memref<4096xf32, #tpu.memory_space<vmem>>
      %dma_start3A_969 = arith.constant 0 : i32
      %dma_start3A_970 = tpu.memref_slice %arg7[%squeeze3A_959, %dma_start3A_969] : memref<128x4096xf32, #tpu.memory_space<vmem_shared>> -> memref<1x4096xf32, #tpu.memory_space<vmem_shared>>
      %dma_start3A_971 = tpu.memref_squeeze %dma_start3A_970 : memref<1x4096xf32, #tpu.memory_space<vmem_shared>> -> memref<4096xf32, #tpu.memory_space<vmem_shared>>
      %dma_start3A_972 = arith.constant 0 : i32
      %dma_start3A_973 = arith.constant 0 : i32
      %dma_start3A_974 = tpu.memref_slice %arg6[%dma_start3A_960, %dma_start3A_972, %dma_start3A_973] : memref<2x8x4096xf32, #tpu.memory_space<vmem>> -> memref<1x8x4096xf32, #tpu.memory_space<vmem>>
      %dma_start3A_975 = tpu.memref_squeeze %dma_start3A_974 : memref<1x8x4096xf32, #tpu.memory_space<vmem>> -> memref<8x4096xf32, #tpu.memory_space<vmem>>
      %dma_start3A_976 = arith.constant 0 : i32
      %dma_start3A_977 = tpu.memref_slice %dma_start3A_975[%dma_start3A_961, %dma_start3A_976] : memref<8x4096xf32, #tpu.memory_space<vmem>> -> memref<1x4096xf32, #tpu.memory_space<vmem>>
      %dma_start3A_978 = tpu.memref_squeeze %dma_start3A_977 : memref<1x4096xf32, #tpu.memory_space<vmem>> -> memref<4096xf32, #tpu.memory_space<vmem>>
      %dma_start3A_979 = arith.constant 0 : i32
      %dma_start3A_980 = tpu.memref_slice %arg7[%squeeze3A_959, %dma_start3A_979] : memref<128x4096xf32, #tpu.memory_space<vmem_shared>> -> memref<1x4096xf32, #tpu.memory_space<vmem_shared>>
      %dma_start3A_981 = tpu.memref_squeeze %dma_start3A_980 : memref<1x4096xf32, #tpu.memory_space<vmem_shared>> -> memref<4096xf32, #tpu.memory_space<vmem_shared>>
      tpu.enqueue_dma source(%dma_start3A_981 : memref<4096xf32, #tpu.memory_space<vmem_shared>>) target(%dma_start3A_978 : memref<4096xf32, #tpu.memory_space<vmem>>) target_semaphore(%arg8 : memref<!tpu.dma_semaphore, #tpu.memory_space<semaphore_mem>>)
      %slice3A_982 = vector.extract_strided_slice %get3A_837 {offsets = [6], sizes = [1], strides = [1]} : vector<16xi32> to vector<1xi32>
      %squeeze3A_983 = vector.extract %slice3A_982[0] : i32 from vector<1xi32>
      %dma_start3A_984 = arith.constant 0 : i32
      %dma_start3A_985 = arith.constant 6 : i32
      %dma_start3A_986 = arith.constant 0 : i32
      %dma_start3A_987 = arith.constant 0 : i32
      %dma_start3A_988 = tpu.memref_slice %arg6[%dma_start3A_984, %dma_start3A_986, %dma_start3A_987] : memref<2x8x4096xf32, #tpu.memory_space<vmem>> -> memref<1x8x4096xf32, #tpu.memory_space<vmem>>
      %dma_start3A_989 = tpu.memref_squeeze %dma_start3A_988 : memref<1x8x4096xf32, #tpu.memory_space<vmem>> -> memref<8x4096xf32, #tpu.memory_space<vmem>>
      %dma_start3A_990 = arith.constant 0 : i32
      %dma_start3A_991 = tpu.memref_slice %dma_start3A_989[%dma_start3A_985, %dma_start3A_990] : memref<8x4096xf32, #tpu.memory_space<vmem>> -> memref<1x4096xf32, #tpu.memory_space<vmem>>
      %dma_start3A_992 = tpu.memref_squeeze %dma_start3A_991 : memref<1x4096xf32, #tpu.memory_space<vmem>> -> memref<4096xf32, #tpu.memory_space<vmem>>
      %dma_start3A_993 = arith.constant 0 : i32
      %dma_start3A_994 = tpu.memref_slice %arg7[%squeeze3A_983, %dma_start3A_993] : memref<128x4096xf32, #tpu.memory_space<vmem_shared>> -> memref<1x4096xf32, #tpu.memory_space<vmem_shared>>
      %dma_start3A_995 = tpu.memref_squeeze %dma_start3A_994 : memref<1x4096xf32, #tpu.memory_space<vmem_shared>> -> memref<4096xf32, #tpu.memory_space<vmem_shared>>
      %dma_start3A_996 = arith.constant 0 : i32
      %dma_start3A_997 = arith.constant 0 : i32
      %dma_start3A_998 = tpu.memref_slice %arg6[%dma_start3A_984, %dma_start3A_996, %dma_start3A_997] : memref<2x8x4096xf32, #tpu.memory_space<vmem>> -> memref<1x8x4096xf32, #tpu.memory_space<vmem>>
      %dma_start3A_999 = tpu.memref_squeeze %dma_start3A_998 : memref<1x8x4096xf32, #tpu.memory_space<vmem>> -> memref<8x4096xf32, #tpu.memory_space<vmem>>
      %dma_start3A_1000 = arith.constant 0 : i32
      %dma_start3A_1001 = tpu.memref_slice %dma_start3A_999[%dma_start3A_985, %dma_start3A_1000] : memref<8x4096xf32, #tpu.memory_space<vmem>> -> memref<1x4096xf32, #tpu.memory_space<vmem>>
      %dma_start3A_1002 = tpu.memref_squeeze %dma_start3A_1001 : memref<1x4096xf32, #tpu.memory_space<vmem>> -> memref<4096xf32, #tpu.memory_space<vmem>>
      %dma_start3A_1003 = arith.constant 0 : i32
      %dma_start3A_1004 = tpu.memref_slice %arg7[%squeeze3A_983, %dma_start3A_1003] : memref<128x4096xf32, #tpu.memory_space<vmem_shared>> -> memref<1x4096xf32, #tpu.memory_space<vmem_shared>>
      %dma_start3A_1005 = tpu.memref_squeeze %dma_start3A_1004 : memref<1x4096xf32, #tpu.memory_space<vmem_shared>> -> memref<4096xf32, #tpu.memory_space<vmem_shared>>
      tpu.enqueue_dma source(%dma_start3A_1005 : memref<4096xf32, #tpu.memory_space<vmem_shared>>) target(%dma_start3A_1002 : memref<4096xf32, #tpu.memory_space<vmem>>) target_semaphore(%arg8 : memref<!tpu.dma_semaphore, #tpu.memory_space<semaphore_mem>>)
      %slice3A_1006 = vector.extract_strided_slice %get3A_837 {offsets = [7], sizes = [1], strides = [1]} : vector<16xi32> to vector<1xi32>
      %squeeze3A_1007 = vector.extract %slice3A_1006[0] : i32 from vector<1xi32>
      %dma_start3A_1008 = arith.constant 0 : i32
      %dma_start3A_1009 = arith.constant 7 : i32
      %dma_start3A_1010 = arith.constant 0 : i32
      %dma_start3A_1011 = arith.constant 0 : i32
      %dma_start3A_1012 = tpu.memref_slice %arg6[%dma_start3A_1008, %dma_start3A_1010, %dma_start3A_1011] : memref<2x8x4096xf32, #tpu.memory_space<vmem>> -> memref<1x8x4096xf32, #tpu.memory_space<vmem>>
      %dma_start3A_1013 = tpu.memref_squeeze %dma_start3A_1012 : memref<1x8x4096xf32, #tpu.memory_space<vmem>> -> memref<8x4096xf32, #tpu.memory_space<vmem>>
      %dma_start3A_1014 = arith.constant 0 : i32
      %dma_start3A_1015 = tpu.memref_slice %dma_start3A_1013[%dma_start3A_1009, %dma_start3A_1014] : memref<8x4096xf32, #tpu.memory_space<vmem>> -> memref<1x4096xf32, #tpu.memory_space<vmem>>
      %dma_start3A_1016 = tpu.memref_squeeze %dma_start3A_1015 : memref<1x4096xf32, #tpu.memory_space<vmem>> -> memref<4096xf32, #tpu.memory_space<vmem>>
      %dma_start3A_1017 = arith.constant 0 : i32
      %dma_start3A_1018 = tpu.memref_slice %arg7[%squeeze3A_1007, %dma_start3A_1017] : memref<128x4096xf32, #tpu.memory_space<vmem_shared>> -> memref<1x4096xf32, #tpu.memory_space<vmem_shared>>
      %dma_start3A_1019 = tpu.memref_squeeze %dma_start3A_1018 : memref<1x4096xf32, #tpu.memory_space<vmem_shared>> -> memref<4096xf32, #tpu.memory_space<vmem_shared>>
      %dma_start3A_1020 = arith.constant 0 : i32
      %dma_start3A_1021 = arith.constant 0 : i32
      %dma_start3A_1022 = tpu.memref_slice %arg6[%dma_start3A_1008, %dma_start3A_1020, %dma_start3A_1021] : memref<2x8x4096xf32, #tpu.memory_space<vmem>> -> memref<1x8x4096xf32, #tpu.memory_space<vmem>>
      %dma_start3A_1023 = tpu.memref_squeeze %dma_start3A_1022 : memref<1x8x4096xf32, #tpu.memory_space<vmem>> -> memref<8x4096xf32, #tpu.memory_space<vmem>>
      %dma_start3A_1024 = arith.constant 0 : i32
      %dma_start3A_1025 = tpu.memref_slice %dma_start3A_1023[%dma_start3A_1009, %dma_start3A_1024] : memref<8x4096xf32, #tpu.memory_space<vmem>> -> memref<1x4096xf32, #tpu.memory_space<vmem>>
      %dma_start3A_1026 = tpu.memref_squeeze %dma_start3A_1025 : memref<1x4096xf32, #tpu.memory_space<vmem>> -> memref<4096xf32, #tpu.memory_space<vmem>>
      %dma_start3A_1027 = arith.constant 0 : i32
      %dma_start3A_1028 = tpu.memref_slice %arg7[%squeeze3A_1007, %dma_start3A_1027] : memref<128x4096xf32, #tpu.memory_space<vmem_shared>> -> memref<1x4096xf32, #tpu.memory_space<vmem_shared>>
      %dma_start3A_1029 = tpu.memref_squeeze %dma_start3A_1028 : memref<1x4096xf32, #tpu.memory_space<vmem_shared>> -> memref<4096xf32, #tpu.memory_space<vmem_shared>>
      tpu.enqueue_dma source(%dma_start3A_1029 : memref<4096xf32, #tpu.memory_space<vmem_shared>>) target(%dma_start3A_1026 : memref<4096xf32, #tpu.memory_space<vmem>>) target_semaphore(%arg8 : memref<!tpu.dma_semaphore, #tpu.memory_space<semaphore_mem>>)
      %dma_wait3A_1030 = arith.constant 0 : i32
      %dma_wait3A_1031 = arith.constant 0 : i32
      %dma_wait3A_1032 = arith.constant 0 : i32
      %dma_wait3A_1033 = arith.constant 0 : i32
      %dma_wait3A_1034 = tpu.memref_slice %arg6[%dma_wait3A_1030, %dma_wait3A_1032, %dma_wait3A_1033] : memref<2x8x4096xf32, #tpu.memory_space<vmem>> -> memref<1x8x4096xf32, #tpu.memory_space<vmem>>
      %dma_wait3A_1035 = tpu.memref_squeeze %dma_wait3A_1034 : memref<1x8x4096xf32, #tpu.memory_space<vmem>> -> memref<8x4096xf32, #tpu.memory_space<vmem>>
      %dma_wait3A_1036 = arith.constant 0 : i32
      %dma_wait3A_1037 = tpu.memref_slice %dma_wait3A_1035[%dma_wait3A_1031, %dma_wait3A_1036] : memref<8x4096xf32, #tpu.memory_space<vmem>> -> memref<1x4096xf32, #tpu.memory_space<vmem>>
      %dma_wait3A_1038 = tpu.memref_squeeze %dma_wait3A_1037 : memref<1x4096xf32, #tpu.memory_space<vmem>> -> memref<4096xf32, #tpu.memory_space<vmem>>
      %dma_wait3A_1039 = arith.constant 0 : i32
      %dma_wait3A_1040 = tpu.memref_slice %arg7[%squeeze3A_839, %dma_wait3A_1039] : memref<128x4096xf32, #tpu.memory_space<vmem_shared>> -> memref<1x4096xf32, #tpu.memory_space<vmem_shared>>
      %dma_wait3A_1041 = tpu.memref_squeeze %dma_wait3A_1040 : memref<1x4096xf32, #tpu.memory_space<vmem_shared>> -> memref<4096xf32, #tpu.memory_space<vmem_shared>>
      %dma_wait3A_1042 = arith.constant 0 : i32
      %dma_wait3A_1043 = arith.constant 0 : i32
      %dma_wait3A_1044 = tpu.memref_slice %arg6[%dma_wait3A_1030, %dma_wait3A_1042, %dma_wait3A_1043] : memref<2x8x4096xf32, #tpu.memory_space<vmem>> -> memref<1x8x4096xf32, #tpu.memory_space<vmem>>
      %dma_wait3A_1045 = tpu.memref_squeeze %dma_wait3A_1044 : memref<1x8x4096xf32, #tpu.memory_space<vmem>> -> memref<8x4096xf32, #tpu.memory_space<vmem>>
      %dma_wait3A_1046 = arith.constant 0 : i32
      %dma_wait3A_1047 = tpu.memref_slice %dma_wait3A_1045[%dma_wait3A_1031, %dma_wait3A_1046] : memref<8x4096xf32, #tpu.memory_space<vmem>> -> memref<1x4096xf32, #tpu.memory_space<vmem>>
      %dma_wait3A_1048 = tpu.memref_squeeze %dma_wait3A_1047 : memref<1x4096xf32, #tpu.memory_space<vmem>> -> memref<4096xf32, #tpu.memory_space<vmem>>
      %dma_wait3A_1049 = arith.constant 0 : i32
      %dma_wait3A_1050 = tpu.memref_slice %arg7[%squeeze3A_839, %dma_wait3A_1049] : memref<128x4096xf32, #tpu.memory_space<vmem_shared>> -> memref<1x4096xf32, #tpu.memory_space<vmem_shared>>
      %dma_wait3A_1051 = tpu.memref_squeeze %dma_wait3A_1050 : memref<1x4096xf32, #tpu.memory_space<vmem_shared>> -> memref<4096xf32, #tpu.memory_space<vmem_shared>>
      tpu.wait_dma2 semaphore(%arg8 : memref<!tpu.dma_semaphore, #tpu.memory_space<semaphore_mem>>) src(%dma_wait3A_1051 : memref<4096xf32, #tpu.memory_space<vmem_shared>>) dst(%dma_wait3A_1048 : memref<4096xf32, #tpu.memory_space<vmem>>)
      %dma_wait3A_1052 = arith.constant 0 : i32
      %dma_wait3A_1053 = arith.constant 1 : i32
      %dma_wait3A_1054 = arith.constant 0 : i32
      %dma_wait3A_1055 = arith.constant 0 : i32
      %dma_wait3A_1056 = tpu.memref_slice %arg6[%dma_wait3A_1052, %dma_wait3A_1054, %dma_wait3A_1055] : memref<2x8x4096xf32, #tpu.memory_space<vmem>> -> memref<1x8x4096xf32, #tpu.memory_space<vmem>>
      %dma_wait3A_1057 = tpu.memref_squeeze %dma_wait3A_1056 : memref<1x8x4096xf32, #tpu.memory_space<vmem>> -> memref<8x4096xf32, #tpu.memory_space<vmem>>
      %dma_wait3A_1058 = arith.constant 0 : i32
      %dma_wait3A_1059 = tpu.memref_slice %dma_wait3A_1057[%dma_wait3A_1053, %dma_wait3A_1058] : memref<8x4096xf32, #tpu.memory_space<vmem>> -> memref<1x4096xf32, #tpu.memory_space<vmem>>
      %dma_wait3A_1060 = tpu.memref_squeeze %dma_wait3A_1059 : memref<1x4096xf32, #tpu.memory_space<vmem>> -> memref<4096xf32, #tpu.memory_space<vmem>>
      %dma_wait3A_1061 = arith.constant 0 : i32
      %dma_wait3A_1062 = tpu.memref_slice %arg7[%squeeze3A_863, %dma_wait3A_1061] : memref<128x4096xf32, #tpu.memory_space<vmem_shared>> -> memref<1x4096xf32, #tpu.memory_space<vmem_shared>>
      %dma_wait3A_1063 = tpu.memref_squeeze %dma_wait3A_1062 : memref<1x4096xf32, #tpu.memory_space<vmem_shared>> -> memref<4096xf32, #tpu.memory_space<vmem_shared>>
      %dma_wait3A_1064 = arith.constant 0 : i32
      %dma_wait3A_1065 = arith.constant 0 : i32
      %dma_wait3A_1066 = tpu.memref_slice %arg6[%dma_wait3A_1052, %dma_wait3A_1064, %dma_wait3A_1065] : memref<2x8x4096xf32, #tpu.memory_space<vmem>> -> memref<1x8x4096xf32, #tpu.memory_space<vmem>>
      %dma_wait3A_1067 = tpu.memref_squeeze %dma_wait3A_1066 : memref<1x8x4096xf32, #tpu.memory_space<vmem>> -> memref<8x4096xf32, #tpu.memory_space<vmem>>
      %dma_wait3A_1068 = arith.constant 0 : i32
      %dma_wait3A_1069 = tpu.memref_slice %dma_wait3A_1067[%dma_wait3A_1053, %dma_wait3A_1068] : memref<8x4096xf32, #tpu.memory_space<vmem>> -> memref<1x4096xf32, #tpu.memory_space<vmem>>
      %dma_wait3A_1070 = tpu.memref_squeeze %dma_wait3A_1069 : memref<1x4096xf32, #tpu.memory_space<vmem>> -> memref<4096xf32, #tpu.memory_space<vmem>>
      %dma_wait3A_1071 = arith.constant 0 : i32
      %dma_wait3A_1072 = tpu.memref_slice %arg7[%squeeze3A_863, %dma_wait3A_1071] : memref<128x4096xf32, #tpu.memory_space<vmem_shared>> -> memref<1x4096xf32, #tpu.memory_space<vmem_shared>>
      %dma_wait3A_1073 = tpu.memref_squeeze %dma_wait3A_1072 : memref<1x4096xf32, #tpu.memory_space<vmem_shared>> -> memref<4096xf32, #tpu.memory_space<vmem_shared>>
      tpu.wait_dma2 semaphore(%arg8 : memref<!tpu.dma_semaphore, #tpu.memory_space<semaphore_mem>>) src(%dma_wait3A_1073 : memref<4096xf32, #tpu.memory_space<vmem_shared>>) dst(%dma_wait3A_1070 : memref<4096xf32, #tpu.memory_space<vmem>>)
      %dma_wait3A_1074 = arith.constant 0 : i32
      %dma_wait3A_1075 = arith.constant 2 : i32
      %dma_wait3A_1076 = arith.constant 0 : i32
      %dma_wait3A_1077 = arith.constant 0 : i32
      %dma_wait3A_1078 = tpu.memref_slice %arg6[%dma_wait3A_1074, %dma_wait3A_1076, %dma_wait3A_1077] : memref<2x8x4096xf32, #tpu.memory_space<vmem>> -> memref<1x8x4096xf32, #tpu.memory_space<vmem>>
      %dma_wait3A_1079 = tpu.memref_squeeze %dma_wait3A_1078 : memref<1x8x4096xf32, #tpu.memory_space<vmem>> -> memref<8x4096xf32, #tpu.memory_space<vmem>>
      %dma_wait3A_1080 = arith.constant 0 : i32
      %dma_wait3A_1081 = tpu.memref_slice %dma_wait3A_1079[%dma_wait3A_1075, %dma_wait3A_1080] : memref<8x4096xf32, #tpu.memory_space<vmem>> -> memref<1x4096xf32, #tpu.memory_space<vmem>>
      %dma_wait3A_1082 = tpu.memref_squeeze %dma_wait3A_1081 : memref<1x4096xf32, #tpu.memory_space<vmem>> -> memref<4096xf32, #tpu.memory_space<vmem>>
      %dma_wait3A_1083 = arith.constant 0 : i32
      %dma_wait3A_1084 = tpu.memref_slice %arg7[%squeeze3A_887, %dma_wait3A_1083] : memref<128x4096xf32, #tpu.memory_space<vmem_shared>> -> memref<1x4096xf32, #tpu.memory_space<vmem_shared>>
      %dma_wait3A_1085 = tpu.memref_squeeze %dma_wait3A_1084 : memref<1x4096xf32, #tpu.memory_space<vmem_shared>> -> memref<4096xf32, #tpu.memory_space<vmem_shared>>
      %dma_wait3A_1086 = arith.constant 0 : i32
      %dma_wait3A_1087 = arith.constant 0 : i32
      %dma_wait3A_1088 = tpu.memref_slice %arg6[%dma_wait3A_1074, %dma_wait3A_1086, %dma_wait3A_1087] : memref<2x8x4096xf32, #tpu.memory_space<vmem>> -> memref<1x8x4096xf32, #tpu.memory_space<vmem>>
      %dma_wait3A_1089 = tpu.memref_squeeze %dma_wait3A_1088 : memref<1x8x4096xf32, #tpu.memory_space<vmem>> -> memref<8x4096xf32, #tpu.memory_space<vmem>>
      %dma_wait3A_1090 = arith.constant 0 : i32
      %dma_wait3A_1091 = tpu.memref_slice %dma_wait3A_1089[%dma_wait3A_1075, %dma_wait3A_1090] : memref<8x4096xf32, #tpu.memory_space<vmem>> -> memref<1x4096xf32, #tpu.memory_space<vmem>>
      %dma_wait3A_1092 = tpu.memref_squeeze %dma_wait3A_1091 : memref<1x4096xf32, #tpu.memory_space<vmem>> -> memref<4096xf32, #tpu.memory_space<vmem>>
      %dma_wait3A_1093 = arith.constant 0 : i32
      %dma_wait3A_1094 = tpu.memref_slice %arg7[%squeeze3A_887, %dma_wait3A_1093] : memref<128x4096xf32, #tpu.memory_space<vmem_shared>> -> memref<1x4096xf32, #tpu.memory_space<vmem_shared>>
      %dma_wait3A_1095 = tpu.memref_squeeze %dma_wait3A_1094 : memref<1x4096xf32, #tpu.memory_space<vmem_shared>> -> memref<4096xf32, #tpu.memory_space<vmem_shared>>
      tpu.wait_dma2 semaphore(%arg8 : memref<!tpu.dma_semaphore, #tpu.memory_space<semaphore_mem>>) src(%dma_wait3A_1095 : memref<4096xf32, #tpu.memory_space<vmem_shared>>) dst(%dma_wait3A_1092 : memref<4096xf32, #tpu.memory_space<vmem>>)
      %dma_wait3A_1096 = arith.constant 0 : i32
      %dma_wait3A_1097 = arith.constant 3 : i32
      %dma_wait3A_1098 = arith.constant 0 : i32
      %dma_wait3A_1099 = arith.constant 0 : i32
      %dma_wait3A_1100 = tpu.memref_slice %arg6[%dma_wait3A_1096, %dma_wait3A_1098, %dma_wait3A_1099] : memref<2x8x4096xf32, #tpu.memory_space<vmem>> -> memref<1x8x4096xf32, #tpu.memory_space<vmem>>
      %dma_wait3A_1101 = tpu.memref_squeeze %dma_wait3A_1100 : memref<1x8x4096xf32, #tpu.memory_space<vmem>> -> memref<8x4096xf32, #tpu.memory_space<vmem>>
      %dma_wait3A_1102 = arith.constant 0 : i32
      %dma_wait3A_1103 = tpu.memref_slice %dma_wait3A_1101[%dma_wait3A_1097, %dma_wait3A_1102] : memref<8x4096xf32, #tpu.memory_space<vmem>> -> memref<1x4096xf32, #tpu.memory_space<vmem>>
      %dma_wait3A_1104 = tpu.memref_squeeze %dma_wait3A_1103 : memref<1x4096xf32, #tpu.memory_space<vmem>> -> memref<4096xf32, #tpu.memory_space<vmem>>
      %dma_wait3A_1105 = arith.constant 0 : i32
      %dma_wait3A_1106 = tpu.memref_slice %arg7[%squeeze3A_911, %dma_wait3A_1105] : memref<128x4096xf32, #tpu.memory_space<vmem_shared>> -> memref<1x4096xf32, #tpu.memory_space<vmem_shared>>
      %dma_wait3A_1107 = tpu.memref_squeeze %dma_wait3A_1106 : memref<1x4096xf32, #tpu.memory_space<vmem_shared>> -> memref<4096xf32, #tpu.memory_space<vmem_shared>>
      %dma_wait3A_1108 = arith.constant 0 : i32
      %dma_wait3A_1109 = arith.constant 0 : i32
      %dma_wait3A_1110 = tpu.memref_slice %arg6[%dma_wait3A_1096, %dma_wait3A_1108, %dma_wait3A_1109] : memref<2x8x4096xf32, #tpu.memory_space<vmem>> -> memref<1x8x4096xf32, #tpu.memory_space<vmem>>
      %dma_wait3A_1111 = tpu.memref_squeeze %dma_wait3A_1110 : memref<1x8x4096xf32, #tpu.memory_space<vmem>> -> memref<8x4096xf32, #tpu.memory_space<vmem>>
      %dma_wait3A_1112 = arith.constant 0 : i32
      %dma_wait3A_1113 = tpu.memref_slice %dma_wait3A_1111[%dma_wait3A_1097, %dma_wait3A_1112] : memref<8x4096xf32, #tpu.memory_space<vmem>> -> memref<1x4096xf32, #tpu.memory_space<vmem>>
      %dma_wait3A_1114 = tpu.memref_squeeze %dma_wait3A_1113 : memref<1x4096xf32, #tpu.memory_space<vmem>> -> memref<4096xf32, #tpu.memory_space<vmem>>
      %dma_wait3A_1115 = arith.constant 0 : i32
      %dma_wait3A_1116 = tpu.memref_slice %arg7[%squeeze3A_911, %dma_wait3A_1115] : memref<128x4096xf32, #tpu.memory_space<vmem_shared>> -> memref<1x4096xf32, #tpu.memory_space<vmem_shared>>
      %dma_wait3A_1117 = tpu.memref_squeeze %dma_wait3A_1116 : memref<1x4096xf32, #tpu.memory_space<vmem_shared>> -> memref<4096xf32, #tpu.memory_space<vmem_shared>>
      tpu.wait_dma2 semaphore(%arg8 : memref<!tpu.dma_semaphore, #tpu.memory_space<semaphore_mem>>) src(%dma_wait3A_1117 : memref<4096xf32, #tpu.memory_space<vmem_shared>>) dst(%dma_wait3A_1114 : memref<4096xf32, #tpu.memory_space<vmem>>)
      %dma_wait3A_1118 = arith.constant 0 : i32
      %dma_wait3A_1119 = arith.constant 4 : i32
      %dma_wait3A_1120 = arith.constant 0 : i32
      %dma_wait3A_1121 = arith.constant 0 : i32
      %dma_wait3A_1122 = tpu.memref_slice %arg6[%dma_wait3A_1118, %dma_wait3A_1120, %dma_wait3A_1121] : memref<2x8x4096xf32, #tpu.memory_space<vmem>> -> memref<1x8x4096xf32, #tpu.memory_space<vmem>>
      %dma_wait3A_1123 = tpu.memref_squeeze %dma_wait3A_1122 : memref<1x8x4096xf32, #tpu.memory_space<vmem>> -> memref<8x4096xf32, #tpu.memory_space<vmem>>
      %dma_wait3A_1124 = arith.constant 0 : i32
      %dma_wait3A_1125 = tpu.memref_slice %dma_wait3A_1123[%dma_wait3A_1119, %dma_wait3A_1124] : memref<8x4096xf32, #tpu.memory_space<vmem>> -> memref<1x4096xf32, #tpu.memory_space<vmem>>
      %dma_wait3A_1126 = tpu.memref_squeeze %dma_wait3A_1125 : memref<1x4096xf32, #tpu.memory_space<vmem>> -> memref<4096xf32, #tpu.memory_space<vmem>>
      %dma_wait3A_1127 = arith.constant 0 : i32
      %dma_wait3A_1128 = tpu.memref_slice %arg7[%squeeze3A_935, %dma_wait3A_1127] : memref<128x4096xf32, #tpu.memory_space<vmem_shared>> -> memref<1x4096xf32, #tpu.memory_space<vmem_shared>>
      %dma_wait3A_1129 = tpu.memref_squeeze %dma_wait3A_1128 : memref<1x4096xf32, #tpu.memory_space<vmem_shared>> -> memref<4096xf32, #tpu.memory_space<vmem_shared>>
      %dma_wait3A_1130 = arith.constant 0 : i32
      %dma_wait3A_1131 = arith.constant 0 : i32
      %dma_wait3A_1132 = tpu.memref_slice %arg6[%dma_wait3A_1118, %dma_wait3A_1130, %dma_wait3A_1131] : memref<2x8x4096xf32, #tpu.memory_space<vmem>> -> memref<1x8x4096xf32, #tpu.memory_space<vmem>>
      %dma_wait3A_1133 = tpu.memref_squeeze %dma_wait3A_1132 : memref<1x8x4096xf32, #tpu.memory_space<vmem>> -> memref<8x4096xf32, #tpu.memory_space<vmem>>
      %dma_wait3A_1134 = arith.constant 0 : i32
      %dma_wait3A_1135 = tpu.memref_slice %dma_wait3A_1133[%dma_wait3A_1119, %dma_wait3A_1134] : memref<8x4096xf32, #tpu.memory_space<vmem>> -> memref<1x4096xf32, #tpu.memory_space<vmem>>
      %dma_wait3A_1136 = tpu.memref_squeeze %dma_wait3A_1135 : memref<1x4096xf32, #tpu.memory_space<vmem>> -> memref<4096xf32, #tpu.memory_space<vmem>>
      %dma_wait3A_1137 = arith.constant 0 : i32
      %dma_wait3A_1138 = tpu.memref_slice %arg7[%squeeze3A_935, %dma_wait3A_1137] : memref<128x4096xf32, #tpu.memory_space<vmem_shared>> -> memref<1x4096xf32, #tpu.memory_space<vmem_shared>>
      %dma_wait3A_1139 = tpu.memref_squeeze %dma_wait3A_1138 : memref<1x4096xf32, #tpu.memory_space<vmem_shared>> -> memref<4096xf32, #tpu.memory_space<vmem_shared>>
      tpu.wait_dma2 semaphore(%arg8 : memref<!tpu.dma_semaphore, #tpu.memory_space<semaphore_mem>>) src(%dma_wait3A_1139 : memref<4096xf32, #tpu.memory_space<vmem_shared>>) dst(%dma_wait3A_1136 : memref<4096xf32, #tpu.memory_space<vmem>>)
      %dma_wait3A_1140 = arith.constant 0 : i32
      %dma_wait3A_1141 = arith.constant 5 : i32
      %dma_wait3A_1142 = arith.constant 0 : i32
      %dma_wait3A_1143 = arith.constant 0 : i32
      %dma_wait3A_1144 = tpu.memref_slice %arg6[%dma_wait3A_1140, %dma_wait3A_1142, %dma_wait3A_1143] : memref<2x8x4096xf32, #tpu.memory_space<vmem>> -> memref<1x8x4096xf32, #tpu.memory_space<vmem>>
      %dma_wait3A_1145 = tpu.memref_squeeze %dma_wait3A_1144 : memref<1x8x4096xf32, #tpu.memory_space<vmem>> -> memref<8x4096xf32, #tpu.memory_space<vmem>>
      %dma_wait3A_1146 = arith.constant 0 : i32
      %dma_wait3A_1147 = tpu.memref_slice %dma_wait3A_1145[%dma_wait3A_1141, %dma_wait3A_1146] : memref<8x4096xf32, #tpu.memory_space<vmem>> -> memref<1x4096xf32, #tpu.memory_space<vmem>>
      %dma_wait3A_1148 = tpu.memref_squeeze %dma_wait3A_1147 : memref<1x4096xf32, #tpu.memory_space<vmem>> -> memref<4096xf32, #tpu.memory_space<vmem>>
      %dma_wait3A_1149 = arith.constant 0 : i32
      %dma_wait3A_1150 = tpu.memref_slice %arg7[%squeeze3A_959, %dma_wait3A_1149] : memref<128x4096xf32, #tpu.memory_space<vmem_shared>> -> memref<1x4096xf32, #tpu.memory_space<vmem_shared>>
      %dma_wait3A_1151 = tpu.memref_squeeze %dma_wait3A_1150 : memref<1x4096xf32, #tpu.memory_space<vmem_shared>> -> memref<4096xf32, #tpu.memory_space<vmem_shared>>
      %dma_wait3A_1152 = arith.constant 0 : i32
      %dma_wait3A_1153 = arith.constant 0 : i32
      %dma_wait3A_1154 = tpu.memref_slice %arg6[%dma_wait3A_1140, %dma_wait3A_1152, %dma_wait3A_1153] : memref<2x8x4096xf32, #tpu.memory_space<vmem>> -> memref<1x8x4096xf32, #tpu.memory_space<vmem>>
      %dma_wait3A_1155 = tpu.memref_squeeze %dma_wait3A_1154 : memref<1x8x4096xf32, #tpu.memory_space<vmem>> -> memref<8x4096xf32, #tpu.memory_space<vmem>>
      %dma_wait3A_1156 = arith.constant 0 : i32
      %dma_wait3A_1157 = tpu.memref_slice %dma_wait3A_1155[%dma_wait3A_1141, %dma_wait3A_1156] : memref<8x4096xf32, #tpu.memory_space<vmem>> -> memref<1x4096xf32, #tpu.memory_space<vmem>>
      %dma_wait3A_1158 = tpu.memref_squeeze %dma_wait3A_1157 : memref<1x4096xf32, #tpu.memory_space<vmem>> -> memref<4096xf32, #tpu.memory_space<vmem>>
      %dma_wait3A_1159 = arith.constant 0 : i32
      %dma_wait3A_1160 = tpu.memref_slice %arg7[%squeeze3A_959, %dma_wait3A_1159] : memref<128x4096xf32, #tpu.memory_space<vmem_shared>> -> memref<1x4096xf32, #tpu.memory_space<vmem_shared>>
      %dma_wait3A_1161 = tpu.memref_squeeze %dma_wait3A_1160 : memref<1x4096xf32, #tpu.memory_space<vmem_shared>> -> memref<4096xf32, #tpu.memory_space<vmem_shared>>
      tpu.wait_dma2 semaphore(%arg8 : memref<!tpu.dma_semaphore, #tpu.memory_space<semaphore_mem>>) src(%dma_wait3A_1161 : memref<4096xf32, #tpu.memory_space<vmem_shared>>) dst(%dma_wait3A_1158 : memref<4096xf32, #tpu.memory_space<vmem>>)
      %dma_wait3A_1162 = arith.constant 0 : i32
      %dma_wait3A_1163 = arith.constant 6 : i32
      %dma_wait3A_1164 = arith.constant 0 : i32
      %dma_wait3A_1165 = arith.constant 0 : i32
      %dma_wait3A_1166 = tpu.memref_slice %arg6[%dma_wait3A_1162, %dma_wait3A_1164, %dma_wait3A_1165] : memref<2x8x4096xf32, #tpu.memory_space<vmem>> -> memref<1x8x4096xf32, #tpu.memory_space<vmem>>
      %dma_wait3A_1167 = tpu.memref_squeeze %dma_wait3A_1166 : memref<1x8x4096xf32, #tpu.memory_space<vmem>> -> memref<8x4096xf32, #tpu.memory_space<vmem>>
      %dma_wait3A_1168 = arith.constant 0 : i32
      %dma_wait3A_1169 = tpu.memref_slice %dma_wait3A_1167[%dma_wait3A_1163, %dma_wait3A_1168] : memref<8x4096xf32, #tpu.memory_space<vmem>> -> memref<1x4096xf32, #tpu.memory_space<vmem>>
      %dma_wait3A_1170 = tpu.memref_squeeze %dma_wait3A_1169 : memref<1x4096xf32, #tpu.memory_space<vmem>> -> memref<4096xf32, #tpu.memory_space<vmem>>
      %dma_wait3A_1171 = arith.constant 0 : i32
      %dma_wait3A_1172 = tpu.memref_slice %arg7[%squeeze3A_983, %dma_wait3A_1171] : memref<128x4096xf32, #tpu.memory_space<vmem_shared>> -> memref<1x4096xf32, #tpu.memory_space<vmem_shared>>
      %dma_wait3A_1173 = tpu.memref_squeeze %dma_wait3A_1172 : memref<1x4096xf32, #tpu.memory_space<vmem_shared>> -> memref<4096xf32, #tpu.memory_space<vmem_shared>>
      %dma_wait3A_1174 = arith.constant 0 : i32
      %dma_wait3A_1175 = arith.constant 0 : i32
      %dma_wait3A_1176 = tpu.memref_slice %arg6[%dma_wait3A_1162, %dma_wait3A_1174, %dma_wait3A_1175] : memref<2x8x4096xf32, #tpu.memory_space<vmem>> -> memref<1x8x4096xf32, #tpu.memory_space<vmem>>
      %dma_wait3A_1177 = tpu.memref_squeeze %dma_wait3A_1176 : memref<1x8x4096xf32, #tpu.memory_space<vmem>> -> memref<8x4096xf32, #tpu.memory_space<vmem>>
      %dma_wait3A_1178 = arith.constant 0 : i32
      %dma_wait3A_1179 = tpu.memref_slice %dma_wait3A_1177[%dma_wait3A_1163, %dma_wait3A_1178] : memref<8x4096xf32, #tpu.memory_space<vmem>> -> memref<1x4096xf32, #tpu.memory_space<vmem>>
      %dma_wait3A_1180 = tpu.memref_squeeze %dma_wait3A_1179 : memref<1x4096xf32, #tpu.memory_space<vmem>> -> memref<4096xf32, #tpu.memory_space<vmem>>
      %dma_wait3A_1181 = arith.constant 0 : i32
      %dma_wait3A_1182 = tpu.memref_slice %arg7[%squeeze3A_983, %dma_wait3A_1181] : memref<128x4096xf32, #tpu.memory_space<vmem_shared>> -> memref<1x4096xf32, #tpu.memory_space<vmem_shared>>
      %dma_wait3A_1183 = tpu.memref_squeeze %dma_wait3A_1182 : memref<1x4096xf32, #tpu.memory_space<vmem_shared>> -> memref<4096xf32, #tpu.memory_space<vmem_shared>>
      tpu.wait_dma2 semaphore(%arg8 : memref<!tpu.dma_semaphore, #tpu.memory_space<semaphore_mem>>) src(%dma_wait3A_1183 : memref<4096xf32, #tpu.memory_space<vmem_shared>>) dst(%dma_wait3A_1180 : memref<4096xf32, #tpu.memory_space<vmem>>)
      %dma_wait3A_1184 = arith.constant 0 : i32
      %dma_wait3A_1185 = arith.constant 7 : i32
      %dma_wait3A_1186 = arith.constant 0 : i32
      %dma_wait3A_1187 = arith.constant 0 : i32
      %dma_wait3A_1188 = tpu.memref_slice %arg6[%dma_wait3A_1184, %dma_wait3A_1186, %dma_wait3A_1187] : memref<2x8x4096xf32, #tpu.memory_space<vmem>> -> memref<1x8x4096xf32, #tpu.memory_space<vmem>>
      %dma_wait3A_1189 = tpu.memref_squeeze %dma_wait3A_1188 : memref<1x8x4096xf32, #tpu.memory_space<vmem>> -> memref<8x4096xf32, #tpu.memory_space<vmem>>
      %dma_wait3A_1190 = arith.constant 0 : i32
      %dma_wait3A_1191 = tpu.memref_slice %dma_wait3A_1189[%dma_wait3A_1185, %dma_wait3A_1190] : memref<8x4096xf32, #tpu.memory_space<vmem>> -> memref<1x4096xf32, #tpu.memory_space<vmem>>
      %dma_wait3A_1192 = tpu.memref_squeeze %dma_wait3A_1191 : memref<1x4096xf32, #tpu.memory_space<vmem>> -> memref<4096xf32, #tpu.memory_space<vmem>>
      %dma_wait3A_1193 = arith.constant 0 : i32
      %dma_wait3A_1194 = tpu.memref_slice %arg7[%squeeze3A_1007, %dma_wait3A_1193] : memref<128x4096xf32, #tpu.memory_space<vmem_shared>> -> memref<1x4096xf32, #tpu.memory_space<vmem_shared>>
      %dma_wait3A_1195 = tpu.memref_squeeze %dma_wait3A_1194 : memref<1x4096xf32, #tpu.memory_space<vmem_shared>> -> memref<4096xf32, #tpu.memory_space<vmem_shared>>
      %dma_wait3A_1196 = arith.constant 0 : i32
      %dma_wait3A_1197 = arith.constant 0 : i32
      %dma_wait3A_1198 = tpu.memref_slice %arg6[%dma_wait3A_1184, %dma_wait3A_1196, %dma_wait3A_1197] : memref<2x8x4096xf32, #tpu.memory_space<vmem>> -> memref<1x8x4096xf32, #tpu.memory_space<vmem>>
      %dma_wait3A_1199 = tpu.memref_squeeze %dma_wait3A_1198 : memref<1x8x4096xf32, #tpu.memory_space<vmem>> -> memref<8x4096xf32, #tpu.memory_space<vmem>>
      %dma_wait3A_1200 = arith.constant 0 : i32
      %dma_wait3A_1201 = tpu.memref_slice %dma_wait3A_1199[%dma_wait3A_1185, %dma_wait3A_1200] : memref<8x4096xf32, #tpu.memory_space<vmem>> -> memref<1x4096xf32, #tpu.memory_space<vmem>>
      %dma_wait3A_1202 = tpu.memref_squeeze %dma_wait3A_1201 : memref<1x4096xf32, #tpu.memory_space<vmem>> -> memref<4096xf32, #tpu.memory_space<vmem>>
      %dma_wait3A_1203 = arith.constant 0 : i32
      %dma_wait3A_1204 = tpu.memref_slice %arg7[%squeeze3A_1007, %dma_wait3A_1203] : memref<128x4096xf32, #tpu.memory_space<vmem_shared>> -> memref<1x4096xf32, #tpu.memory_space<vmem_shared>>
      %dma_wait3A_1205 = tpu.memref_squeeze %dma_wait3A_1204 : memref<1x4096xf32, #tpu.memory_space<vmem_shared>> -> memref<4096xf32, #tpu.memory_space<vmem_shared>>
      tpu.wait_dma2 semaphore(%arg8 : memref<!tpu.dma_semaphore, #tpu.memory_space<semaphore_mem>>) src(%dma_wait3A_1205 : memref<4096xf32, #tpu.memory_space<vmem_shared>>) dst(%dma_wait3A_1202 : memref<4096xf32, #tpu.memory_space<vmem>>)
      %mul3A_1206 = arith.constant 8 : i32
      %mul3A_1207 = arith.muli %add3A_815, %mul3A_1206 : i32
      %add3A_1208 = arith.addi %mul3A_2, %mul3A_1207 : i32
      %dma_start3A_1209 = arith.constant 0 : i32
      %dma_start3A_1210 = arith.constant 0 : i32
      %dma_start3A_1211 = arith.constant 0 : i32
      %dma_start3A_1212 = tpu.memref_slice %arg6[%dma_start3A_1209, %dma_start3A_1210, %dma_start3A_1211] : memref<2x8x4096xf32, #tpu.memory_space<vmem>> -> memref<1x8x4096xf32, #tpu.memory_space<vmem>>
      %dma_start3A_1213 = tpu.memref_squeeze %dma_start3A_1212 : memref<1x8x4096xf32, #tpu.memory_space<vmem>> -> memref<8x4096xf32, #tpu.memory_space<vmem>>
      %dma_start3A_1214 = arith.constant 0 : i32
      %dma_start3A_1215 = tpu.memref_slice %arg4[%add3A_1208, %dma_start3A_1214] : memref<8192x4096xf32, #tpu.memory_space<hbm>> -> memref<8x4096xf32, #tpu.memory_space<hbm>>
      %dma_start3A_1216 = arith.constant 0 : i32
      %dma_start3A_1217 = tpu.memref_slice %arg4[%add3A_1208, %dma_start3A_1216] : memref<8192x4096xf32, #tpu.memory_space<hbm>> -> memref<8x4096xf32, #tpu.memory_space<hbm>>
      %dma_start3A_1218 = arith.constant 0 : i32
      %dma_start3A_1219 = arith.constant 0 : i32
      %dma_start3A_1220 = tpu.memref_slice %arg6[%dma_start3A_1209, %dma_start3A_1218, %dma_start3A_1219] : memref<2x8x4096xf32, #tpu.memory_space<vmem>> -> memref<1x8x4096xf32, #tpu.memory_space<vmem>>
      %dma_start3A_1221 = tpu.memref_squeeze %dma_start3A_1220 : memref<1x8x4096xf32, #tpu.memory_space<vmem>> -> memref<8x4096xf32, #tpu.memory_space<vmem>>
      tpu.enqueue_dma source(%dma_start3A_1221 : memref<8x4096xf32, #tpu.memory_space<vmem>>) target(%dma_start3A_1217 : memref<8x4096xf32, #tpu.memory_space<hbm>>) target_semaphore(%arg9 : memref<!tpu.dma_semaphore, #tpu.memory_space<semaphore_mem>>)
      %mul3A_1222 = arith.constant 2 : i32
      %mul3A_1223 = arith.muli %scan3A_809, %mul3A_1222 : i32
      %add3A_1224 = arith.constant 2 : i32
      %add3A_1225 = arith.addi %add3A_1224, %mul3A_1223 : i32
      %add3A_1226 = arith.constant 1 : i32
      %add3A_1227 = arith.addi %add3A_1225, %add3A_1226 : i32
      %sub3A_1228 = arith.constant 2 : i32
      %sub3A_1229 = arith.subi %add3A_1227, %sub3A_1228 : i32
      %mul3A_1230 = arith.constant 8 : i32
      %mul3A_1231 = arith.muli %sub3A_1229, %mul3A_1230 : i32
      %add3A_1232 = arith.addi %mul3A_2, %mul3A_1231 : i32
      %dma_wait3A_1233 = arith.constant 1 : i32
      %dma_wait3A_1234 = arith.constant 0 : i32
      %dma_wait3A_1235 = arith.constant 0 : i32
      %dma_wait3A_1236 = tpu.memref_slice %arg6[%dma_wait3A_1233, %dma_wait3A_1234, %dma_wait3A_1235] : memref<2x8x4096xf32, #tpu.memory_space<vmem>> -> memref<1x8x4096xf32, #tpu.memory_space<vmem>>
      %dma_wait3A_1237 = tpu.memref_squeeze %dma_wait3A_1236 : memref<1x8x4096xf32, #tpu.memory_space<vmem>> -> memref<8x4096xf32, #tpu.memory_space<vmem>>
      %dma_wait3A_1238 = arith.constant 0 : i32
      %dma_wait3A_1239 = tpu.memref_slice %arg4[%add3A_1232, %dma_wait3A_1238] : memref<8192x4096xf32, #tpu.memory_space<hbm>> -> memref<8x4096xf32, #tpu.memory_space<hbm>>
      %dma_wait3A_1240 = arith.constant 0 : i32
      %dma_wait3A_1241 = tpu.memref_slice %arg4[%add3A_1232, %dma_wait3A_1240] : memref<8192x4096xf32, #tpu.memory_space<hbm>> -> memref<8x4096xf32, #tpu.memory_space<hbm>>
      %dma_wait3A_1242 = arith.constant 0 : i32
      %dma_wait3A_1243 = arith.constant 0 : i32
      %dma_wait3A_1244 = tpu.memref_slice %arg6[%dma_wait3A_1233, %dma_wait3A_1242, %dma_wait3A_1243] : memref<2x8x4096xf32, #tpu.memory_space<vmem>> -> memref<1x8x4096xf32, #tpu.memory_space<vmem>>
      %dma_wait3A_1245 = tpu.memref_squeeze %dma_wait3A_1244 : memref<1x8x4096xf32, #tpu.memory_space<vmem>> -> memref<8x4096xf32, #tpu.memory_space<vmem>>
      tpu.wait_dma2 semaphore(%arg10 : memref<!tpu.dma_semaphore, #tpu.memory_space<semaphore_mem>>) src(%dma_wait3A_1245 : memref<8x4096xf32, #tpu.memory_space<vmem>>) dst(%dma_wait3A_1241 : memref<8x4096xf32, #tpu.memory_space<hbm>>)
      %mul3A_1246 = arith.constant 8 : i32
      %mul3A_1247 = arith.muli %add3A_1227, %mul3A_1246 : i32
      %get3A_1248 = arith.index_cast %mul3A_1247 : i32 to index
      %get3A_1249 = tpu.vector_load %arg5[%get3A_1248] {strides = array<i32>} : memref<264xi32, #tpu.memory_space<vmem>>, vector<16xi32>,
      %get3A_1250 = vector.shape_cast %get3A_1249 : vector<16xi32> to vector<16xi32>
      %slice3A_1251 = vector.extract_strided_slice %get3A_1250 {offsets = [0], sizes = [1], strides = [1]} : vector<16xi32> to vector<1xi32>
      %squeeze3A_1252 = vector.extract %slice3A_1251[0] : i32 from vector<1xi32>
      %dma_start3A_1253 = arith.constant 1 : i32
      %dma_start3A_1254 = arith.constant 0 : i32
      %dma_start3A_1255 = arith.constant 0 : i32
      %dma_start3A_1256 = arith.constant 0 : i32
      %dma_start3A_1257 = tpu.memref_slice %arg6[%dma_start3A_1253, %dma_start3A_1255, %dma_start3A_1256] : memref<2x8x4096xf32, #tpu.memory_space<vmem>> -> memref<1x8x4096xf32, #tpu.memory_space<vmem>>
      %dma_start3A_1258 = tpu.memref_squeeze %dma_start3A_1257 : memref<1x8x4096xf32, #tpu.memory_space<vmem>> -> memref<8x4096xf32, #tpu.memory_space<vmem>>
      %dma_start3A_1259 = arith.constant 0 : i32
      %dma_start3A_1260 = tpu.memref_slice %dma_start3A_1258[%dma_start3A_1254, %dma_start3A_1259] : memref<8x4096xf32, #tpu.memory_space<vmem>> -> memref<1x4096xf32, #tpu.memory_space<vmem>>
      %dma_start3A_1261 = tpu.memref_squeeze %dma_start3A_1260 : memref<1x4096xf32, #tpu.memory_space<vmem>> -> memref<4096xf32, #tpu.memory_space<vmem>>
      %dma_start3A_1262 = arith.constant 0 : i32
      %dma_start3A_1263 = tpu.memref_slice %arg7[%squeeze3A_1252, %dma_start3A_1262] : memref<128x4096xf32, #tpu.memory_space<vmem_shared>> -> memref<1x4096xf32, #tpu.memory_space<vmem_shared>>
      %dma_start3A_1264 = tpu.memref_squeeze %dma_start3A_1263 : memref<1x4096xf32, #tpu.memory_space<vmem_shared>> -> memref<4096xf32, #tpu.memory_space<vmem_shared>>
      %dma_start3A_1265 = arith.constant 0 : i32
      %dma_start3A_1266 = arith.constant 0 : i32
      %dma_start3A_1267 = tpu.memref_slice %arg6[%dma_start3A_1253, %dma_start3A_1265, %dma_start3A_1266] : memref<2x8x4096xf32, #tpu.memory_space<vmem>> -> memref<1x8x4096xf32, #tpu.memory_space<vmem>>
      %dma_start3A_1268 = tpu.memref_squeeze %dma_start3A_1267 : memref<1x8x4096xf32, #tpu.memory_space<vmem>> -> memref<8x4096xf32, #tpu.memory_space<vmem>>
      %dma_start3A_1269 = arith.constant 0 : i32
      %dma_start3A_1270 = tpu.memref_slice %dma_start3A_1268[%dma_start3A_1254, %dma_start3A_1269] : memref<8x4096xf32, #tpu.memory_space<vmem>> -> memref<1x4096xf32, #tpu.memory_space<vmem>>
      %dma_start3A_1271 = tpu.memref_squeeze %dma_start3A_1270 : memref<1x4096xf32, #tpu.memory_space<vmem>> -> memref<4096xf32, #tpu.memory_space<vmem>>
      %dma_start3A_1272 = arith.constant 0 : i32
      %dma_start3A_1273 = tpu.memref_slice %arg7[%squeeze3A_1252, %dma_start3A_1272] : memref<128x4096xf32, #tpu.memory_space<vmem_shared>> -> memref<1x4096xf32, #tpu.memory_space<vmem_shared>>
      %dma_start3A_1274 = tpu.memref_squeeze %dma_start3A_1273 : memref<1x4096xf32, #tpu.memory_space<vmem_shared>> -> memref<4096xf32, #tpu.memory_space<vmem_shared>>
      tpu.enqueue_dma source(%dma_start3A_1274 : memref<4096xf32, #tpu.memory_space<vmem_shared>>) target(%dma_start3A_1271 : memref<4096xf32, #tpu.memory_space<vmem>>) target_semaphore(%arg8 : memref<!tpu.dma_semaphore, #tpu.memory_space<semaphore_mem>>)
      %slice3A_1275 = vector.extract_strided_slice %get3A_1250 {offsets = [1], sizes = [1], strides = [1]} : vector<16xi32> to vector<1xi32>
      %squeeze3A_1276 = vector.extract %slice3A_1275[0] : i32 from vector<1xi32>
      %dma_start3A_1277 = arith.constant 1 : i32
      %dma_start3A_1278 = arith.constant 1 : i32
      %dma_start3A_1279 = arith.constant 0 : i32
      %dma_start3A_1280 = arith.constant 0 : i32
      %dma_start3A_1281 = tpu.memref_slice %arg6[%dma_start3A_1277, %dma_start3A_1279, %dma_start3A_1280] : memref<2x8x4096xf32, #tpu.memory_space<vmem>> -> memref<1x8x4096xf32, #tpu.memory_space<vmem>>
      %dma_start3A_1282 = tpu.memref_squeeze %dma_start3A_1281 : memref<1x8x4096xf32, #tpu.memory_space<vmem>> -> memref<8x4096xf32, #tpu.memory_space<vmem>>
      %dma_start3A_1283 = arith.constant 0 : i32
      %dma_start3A_1284 = tpu.memref_slice %dma_start3A_1282[%dma_start3A_1278, %dma_start3A_1283] : memref<8x4096xf32, #tpu.memory_space<vmem>> -> memref<1x4096xf32, #tpu.memory_space<vmem>>
      %dma_start3A_1285 = tpu.memref_squeeze %dma_start3A_1284 : memref<1x4096xf32, #tpu.memory_space<vmem>> -> memref<4096xf32, #tpu.memory_space<vmem>>
      %dma_start3A_1286 = arith.constant 0 : i32
      %dma_start3A_1287 = tpu.memref_slice %arg7[%squeeze3A_1276, %dma_start3A_1286] : memref<128x4096xf32, #tpu.memory_space<vmem_shared>> -> memref<1x4096xf32, #tpu.memory_space<vmem_shared>>
      %dma_start3A_1288 = tpu.memref_squeeze %dma_start3A_1287 : memref<1x4096xf32, #tpu.memory_space<vmem_shared>> -> memref<4096xf32, #tpu.memory_space<vmem_shared>>
      %dma_start3A_1289 = arith.constant 0 : i32
      %dma_start3A_1290 = arith.constant 0 : i32
      %dma_start3A_1291 = tpu.memref_slice %arg6[%dma_start3A_1277, %dma_start3A_1289, %dma_start3A_1290] : memref<2x8x4096xf32, #tpu.memory_space<vmem>> -> memref<1x8x4096xf32, #tpu.memory_space<vmem>>
      %dma_start3A_1292 = tpu.memref_squeeze %dma_start3A_1291 : memref<1x8x4096xf32, #tpu.memory_space<vmem>> -> memref<8x4096xf32, #tpu.memory_space<vmem>>
      %dma_start3A_1293 = arith.constant 0 : i32
      %dma_start3A_1294 = tpu.memref_slice %dma_start3A_1292[%dma_start3A_1278, %dma_start3A_1293] : memref<8x4096xf32, #tpu.memory_space<vmem>> -> memref<1x4096xf32, #tpu.memory_space<vmem>>
      %dma_start3A_1295 = tpu.memref_squeeze %dma_start3A_1294 : memref<1x4096xf32, #tpu.memory_space<vmem>> -> memref<4096xf32, #tpu.memory_space<vmem>>
      %dma_start3A_1296 = arith.constant 0 : i32
      %dma_start3A_1297 = tpu.memref_slice %arg7[%squeeze3A_1276, %dma_start3A_1296] : memref<128x4096xf32, #tpu.memory_space<vmem_shared>> -> memref<1x4096xf32, #tpu.memory_space<vmem_shared>>
      %dma_start3A_1298 = tpu.memref_squeeze %dma_start3A_1297 : memref<1x4096xf32, #tpu.memory_space<vmem_shared>> -> memref<4096xf32, #tpu.memory_space<vmem_shared>>
      tpu.enqueue_dma source(%dma_start3A_1298 : memref<4096xf32, #tpu.memory_space<vmem_shared>>) target(%dma_start3A_1295 : memref<4096xf32, #tpu.memory_space<vmem>>) target_semaphore(%arg8 : memref<!tpu.dma_semaphore, #tpu.memory_space<semaphore_mem>>)
      %slice3A_1299 = vector.extract_strided_slice %get3A_1250 {offsets = [2], sizes = [1], strides = [1]} : vector<16xi32> to vector<1xi32>
      %squeeze3A_1300 = vector.extract %slice3A_1299[0] : i32 from vector<1xi32>
      %dma_start3A_1301 = arith.constant 1 : i32
      %dma_start3A_1302 = arith.constant 2 : i32
      %dma_start3A_1303 = arith.constant 0 : i32
      %dma_start3A_1304 = arith.constant 0 : i32
      %dma_start3A_1305 = tpu.memref_slice %arg6[%dma_start3A_1301, %dma_start3A_1303, %dma_start3A_1304] : memref<2x8x4096xf32, #tpu.memory_space<vmem>> -> memref<1x8x4096xf32, #tpu.memory_space<vmem>>
      %dma_start3A_1306 = tpu.memref_squeeze %dma_start3A_1305 : memref<1x8x4096xf32, #tpu.memory_space<vmem>> -> memref<8x4096xf32, #tpu.memory_space<vmem>>
      %dma_start3A_1307 = arith.constant 0 : i32
      %dma_start3A_1308 = tpu.memref_slice %dma_start3A_1306[%dma_start3A_1302, %dma_start3A_1307] : memref<8x4096xf32, #tpu.memory_space<vmem>> -> memref<1x4096xf32, #tpu.memory_space<vmem>>
      %dma_start3A_1309 = tpu.memref_squeeze %dma_start3A_1308 : memref<1x4096xf32, #tpu.memory_space<vmem>> -> memref<4096xf32, #tpu.memory_space<vmem>>
      %dma_start3A_1310 = arith.constant 0 : i32
      %dma_start3A_1311 = tpu.memref_slice %arg7[%squeeze3A_1300, %dma_start3A_1310] : memref<128x4096xf32, #tpu.memory_space<vmem_shared>> -> memref<1x4096xf32, #tpu.memory_space<vmem_shared>>
      %dma_start3A_1312 = tpu.memref_squeeze %dma_start3A_1311 : memref<1x4096xf32, #tpu.memory_space<vmem_shared>> -> memref<4096xf32, #tpu.memory_space<vmem_shared>>
      %dma_start3A_1313 = arith.constant 0 : i32
      %dma_start3A_1314 = arith.constant 0 : i32
      %dma_start3A_1315 = tpu.memref_slice %arg6[%dma_start3A_1301, %dma_start3A_1313, %dma_start3A_1314] : memref<2x8x4096xf32, #tpu.memory_space<vmem>> -> memref<1x8x4096xf32, #tpu.memory_space<vmem>>
      %dma_start3A_1316 = tpu.memref_squeeze %dma_start3A_1315 : memref<1x8x4096xf32, #tpu.memory_space<vmem>> -> memref<8x4096xf32, #tpu.memory_space<vmem>>
      %dma_start3A_1317 = arith.constant 0 : i32
      %dma_start3A_1318 = tpu.memref_slice %dma_start3A_1316[%dma_start3A_1302, %dma_start3A_1317] : memref<8x4096xf32, #tpu.memory_space<vmem>> -> memref<1x4096xf32, #tpu.memory_space<vmem>>
      %dma_start3A_1319 = tpu.memref_squeeze %dma_start3A_1318 : memref<1x4096xf32, #tpu.memory_space<vmem>> -> memref<4096xf32, #tpu.memory_space<vmem>>
      %dma_start3A_1320 = arith.constant 0 : i32
      %dma_start3A_1321 = tpu.memref_slice %arg7[%squeeze3A_1300, %dma_start3A_1320] : memref<128x4096xf32, #tpu.memory_space<vmem_shared>> -> memref<1x4096xf32, #tpu.memory_space<vmem_shared>>
      %dma_start3A_1322 = tpu.memref_squeeze %dma_start3A_1321 : memref<1x4096xf32, #tpu.memory_space<vmem_shared>> -> memref<4096xf32, #tpu.memory_space<vmem_shared>>
      tpu.enqueue_dma source(%dma_start3A_1322 : memref<4096xf32, #tpu.memory_space<vmem_shared>>) target(%dma_start3A_1319 : memref<4096xf32, #tpu.memory_space<vmem>>) target_semaphore(%arg8 : memref<!tpu.dma_semaphore, #tpu.memory_space<semaphore_mem>>)
      %slice3A_1323 = vector.extract_strided_slice %get3A_1250 {offsets = [3], sizes = [1], strides = [1]} : vector<16xi32> to vector<1xi32>
      %squeeze3A_1324 = vector.extract %slice3A_1323[0] : i32 from vector<1xi32>
      %dma_start3A_1325 = arith.constant 1 : i32
      %dma_start3A_1326 = arith.constant 3 : i32
      %dma_start3A_1327 = arith.constant 0 : i32
      %dma_start3A_1328 = arith.constant 0 : i32
      %dma_start3A_1329 = tpu.memref_slice %arg6[%dma_start3A_1325, %dma_start3A_1327, %dma_start3A_1328] : memref<2x8x4096xf32, #tpu.memory_space<vmem>> -> memref<1x8x4096xf32, #tpu.memory_space<vmem>>
      %dma_start3A_1330 = tpu.memref_squeeze %dma_start3A_1329 : memref<1x8x4096xf32, #tpu.memory_space<vmem>> -> memref<8x4096xf32, #tpu.memory_space<vmem>>
      %dma_start3A_1331 = arith.constant 0 : i32
      %dma_start3A_1332 = tpu.memref_slice %dma_start3A_1330[%dma_start3A_1326, %dma_start3A_1331] : memref<8x4096xf32, #tpu.memory_space<vmem>> -> memref<1x4096xf32, #tpu.memory_space<vmem>>
      %dma_start3A_1333 = tpu.memref_squeeze %dma_start3A_1332 : memref<1x4096xf32, #tpu.memory_space<vmem>> -> memref<4096xf32, #tpu.memory_space<vmem>>
      %dma_start3A_1334 = arith.constant 0 : i32
      %dma_start3A_1335 = tpu.memref_slice %arg7[%squeeze3A_1324, %dma_start3A_1334] : memref<128x4096xf32, #tpu.memory_space<vmem_shared>> -> memref<1x4096xf32, #tpu.memory_space<vmem_shared>>
      %dma_start3A_1336 = tpu.memref_squeeze %dma_start3A_1335 : memref<1x4096xf32, #tpu.memory_space<vmem_shared>> -> memref<4096xf32, #tpu.memory_space<vmem_shared>>
      %dma_start3A_1337 = arith.constant 0 : i32
      %dma_start3A_1338 = arith.constant 0 : i32
      %dma_start3A_1339 = tpu.memref_slice %arg6[%dma_start3A_1325, %dma_start3A_1337, %dma_start3A_1338] : memref<2x8x4096xf32, #tpu.memory_space<vmem>> -> memref<1x8x4096xf32, #tpu.memory_space<vmem>>
      %dma_start3A_1340 = tpu.memref_squeeze %dma_start3A_1339 : memref<1x8x4096xf32, #tpu.memory_space<vmem>> -> memref<8x4096xf32, #tpu.memory_space<vmem>>
      %dma_start3A_1341 = arith.constant 0 : i32
      %dma_start3A_1342 = tpu.memref_slice %dma_start3A_1340[%dma_start3A_1326, %dma_start3A_1341] : memref<8x4096xf32, #tpu.memory_space<vmem>> -> memref<1x4096xf32, #tpu.memory_space<vmem>>
      %dma_start3A_1343 = tpu.memref_squeeze %dma_start3A_1342 : memref<1x4096xf32, #tpu.memory_space<vmem>> -> memref<4096xf32, #tpu.memory_space<vmem>>
      %dma_start3A_1344 = arith.constant 0 : i32
      %dma_start3A_1345 = tpu.memref_slice %arg7[%squeeze3A_1324, %dma_start3A_1344] : memref<128x4096xf32, #tpu.memory_space<vmem_shared>> -> memref<1x4096xf32, #tpu.memory_space<vmem_shared>>
      %dma_start3A_1346 = tpu.memref_squeeze %dma_start3A_1345 : memref<1x4096xf32, #tpu.memory_space<vmem_shared>> -> memref<4096xf32, #tpu.memory_space<vmem_shared>>
      tpu.enqueue_dma source(%dma_start3A_1346 : memref<4096xf32, #tpu.memory_space<vmem_shared>>) target(%dma_start3A_1343 : memref<4096xf32, #tpu.memory_space<vmem>>) target_semaphore(%arg8 : memref<!tpu.dma_semaphore, #tpu.memory_space<semaphore_mem>>)
      %slice3A_1347 = vector.extract_strided_slice %get3A_1250 {offsets = [4], sizes = [1], strides = [1]} : vector<16xi32> to vector<1xi32>
      %squeeze3A_1348 = vector.extract %slice3A_1347[0] : i32 from vector<1xi32>
      %dma_start3A_1349 = arith.constant 1 : i32
      %dma_start3A_1350 = arith.constant 4 : i32
      %dma_start3A_1351 = arith.constant 0 : i32
      %dma_start3A_1352 = arith.constant 0 : i32
      %dma_start3A_1353 = tpu.memref_slice %arg6[%dma_start3A_1349, %dma_start3A_1351, %dma_start3A_1352] : memref<2x8x4096xf32, #tpu.memory_space<vmem>> -> memref<1x8x4096xf32, #tpu.memory_space<vmem>>
      %dma_start3A_1354 = tpu.memref_squeeze %dma_start3A_1353 : memref<1x8x4096xf32, #tpu.memory_space<vmem>> -> memref<8x4096xf32, #tpu.memory_space<vmem>>
      %dma_start3A_1355 = arith.constant 0 : i32
      %dma_start3A_1356 = tpu.memref_slice %dma_start3A_1354[%dma_start3A_1350, %dma_start3A_1355] : memref<8x4096xf32, #tpu.memory_space<vmem>> -> memref<1x4096xf32, #tpu.memory_space<vmem>>
      %dma_start3A_1357 = tpu.memref_squeeze %dma_start3A_1356 : memref<1x4096xf32, #tpu.memory_space<vmem>> -> memref<4096xf32, #tpu.memory_space<vmem>>
      %dma_start3A_1358 = arith.constant 0 : i32
      %dma_start3A_1359 = tpu.memref_slice %arg7[%squeeze3A_1348, %dma_start3A_1358] : memref<128x4096xf32, #tpu.memory_space<vmem_shared>> -> memref<1x4096xf32, #tpu.memory_space<vmem_shared>>
      %dma_start3A_1360 = tpu.memref_squeeze %dma_start3A_1359 : memref<1x4096xf32, #tpu.memory_space<vmem_shared>> -> memref<4096xf32, #tpu.memory_space<vmem_shared>>
      %dma_start3A_1361 = arith.constant 0 : i32
      %dma_start3A_1362 = arith.constant 0 : i32
      %dma_start3A_1363 = tpu.memref_slice %arg6[%dma_start3A_1349, %dma_start3A_1361, %dma_start3A_1362] : memref<2x8x4096xf32, #tpu.memory_space<vmem>> -> memref<1x8x4096xf32, #tpu.memory_space<vmem>>
      %dma_start3A_1364 = tpu.memref_squeeze %dma_start3A_1363 : memref<1x8x4096xf32, #tpu.memory_space<vmem>> -> memref<8x4096xf32, #tpu.memory_space<vmem>>
      %dma_start3A_1365 = arith.constant 0 : i32
      %dma_start3A_1366 = tpu.memref_slice %dma_start3A_1364[%dma_start3A_1350, %dma_start3A_1365] : memref<8x4096xf32, #tpu.memory_space<vmem>> -> memref<1x4096xf32, #tpu.memory_space<vmem>>
      %dma_start3A_1367 = tpu.memref_squeeze %dma_start3A_1366 : memref<1x4096xf32, #tpu.memory_space<vmem>> -> memref<4096xf32, #tpu.memory_space<vmem>>
      %dma_start3A_1368 = arith.constant 0 : i32
      %dma_start3A_1369 = tpu.memref_slice %arg7[%squeeze3A_1348, %dma_start3A_1368] : memref<128x4096xf32, #tpu.memory_space<vmem_shared>> -> memref<1x4096xf32, #tpu.memory_space<vmem_shared>>
      %dma_start3A_1370 = tpu.memref_squeeze %dma_start3A_1369 : memref<1x4096xf32, #tpu.memory_space<vmem_shared>> -> memref<4096xf32, #tpu.memory_space<vmem_shared>>
      tpu.enqueue_dma source(%dma_start3A_1370 : memref<4096xf32, #tpu.memory_space<vmem_shared>>) target(%dma_start3A_1367 : memref<4096xf32, #tpu.memory_space<vmem>>) target_semaphore(%arg8 : memref<!tpu.dma_semaphore, #tpu.memory_space<semaphore_mem>>)
      %slice3A_1371 = vector.extract_strided_slice %get3A_1250 {offsets = [5], sizes = [1], strides = [1]} : vector<16xi32> to vector<1xi32>
      %squeeze3A_1372 = vector.extract %slice3A_1371[0] : i32 from vector<1xi32>
      %dma_start3A_1373 = arith.constant 1 : i32
      %dma_start3A_1374 = arith.constant 5 : i32
      %dma_start3A_1375 = arith.constant 0 : i32
      %dma_start3A_1376 = arith.constant 0 : i32
      %dma_start3A_1377 = tpu.memref_slice %arg6[%dma_start3A_1373, %dma_start3A_1375, %dma_start3A_1376] : memref<2x8x4096xf32, #tpu.memory_space<vmem>> -> memref<1x8x4096xf32, #tpu.memory_space<vmem>>
      %dma_start3A_1378 = tpu.memref_squeeze %dma_start3A_1377 : memref<1x8x4096xf32, #tpu.memory_space<vmem>> -> memref<8x4096xf32, #tpu.memory_space<vmem>>
      %dma_start3A_1379 = arith.constant 0 : i32
      %dma_start3A_1380 = tpu.memref_slice %dma_start3A_1378[%dma_start3A_1374, %dma_start3A_1379] : memref<8x4096xf32, #tpu.memory_space<vmem>> -> memref<1x4096xf32, #tpu.memory_space<vmem>>
      %dma_start3A_1381 = tpu.memref_squeeze %dma_start3A_1380 : memref<1x4096xf32, #tpu.memory_space<vmem>> -> memref<4096xf32, #tpu.memory_space<vmem>>
      %dma_start3A_1382 = arith.constant 0 : i32
      %dma_start3A_1383 = tpu.memref_slice %arg7[%squeeze3A_1372, %dma_start3A_1382] : memref<128x4096xf32, #tpu.memory_space<vmem_shared>> -> memref<1x4096xf32, #tpu.memory_space<vmem_shared>>
      %dma_start3A_1384 = tpu.memref_squeeze %dma_start3A_1383 : memref<1x4096xf32, #tpu.memory_space<vmem_shared>> -> memref<4096xf32, #tpu.memory_space<vmem_shared>>
      %dma_start3A_1385 = arith.constant 0 : i32
      %dma_start3A_1386 = arith.constant 0 : i32
      %dma_start3A_1387 = tpu.memref_slice %arg6[%dma_start3A_1373, %dma_start3A_1385, %dma_start3A_1386] : memref<2x8x4096xf32, #tpu.memory_space<vmem>> -> memref<1x8x4096xf32, #tpu.memory_space<vmem>>
      %dma_start3A_1388 = tpu.memref_squeeze %dma_start3A_1387 : memref<1x8x4096xf32, #tpu.memory_space<vmem>> -> memref<8x4096xf32, #tpu.memory_space<vmem>>
      %dma_start3A_1389 = arith.constant 0 : i32
      %dma_start3A_1390 = tpu.memref_slice %dma_start3A_1388[%dma_start3A_1374, %dma_start3A_1389] : memref<8x4096xf32, #tpu.memory_space<vmem>> -> memref<1x4096xf32, #tpu.memory_space<vmem>>
      %dma_start3A_1391 = tpu.memref_squeeze %dma_start3A_1390 : memref<1x4096xf32, #tpu.memory_space<vmem>> -> memref<4096xf32, #tpu.memory_space<vmem>>
      %dma_start3A_1392 = arith.constant 0 : i32
      %dma_start3A_1393 = tpu.memref_slice %arg7[%squeeze3A_1372, %dma_start3A_1392] : memref<128x4096xf32, #tpu.memory_space<vmem_shared>> -> memref<1x4096xf32, #tpu.memory_space<vmem_shared>>
      %dma_start3A_1394 = tpu.memref_squeeze %dma_start3A_1393 : memref<1x4096xf32, #tpu.memory_space<vmem_shared>> -> memref<4096xf32, #tpu.memory_space<vmem_shared>>
      tpu.enqueue_dma source(%dma_start3A_1394 : memref<4096xf32, #tpu.memory_space<vmem_shared>>) target(%dma_start3A_1391 : memref<4096xf32, #tpu.memory_space<vmem>>) target_semaphore(%arg8 : memref<!tpu.dma_semaphore, #tpu.memory_space<semaphore_mem>>)
      %slice3A_1395 = vector.extract_strided_slice %get3A_1250 {offsets = [6], sizes = [1], strides = [1]} : vector<16xi32> to vector<1xi32>
      %squeeze3A_1396 = vector.extract %slice3A_1395[0] : i32 from vector<1xi32>
      %dma_start3A_1397 = arith.constant 1 : i32
      %dma_start3A_1398 = arith.constant 6 : i32
      %dma_start3A_1399 = arith.constant 0 : i32
      %dma_start3A_1400 = arith.constant 0 : i32
      %dma_start3A_1401 = tpu.memref_slice %arg6[%dma_start3A_1397, %dma_start3A_1399, %dma_start3A_1400] : memref<2x8x4096xf32, #tpu.memory_space<vmem>> -> memref<1x8x4096xf32, #tpu.memory_space<vmem>>
      %dma_start3A_1402 = tpu.memref_squeeze %dma_start3A_1401 : memref<1x8x4096xf32, #tpu.memory_space<vmem>> -> memref<8x4096xf32, #tpu.memory_space<vmem>>
      %dma_start3A_1403 = arith.constant 0 : i32
      %dma_start3A_1404 = tpu.memref_slice %dma_start3A_1402[%dma_start3A_1398, %dma_start3A_1403] : memref<8x4096xf32, #tpu.memory_space<vmem>> -> memref<1x4096xf32, #tpu.memory_space<vmem>>
      %dma_start3A_1405 = tpu.memref_squeeze %dma_start3A_1404 : memref<1x4096xf32, #tpu.memory_space<vmem>> -> memref<4096xf32, #tpu.memory_space<vmem>>
      %dma_start3A_1406 = arith.constant 0 : i32
      %dma_start3A_1407 = tpu.memref_slice %arg7[%squeeze3A_1396, %dma_start3A_1406] : memref<128x4096xf32, #tpu.memory_space<vmem_shared>> -> memref<1x4096xf32, #tpu.memory_space<vmem_shared>>
      %dma_start3A_1408 = tpu.memref_squeeze %dma_start3A_1407 : memref<1x4096xf32, #tpu.memory_space<vmem_shared>> -> memref<4096xf32, #tpu.memory_space<vmem_shared>>
      %dma_start3A_1409 = arith.constant 0 : i32
      %dma_start3A_1410 = arith.constant 0 : i32
      %dma_start3A_1411 = tpu.memref_slice %arg6[%dma_start3A_1397, %dma_start3A_1409, %dma_start3A_1410] : memref<2x8x4096xf32, #tpu.memory_space<vmem>> -> memref<1x8x4096xf32, #tpu.memory_space<vmem>>
      %dma_start3A_1412 = tpu.memref_squeeze %dma_start3A_1411 : memref<1x8x4096xf32, #tpu.memory_space<vmem>> -> memref<8x4096xf32, #tpu.memory_space<vmem>>
      %dma_start3A_1413 = arith.constant 0 : i32
      %dma_start3A_1414 = tpu.memref_slice %dma_start3A_1412[%dma_start3A_1398, %dma_start3A_1413] : memref<8x4096xf32, #tpu.memory_space<vmem>> -> memref<1x4096xf32, #tpu.memory_space<vmem>>
      %dma_start3A_1415 = tpu.memref_squeeze %dma_start3A_1414 : memref<1x4096xf32, #tpu.memory_space<vmem>> -> memref<4096xf32, #tpu.memory_space<vmem>>
      %dma_start3A_1416 = arith.constant 0 : i32
      %dma_start3A_1417 = tpu.memref_slice %arg7[%squeeze3A_1396, %dma_start3A_1416] : memref<128x4096xf32, #tpu.memory_space<vmem_shared>> -> memref<1x4096xf32, #tpu.memory_space<vmem_shared>>
      %dma_start3A_1418 = tpu.memref_squeeze %dma_start3A_1417 : memref<1x4096xf32, #tpu.memory_space<vmem_shared>> -> memref<4096xf32, #tpu.memory_space<vmem_shared>>
      tpu.enqueue_dma source(%dma_start3A_1418 : memref<4096xf32, #tpu.memory_space<vmem_shared>>) target(%dma_start3A_1415 : memref<4096xf32, #tpu.memory_space<vmem>>) target_semaphore(%arg8 : memref<!tpu.dma_semaphore, #tpu.memory_space<semaphore_mem>>)
      %slice3A_1419 = vector.extract_strided_slice %get3A_1250 {offsets = [7], sizes = [1], strides = [1]} : vector<16xi32> to vector<1xi32>
      %squeeze3A_1420 = vector.extract %slice3A_1419[0] : i32 from vector<1xi32>
      %dma_start3A_1421 = arith.constant 1 : i32
      %dma_start3A_1422 = arith.constant 7 : i32
      %dma_start3A_1423 = arith.constant 0 : i32
      %dma_start3A_1424 = arith.constant 0 : i32
      %dma_start3A_1425 = tpu.memref_slice %arg6[%dma_start3A_1421, %dma_start3A_1423, %dma_start3A_1424] : memref<2x8x4096xf32, #tpu.memory_space<vmem>> -> memref<1x8x4096xf32, #tpu.memory_space<vmem>>
      %dma_start3A_1426 = tpu.memref_squeeze %dma_start3A_1425 : memref<1x8x4096xf32, #tpu.memory_space<vmem>> -> memref<8x4096xf32, #tpu.memory_space<vmem>>
      %dma_start3A_1427 = arith.constant 0 : i32
      %dma_start3A_1428 = tpu.memref_slice %dma_start3A_1426[%dma_start3A_1422, %dma_start3A_1427] : memref<8x4096xf32, #tpu.memory_space<vmem>> -> memref<1x4096xf32, #tpu.memory_space<vmem>>
      %dma_start3A_1429 = tpu.memref_squeeze %dma_start3A_1428 : memref<1x4096xf32, #tpu.memory_space<vmem>> -> memref<4096xf32, #tpu.memory_space<vmem>>
      %dma_start3A_1430 = arith.constant 0 : i32
      %dma_start3A_1431 = tpu.memref_slice %arg7[%squeeze3A_1420, %dma_start3A_1430] : memref<128x4096xf32, #tpu.memory_space<vmem_shared>> -> memref<1x4096xf32, #tpu.memory_space<vmem_shared>>
      %dma_start3A_1432 = tpu.memref_squeeze %dma_start3A_1431 : memref<1x4096xf32, #tpu.memory_space<vmem_shared>> -> memref<4096xf32, #tpu.memory_space<vmem_shared>>
      %dma_start3A_1433 = arith.constant 0 : i32
      %dma_start3A_1434 = arith.constant 0 : i32
      %dma_start3A_1435 = tpu.memref_slice %arg6[%dma_start3A_1421, %dma_start3A_1433, %dma_start3A_1434] : memref<2x8x4096xf32, #tpu.memory_space<vmem>> -> memref<1x8x4096xf32, #tpu.memory_space<vmem>>
      %dma_start3A_1436 = tpu.memref_squeeze %dma_start3A_1435 : memref<1x8x4096xf32, #tpu.memory_space<vmem>> -> memref<8x4096xf32, #tpu.memory_space<vmem>>
      %dma_start3A_1437 = arith.constant 0 : i32
      %dma_start3A_1438 = tpu.memref_slice %dma_start3A_1436[%dma_start3A_1422, %dma_start3A_1437] : memref<8x4096xf32, #tpu.memory_space<vmem>> -> memref<1x4096xf32, #tpu.memory_space<vmem>>
      %dma_start3A_1439 = tpu.memref_squeeze %dma_start3A_1438 : memref<1x4096xf32, #tpu.memory_space<vmem>> -> memref<4096xf32, #tpu.memory_space<vmem>>
      %dma_start3A_1440 = arith.constant 0 : i32
      %dma_start3A_1441 = tpu.memref_slice %arg7[%squeeze3A_1420, %dma_start3A_1440] : memref<128x4096xf32, #tpu.memory_space<vmem_shared>> -> memref<1x4096xf32, #tpu.memory_space<vmem_shared>>
      %dma_start3A_1442 = tpu.memref_squeeze %dma_start3A_1441 : memref<1x4096xf32, #tpu.memory_space<vmem_shared>> -> memref<4096xf32, #tpu.memory_space<vmem_shared>>
      tpu.enqueue_dma source(%dma_start3A_1442 : memref<4096xf32, #tpu.memory_space<vmem_shared>>) target(%dma_start3A_1439 : memref<4096xf32, #tpu.memory_space<vmem>>) target_semaphore(%arg8 : memref<!tpu.dma_semaphore, #tpu.memory_space<semaphore_mem>>)
      %dma_wait3A_1443 = arith.constant 1 : i32
      %dma_wait3A_1444 = arith.constant 0 : i32
      %dma_wait3A_1445 = arith.constant 0 : i32
      %dma_wait3A_1446 = arith.constant 0 : i32
      %dma_wait3A_1447 = tpu.memref_slice %arg6[%dma_wait3A_1443, %dma_wait3A_1445, %dma_wait3A_1446] : memref<2x8x4096xf32, #tpu.memory_space<vmem>> -> memref<1x8x4096xf32, #tpu.memory_space<vmem>>
      %dma_wait3A_1448 = tpu.memref_squeeze %dma_wait3A_1447 : memref<1x8x4096xf32, #tpu.memory_space<vmem>> -> memref<8x4096xf32, #tpu.memory_space<vmem>>
      %dma_wait3A_1449 = arith.constant 0 : i32
      %dma_wait3A_1450 = tpu.memref_slice %dma_wait3A_1448[%dma_wait3A_1444, %dma_wait3A_1449] : memref<8x4096xf32, #tpu.memory_space<vmem>> -> memref<1x4096xf32, #tpu.memory_space<vmem>>
      %dma_wait3A_1451 = tpu.memref_squeeze %dma_wait3A_1450 : memref<1x4096xf32, #tpu.memory_space<vmem>> -> memref<4096xf32, #tpu.memory_space<vmem>>
      %dma_wait3A_1452 = arith.constant 0 : i32
      %dma_wait3A_1453 = tpu.memref_slice %arg7[%squeeze3A_1252, %dma_wait3A_1452] : memref<128x4096xf32, #tpu.memory_space<vmem_shared>> -> memref<1x4096xf32, #tpu.memory_space<vmem_shared>>
      %dma_wait3A_1454 = tpu.memref_squeeze %dma_wait3A_1453 : memref<1x4096xf32, #tpu.memory_space<vmem_shared>> -> memref<4096xf32, #tpu.memory_space<vmem_shared>>
      %dma_wait3A_1455 = arith.constant 0 : i32
      %dma_wait3A_1456 = arith.constant 0 : i32
      %dma_wait3A_1457 = tpu.memref_slice %arg6[%dma_wait3A_1443, %dma_wait3A_1455, %dma_wait3A_1456] : memref<2x8x4096xf32, #tpu.memory_space<vmem>> -> memref<1x8x4096xf32, #tpu.memory_space<vmem>>
      %dma_wait3A_1458 = tpu.memref_squeeze %dma_wait3A_1457 : memref<1x8x4096xf32, #tpu.memory_space<vmem>> -> memref<8x4096xf32, #tpu.memory_space<vmem>>
      %dma_wait3A_1459 = arith.constant 0 : i32
      %dma_wait3A_1460 = tpu.memref_slice %dma_wait3A_1458[%dma_wait3A_1444, %dma_wait3A_1459] : memref<8x4096xf32, #tpu.memory_space<vmem>> -> memref<1x4096xf32, #tpu.memory_space<vmem>>
      %dma_wait3A_1461 = tpu.memref_squeeze %dma_wait3A_1460 : memref<1x4096xf32, #tpu.memory_space<vmem>> -> memref<4096xf32, #tpu.memory_space<vmem>>
      %dma_wait3A_1462 = arith.constant 0 : i32
      %dma_wait3A_1463 = tpu.memref_slice %arg7[%squeeze3A_1252, %dma_wait3A_1462] : memref<128x4096xf32, #tpu.memory_space<vmem_shared>> -> memref<1x4096xf32, #tpu.memory_space<vmem_shared>>
      %dma_wait3A_1464 = tpu.memref_squeeze %dma_wait3A_1463 : memref<1x4096xf32, #tpu.memory_space<vmem_shared>> -> memref<4096xf32, #tpu.memory_space<vmem_shared>>
      tpu.wait_dma2 semaphore(%arg8 : memref<!tpu.dma_semaphore, #tpu.memory_space<semaphore_mem>>) src(%dma_wait3A_1464 : memref<4096xf32, #tpu.memory_space<vmem_shared>>) dst(%dma_wait3A_1461 : memref<4096xf32, #tpu.memory_space<vmem>>)
      %dma_wait3A_1465 = arith.constant 1 : i32
      %dma_wait3A_1466 = arith.constant 1 : i32
      %dma_wait3A_1467 = arith.constant 0 : i32
      %dma_wait3A_1468 = arith.constant 0 : i32
      %dma_wait3A_1469 = tpu.memref_slice %arg6[%dma_wait3A_1465, %dma_wait3A_1467, %dma_wait3A_1468] : memref<2x8x4096xf32, #tpu.memory_space<vmem>> -> memref<1x8x4096xf32, #tpu.memory_space<vmem>>
      %dma_wait3A_1470 = tpu.memref_squeeze %dma_wait3A_1469 : memref<1x8x4096xf32, #tpu.memory_space<vmem>> -> memref<8x4096xf32, #tpu.memory_space<vmem>>
      %dma_wait3A_1471 = arith.constant 0 : i32
      %dma_wait3A_1472 = tpu.memref_slice %dma_wait3A_1470[%dma_wait3A_1466, %dma_wait3A_1471] : memref<8x4096xf32, #tpu.memory_space<vmem>> -> memref<1x4096xf32, #tpu.memory_space<vmem>>
      %dma_wait3A_1473 = tpu.memref_squeeze %dma_wait3A_1472 : memref<1x4096xf32, #tpu.memory_space<vmem>> -> memref<4096xf32, #tpu.memory_space<vmem>>
      %dma_wait3A_1474 = arith.constant 0 : i32
      %dma_wait3A_1475 = tpu.memref_slice %arg7[%squeeze3A_1276, %dma_wait3A_1474] : memref<128x4096xf32, #tpu.memory_space<vmem_shared>> -> memref<1x4096xf32, #tpu.memory_space<vmem_shared>>
      %dma_wait3A_1476 = tpu.memref_squeeze %dma_wait3A_1475 : memref<1x4096xf32, #tpu.memory_space<vmem_shared>> -> memref<4096xf32, #tpu.memory_space<vmem_shared>>
      %dma_wait3A_1477 = arith.constant 0 : i32
      %dma_wait3A_1478 = arith.constant 0 : i32
      %dma_wait3A_1479 = tpu.memref_slice %arg6[%dma_wait3A_1465, %dma_wait3A_1477, %dma_wait3A_1478] : memref<2x8x4096xf32, #tpu.memory_space<vmem>> -> memref<1x8x4096xf32, #tpu.memory_space<vmem>>
      %dma_wait3A_1480 = tpu.memref_squeeze %dma_wait3A_1479 : memref<1x8x4096xf32, #tpu.memory_space<vmem>> -> memref<8x4096xf32, #tpu.memory_space<vmem>>
      %dma_wait3A_1481 = arith.constant 0 : i32
      %dma_wait3A_1482 = tpu.memref_slice %dma_wait3A_1480[%dma_wait3A_1466, %dma_wait3A_1481] : memref<8x4096xf32, #tpu.memory_space<vmem>> -> memref<1x4096xf32, #tpu.memory_space<vmem>>
      %dma_wait3A_1483 = tpu.memref_squeeze %dma_wait3A_1482 : memref<1x4096xf32, #tpu.memory_space<vmem>> -> memref<4096xf32, #tpu.memory_space<vmem>>
      %dma_wait3A_1484 = arith.constant 0 : i32
      %dma_wait3A_1485 = tpu.memref_slice %arg7[%squeeze3A_1276, %dma_wait3A_1484] : memref<128x4096xf32, #tpu.memory_space<vmem_shared>> -> memref<1x4096xf32, #tpu.memory_space<vmem_shared>>
      %dma_wait3A_1486 = tpu.memref_squeeze %dma_wait3A_1485 : memref<1x4096xf32, #tpu.memory_space<vmem_shared>> -> memref<4096xf32, #tpu.memory_space<vmem_shared>>
      tpu.wait_dma2 semaphore(%arg8 : memref<!tpu.dma_semaphore, #tpu.memory_space<semaphore_mem>>) src(%dma_wait3A_1486 : memref<4096xf32, #tpu.memory_space<vmem_shared>>) dst(%dma_wait3A_1483 : memref<4096xf32, #tpu.memory_space<vmem>>)
      %dma_wait3A_1487 = arith.constant 1 : i32
      %dma_wait3A_1488 = arith.constant 2 : i32
      %dma_wait3A_1489 = arith.constant 0 : i32
      %dma_wait3A_1490 = arith.constant 0 : i32
      %dma_wait3A_1491 = tpu.memref_slice %arg6[%dma_wait3A_1487, %dma_wait3A_1489, %dma_wait3A_1490] : memref<2x8x4096xf32, #tpu.memory_space<vmem>> -> memref<1x8x4096xf32, #tpu.memory_space<vmem>>
      %dma_wait3A_1492 = tpu.memref_squeeze %dma_wait3A_1491 : memref<1x8x4096xf32, #tpu.memory_space<vmem>> -> memref<8x4096xf32, #tpu.memory_space<vmem>>
      %dma_wait3A_1493 = arith.constant 0 : i32
      %dma_wait3A_1494 = tpu.memref_slice %dma_wait3A_1492[%dma_wait3A_1488, %dma_wait3A_1493] : memref<8x4096xf32, #tpu.memory_space<vmem>> -> memref<1x4096xf32, #tpu.memory_space<vmem>>
      %dma_wait3A_1495 = tpu.memref_squeeze %dma_wait3A_1494 : memref<1x4096xf32, #tpu.memory_space<vmem>> -> memref<4096xf32, #tpu.memory_space<vmem>>
      %dma_wait3A_1496 = arith.constant 0 : i32
      %dma_wait3A_1497 = tpu.memref_slice %arg7[%squeeze3A_1300, %dma_wait3A_1496] : memref<128x4096xf32, #tpu.memory_space<vmem_shared>> -> memref<1x4096xf32, #tpu.memory_space<vmem_shared>>
      %dma_wait3A_1498 = tpu.memref_squeeze %dma_wait3A_1497 : memref<1x4096xf32, #tpu.memory_space<vmem_shared>> -> memref<4096xf32, #tpu.memory_space<vmem_shared>>
      %dma_wait3A_1499 = arith.constant 0 : i32
      %dma_wait3A_1500 = arith.constant 0 : i32
      %dma_wait3A_1501 = tpu.memref_slice %arg6[%dma_wait3A_1487, %dma_wait3A_1499, %dma_wait3A_1500] : memref<2x8x4096xf32, #tpu.memory_space<vmem>> -> memref<1x8x4096xf32, #tpu.memory_space<vmem>>
      %dma_wait3A_1502 = tpu.memref_squeeze %dma_wait3A_1501 : memref<1x8x4096xf32, #tpu.memory_space<vmem>> -> memref<8x4096xf32, #tpu.memory_space<vmem>>
      %dma_wait3A_1503 = arith.constant 0 : i32
      %dma_wait3A_1504 = tpu.memref_slice %dma_wait3A_1502[%dma_wait3A_1488, %dma_wait3A_1503] : memref<8x4096xf32, #tpu.memory_space<vmem>> -> memref<1x4096xf32, #tpu.memory_space<vmem>>
      %dma_wait3A_1505 = tpu.memref_squeeze %dma_wait3A_1504 : memref<1x4096xf32, #tpu.memory_space<vmem>> -> memref<4096xf32, #tpu.memory_space<vmem>>
      %dma_wait3A_1506 = arith.constant 0 : i32
      %dma_wait3A_1507 = tpu.memref_slice %arg7[%squeeze3A_1300, %dma_wait3A_1506] : memref<128x4096xf32, #tpu.memory_space<vmem_shared>> -> memref<1x4096xf32, #tpu.memory_space<vmem_shared>>
      %dma_wait3A_1508 = tpu.memref_squeeze %dma_wait3A_1507 : memref<1x4096xf32, #tpu.memory_space<vmem_shared>> -> memref<4096xf32, #tpu.memory_space<vmem_shared>>
      tpu.wait_dma2 semaphore(%arg8 : memref<!tpu.dma_semaphore, #tpu.memory_space<semaphore_mem>>) src(%dma_wait3A_1508 : memref<4096xf32, #tpu.memory_space<vmem_shared>>) dst(%dma_wait3A_1505 : memref<4096xf32, #tpu.memory_space<vmem>>)
      %dma_wait3A_1509 = arith.constant 1 : i32
      %dma_wait3A_1510 = arith.constant 3 : i32
      %dma_wait3A_1511 = arith.constant 0 : i32
      %dma_wait3A_1512 = arith.constant 0 : i32
      %dma_wait3A_1513 = tpu.memref_slice %arg6[%dma_wait3A_1509, %dma_wait3A_1511, %dma_wait3A_1512] : memref<2x8x4096xf32, #tpu.memory_space<vmem>> -> memref<1x8x4096xf32, #tpu.memory_space<vmem>>
      %dma_wait3A_1514 = tpu.memref_squeeze %dma_wait3A_1513 : memref<1x8x4096xf32, #tpu.memory_space<vmem>> -> memref<8x4096xf32, #tpu.memory_space<vmem>>
      %dma_wait3A_1515 = arith.constant 0 : i32
      %dma_wait3A_1516 = tpu.memref_slice %dma_wait3A_1514[%dma_wait3A_1510, %dma_wait3A_1515] : memref<8x4096xf32, #tpu.memory_space<vmem>> -> memref<1x4096xf32, #tpu.memory_space<vmem>>
      %dma_wait3A_1517 = tpu.memref_squeeze %dma_wait3A_1516 : memref<1x4096xf32, #tpu.memory_space<vmem>> -> memref<4096xf32, #tpu.memory_space<vmem>>
      %dma_wait3A_1518 = arith.constant 0 : i32
      %dma_wait3A_1519 = tpu.memref_slice %arg7[%squeeze3A_1324, %dma_wait3A_1518] : memref<128x4096xf32, #tpu.memory_space<vmem_shared>> -> memref<1x4096xf32, #tpu.memory_space<vmem_shared>>
      %dma_wait3A_1520 = tpu.memref_squeeze %dma_wait3A_1519 : memref<1x4096xf32, #tpu.memory_space<vmem_shared>> -> memref<4096xf32, #tpu.memory_space<vmem_shared>>
      %dma_wait3A_1521 = arith.constant 0 : i32
      %dma_wait3A_1522 = arith.constant 0 : i32
      %dma_wait3A_1523 = tpu.memref_slice %arg6[%dma_wait3A_1509, %dma_wait3A_1521, %dma_wait3A_1522] : memref<2x8x4096xf32, #tpu.memory_space<vmem>> -> memref<1x8x4096xf32, #tpu.memory_space<vmem>>
      %dma_wait3A_1524 = tpu.memref_squeeze %dma_wait3A_1523 : memref<1x8x4096xf32, #tpu.memory_space<vmem>> -> memref<8x4096xf32, #tpu.memory_space<vmem>>
      %dma_wait3A_1525 = arith.constant 0 : i32
      %dma_wait3A_1526 = tpu.memref_slice %dma_wait3A_1524[%dma_wait3A_1510, %dma_wait3A_1525] : memref<8x4096xf32, #tpu.memory_space<vmem>> -> memref<1x4096xf32, #tpu.memory_space<vmem>>
      %dma_wait3A_1527 = tpu.memref_squeeze %dma_wait3A_1526 : memref<1x4096xf32, #tpu.memory_space<vmem>> -> memref<4096xf32, #tpu.memory_space<vmem>>
      %dma_wait3A_1528 = arith.constant 0 : i32
      %dma_wait3A_1529 = tpu.memref_slice %arg7[%squeeze3A_1324, %dma_wait3A_1528] : memref<128x4096xf32, #tpu.memory_space<vmem_shared>> -> memref<1x4096xf32, #tpu.memory_space<vmem_shared>>
      %dma_wait3A_1530 = tpu.memref_squeeze %dma_wait3A_1529 : memref<1x4096xf32, #tpu.memory_space<vmem_shared>> -> memref<4096xf32, #tpu.memory_space<vmem_shared>>
      tpu.wait_dma2 semaphore(%arg8 : memref<!tpu.dma_semaphore, #tpu.memory_space<semaphore_mem>>) src(%dma_wait3A_1530 : memref<4096xf32, #tpu.memory_space<vmem_shared>>) dst(%dma_wait3A_1527 : memref<4096xf32, #tpu.memory_space<vmem>>)
      %dma_wait3A_1531 = arith.constant 1 : i32
      %dma_wait3A_1532 = arith.constant 4 : i32
      %dma_wait3A_1533 = arith.constant 0 : i32
      %dma_wait3A_1534 = arith.constant 0 : i32
      %dma_wait3A_1535 = tpu.memref_slice %arg6[%dma_wait3A_1531, %dma_wait3A_1533, %dma_wait3A_1534] : memref<2x8x4096xf32, #tpu.memory_space<vmem>> -> memref<1x8x4096xf32, #tpu.memory_space<vmem>>
      %dma_wait3A_1536 = tpu.memref_squeeze %dma_wait3A_1535 : memref<1x8x4096xf32, #tpu.memory_space<vmem>> -> memref<8x4096xf32, #tpu.memory_space<vmem>>
      %dma_wait3A_1537 = arith.constant 0 : i32
      %dma_wait3A_1538 = tpu.memref_slice %dma_wait3A_1536[%dma_wait3A_1532, %dma_wait3A_1537] : memref<8x4096xf32, #tpu.memory_space<vmem>> -> memref<1x4096xf32, #tpu.memory_space<vmem>>
      %dma_wait3A_1539 = tpu.memref_squeeze %dma_wait3A_1538 : memref<1x4096xf32, #tpu.memory_space<vmem>> -> memref<4096xf32, #tpu.memory_space<vmem>>
      %dma_wait3A_1540 = arith.constant 0 : i32
      %dma_wait3A_1541 = tpu.memref_slice %arg7[%squeeze3A_1348, %dma_wait3A_1540] : memref<128x4096xf32, #tpu.memory_space<vmem_shared>> -> memref<1x4096xf32, #tpu.memory_space<vmem_shared>>
      %dma_wait3A_1542 = tpu.memref_squeeze %dma_wait3A_1541 : memref<1x4096xf32, #tpu.memory_space<vmem_shared>> -> memref<4096xf32, #tpu.memory_space<vmem_shared>>
      %dma_wait3A_1543 = arith.constant 0 : i32
      %dma_wait3A_1544 = arith.constant 0 : i32
      %dma_wait3A_1545 = tpu.memref_slice %arg6[%dma_wait3A_1531, %dma_wait3A_1543, %dma_wait3A_1544] : memref<2x8x4096xf32, #tpu.memory_space<vmem>> -> memref<1x8x4096xf32, #tpu.memory_space<vmem>>
      %dma_wait3A_1546 = tpu.memref_squeeze %dma_wait3A_1545 : memref<1x8x4096xf32, #tpu.memory_space<vmem>> -> memref<8x4096xf32, #tpu.memory_space<vmem>>
      %dma_wait3A_1547 = arith.constant 0 : i32
      %dma_wait3A_1548 = tpu.memref_slice %dma_wait3A_1546[%dma_wait3A_1532, %dma_wait3A_1547] : memref<8x4096xf32, #tpu.memory_space<vmem>> -> memref<1x4096xf32, #tpu.memory_space<vmem>>
      %dma_wait3A_1549 = tpu.memref_squeeze %dma_wait3A_1548 : memref<1x4096xf32, #tpu.memory_space<vmem>> -> memref<4096xf32, #tpu.memory_space<vmem>>
      %dma_wait3A_1550 = arith.constant 0 : i32
      %dma_wait3A_1551 = tpu.memref_slice %arg7[%squeeze3A_1348, %dma_wait3A_1550] : memref<128x4096xf32, #tpu.memory_space<vmem_shared>> -> memref<1x4096xf32, #tpu.memory_space<vmem_shared>>
      %dma_wait3A_1552 = tpu.memref_squeeze %dma_wait3A_1551 : memref<1x4096xf32, #tpu.memory_space<vmem_shared>> -> memref<4096xf32, #tpu.memory_space<vmem_shared>>
      tpu.wait_dma2 semaphore(%arg8 : memref<!tpu.dma_semaphore, #tpu.memory_space<semaphore_mem>>) src(%dma_wait3A_1552 : memref<4096xf32, #tpu.memory_space<vmem_shared>>) dst(%dma_wait3A_1549 : memref<4096xf32, #tpu.memory_space<vmem>>)
      %dma_wait3A_1553 = arith.constant 1 : i32
      %dma_wait3A_1554 = arith.constant 5 : i32
      %dma_wait3A_1555 = arith.constant 0 : i32
      %dma_wait3A_1556 = arith.constant 0 : i32
      %dma_wait3A_1557 = tpu.memref_slice %arg6[%dma_wait3A_1553, %dma_wait3A_1555, %dma_wait3A_1556] : memref<2x8x4096xf32, #tpu.memory_space<vmem>> -> memref<1x8x4096xf32, #tpu.memory_space<vmem>>
      %dma_wait3A_1558 = tpu.memref_squeeze %dma_wait3A_1557 : memref<1x8x4096xf32, #tpu.memory_space<vmem>> -> memref<8x4096xf32, #tpu.memory_space<vmem>>
      %dma_wait3A_1559 = arith.constant 0 : i32
      %dma_wait3A_1560 = tpu.memref_slice %dma_wait3A_1558[%dma_wait3A_1554, %dma_wait3A_1559] : memref<8x4096xf32, #tpu.memory_space<vmem>> -> memref<1x4096xf32, #tpu.memory_space<vmem>>
      %dma_wait3A_1561 = tpu.memref_squeeze %dma_wait3A_1560 : memref<1x4096xf32, #tpu.memory_space<vmem>> -> memref<4096xf32, #tpu.memory_space<vmem>>
      %dma_wait3A_1562 = arith.constant 0 : i32
      %dma_wait3A_1563 = tpu.memref_slice %arg7[%squeeze3A_1372, %dma_wait3A_1562] : memref<128x4096xf32, #tpu.memory_space<vmem_shared>> -> memref<1x4096xf32, #tpu.memory_space<vmem_shared>>
      %dma_wait3A_1564 = tpu.memref_squeeze %dma_wait3A_1563 : memref<1x4096xf32, #tpu.memory_space<vmem_shared>> -> memref<4096xf32, #tpu.memory_space<vmem_shared>>
      %dma_wait3A_1565 = arith.constant 0 : i32
      %dma_wait3A_1566 = arith.constant 0 : i32
      %dma_wait3A_1567 = tpu.memref_slice %arg6[%dma_wait3A_1553, %dma_wait3A_1565, %dma_wait3A_1566] : memref<2x8x4096xf32, #tpu.memory_space<vmem>> -> memref<1x8x4096xf32, #tpu.memory_space<vmem>>
      %dma_wait3A_1568 = tpu.memref_squeeze %dma_wait3A_1567 : memref<1x8x4096xf32, #tpu.memory_space<vmem>> -> memref<8x4096xf32, #tpu.memory_space<vmem>>
      %dma_wait3A_1569 = arith.constant 0 : i32
      %dma_wait3A_1570 = tpu.memref_slice %dma_wait3A_1568[%dma_wait3A_1554, %dma_wait3A_1569] : memref<8x4096xf32, #tpu.memory_space<vmem>> -> memref<1x4096xf32, #tpu.memory_space<vmem>>
      %dma_wait3A_1571 = tpu.memref_squeeze %dma_wait3A_1570 : memref<1x4096xf32, #tpu.memory_space<vmem>> -> memref<4096xf32, #tpu.memory_space<vmem>>
      %dma_wait3A_1572 = arith.constant 0 : i32
      %dma_wait3A_1573 = tpu.memref_slice %arg7[%squeeze3A_1372, %dma_wait3A_1572] : memref<128x4096xf32, #tpu.memory_space<vmem_shared>> -> memref<1x4096xf32, #tpu.memory_space<vmem_shared>>
      %dma_wait3A_1574 = tpu.memref_squeeze %dma_wait3A_1573 : memref<1x4096xf32, #tpu.memory_space<vmem_shared>> -> memref<4096xf32, #tpu.memory_space<vmem_shared>>
      tpu.wait_dma2 semaphore(%arg8 : memref<!tpu.dma_semaphore, #tpu.memory_space<semaphore_mem>>) src(%dma_wait3A_1574 : memref<4096xf32, #tpu.memory_space<vmem_shared>>) dst(%dma_wait3A_1571 : memref<4096xf32, #tpu.memory_space<vmem>>)
      %dma_wait3A_1575 = arith.constant 1 : i32
      %dma_wait3A_1576 = arith.constant 6 : i32
      %dma_wait3A_1577 = arith.constant 0 : i32
      %dma_wait3A_1578 = arith.constant 0 : i32
      %dma_wait3A_1579 = tpu.memref_slice %arg6[%dma_wait3A_1575, %dma_wait3A_1577, %dma_wait3A_1578] : memref<2x8x4096xf32, #tpu.memory_space<vmem>> -> memref<1x8x4096xf32, #tpu.memory_space<vmem>>
      %dma_wait3A_1580 = tpu.memref_squeeze %dma_wait3A_1579 : memref<1x8x4096xf32, #tpu.memory_space<vmem>> -> memref<8x4096xf32, #tpu.memory_space<vmem>>
      %dma_wait3A_1581 = arith.constant 0 : i32
      %dma_wait3A_1582 = tpu.memref_slice %dma_wait3A_1580[%dma_wait3A_1576, %dma_wait3A_1581] : memref<8x4096xf32, #tpu.memory_space<vmem>> -> memref<1x4096xf32, #tpu.memory_space<vmem>>
      %dma_wait3A_1583 = tpu.memref_squeeze %dma_wait3A_1582 : memref<1x4096xf32, #tpu.memory_space<vmem>> -> memref<4096xf32, #tpu.memory_space<vmem>>
      %dma_wait3A_1584 = arith.constant 0 : i32
      %dma_wait3A_1585 = tpu.memref_slice %arg7[%squeeze3A_1396, %dma_wait3A_1584] : memref<128x4096xf32, #tpu.memory_space<vmem_shared>> -> memref<1x4096xf32, #tpu.memory_space<vmem_shared>>
      %dma_wait3A_1586 = tpu.memref_squeeze %dma_wait3A_1585 : memref<1x4096xf32, #tpu.memory_space<vmem_shared>> -> memref<4096xf32, #tpu.memory_space<vmem_shared>>
      %dma_wait3A_1587 = arith.constant 0 : i32
      %dma_wait3A_1588 = arith.constant 0 : i32
      %dma_wait3A_1589 = tpu.memref_slice %arg6[%dma_wait3A_1575, %dma_wait3A_1587, %dma_wait3A_1588] : memref<2x8x4096xf32, #tpu.memory_space<vmem>> -> memref<1x8x4096xf32, #tpu.memory_space<vmem>>
      %dma_wait3A_1590 = tpu.memref_squeeze %dma_wait3A_1589 : memref<1x8x4096xf32, #tpu.memory_space<vmem>> -> memref<8x4096xf32, #tpu.memory_space<vmem>>
      %dma_wait3A_1591 = arith.constant 0 : i32
      %dma_wait3A_1592 = tpu.memref_slice %dma_wait3A_1590[%dma_wait3A_1576, %dma_wait3A_1591] : memref<8x4096xf32, #tpu.memory_space<vmem>> -> memref<1x4096xf32, #tpu.memory_space<vmem>>
      %dma_wait3A_1593 = tpu.memref_squeeze %dma_wait3A_1592 : memref<1x4096xf32, #tpu.memory_space<vmem>> -> memref<4096xf32, #tpu.memory_space<vmem>>
      %dma_wait3A_1594 = arith.constant 0 : i32
      %dma_wait3A_1595 = tpu.memref_slice %arg7[%squeeze3A_1396, %dma_wait3A_1594] : memref<128x4096xf32, #tpu.memory_space<vmem_shared>> -> memref<1x4096xf32, #tpu.memory_space<vmem_shared>>
      %dma_wait3A_1596 = tpu.memref_squeeze %dma_wait3A_1595 : memref<1x4096xf32, #tpu.memory_space<vmem_shared>> -> memref<4096xf32, #tpu.memory_space<vmem_shared>>
      tpu.wait_dma2 semaphore(%arg8 : memref<!tpu.dma_semaphore, #tpu.memory_space<semaphore_mem>>) src(%dma_wait3A_1596 : memref<4096xf32, #tpu.memory_space<vmem_shared>>) dst(%dma_wait3A_1593 : memref<4096xf32, #tpu.memory_space<vmem>>)
      %dma_wait3A_1597 = arith.constant 1 : i32
      %dma_wait3A_1598 = arith.constant 7 : i32
      %dma_wait3A_1599 = arith.constant 0 : i32
      %dma_wait3A_1600 = arith.constant 0 : i32
      %dma_wait3A_1601 = tpu.memref_slice %arg6[%dma_wait3A_1597, %dma_wait3A_1599, %dma_wait3A_1600] : memref<2x8x4096xf32, #tpu.memory_space<vmem>> -> memref<1x8x4096xf32, #tpu.memory_space<vmem>>
      %dma_wait3A_1602 = tpu.memref_squeeze %dma_wait3A_1601 : memref<1x8x4096xf32, #tpu.memory_space<vmem>> -> memref<8x4096xf32, #tpu.memory_space<vmem>>
      %dma_wait3A_1603 = arith.constant 0 : i32
      %dma_wait3A_1604 = tpu.memref_slice %dma_wait3A_1602[%dma_wait3A_1598, %dma_wait3A_1603] : memref<8x4096xf32, #tpu.memory_space<vmem>> -> memref<1x4096xf32, #tpu.memory_space<vmem>>
      %dma_wait3A_1605 = tpu.memref_squeeze %dma_wait3A_1604 : memref<1x4096xf32, #tpu.memory_space<vmem>> -> memref<4096xf32, #tpu.memory_space<vmem>>
      %dma_wait3A_1606 = arith.constant 0 : i32
      %dma_wait3A_1607 = tpu.memref_slice %arg7[%squeeze3A_1420, %dma_wait3A_1606] : memref<128x4096xf32, #tpu.memory_space<vmem_shared>> -> memref<1x4096xf32, #tpu.memory_space<vmem_shared>>
      %dma_wait3A_1608 = tpu.memref_squeeze %dma_wait3A_1607 : memref<1x4096xf32, #tpu.memory_space<vmem_shared>> -> memref<4096xf32, #tpu.memory_space<vmem_shared>>
      %dma_wait3A_1609 = arith.constant 0 : i32
      %dma_wait3A_1610 = arith.constant 0 : i32
      %dma_wait3A_1611 = tpu.memref_slice %arg6[%dma_wait3A_1597, %dma_wait3A_1609, %dma_wait3A_1610] : memref<2x8x4096xf32, #tpu.memory_space<vmem>> -> memref<1x8x4096xf32, #tpu.memory_space<vmem>>
      %dma_wait3A_1612 = tpu.memref_squeeze %dma_wait3A_1611 : memref<1x8x4096xf32, #tpu.memory_space<vmem>> -> memref<8x4096xf32, #tpu.memory_space<vmem>>
      %dma_wait3A_1613 = arith.constant 0 : i32
      %dma_wait3A_1614 = tpu.memref_slice %dma_wait3A_1612[%dma_wait3A_1598, %dma_wait3A_1613] : memref<8x4096xf32, #tpu.memory_space<vmem>> -> memref<1x4096xf32, #tpu.memory_space<vmem>>
      %dma_wait3A_1615 = tpu.memref_squeeze %dma_wait3A_1614 : memref<1x4096xf32, #tpu.memory_space<vmem>> -> memref<4096xf32, #tpu.memory_space<vmem>>
      %dma_wait3A_1616 = arith.constant 0 : i32
      %dma_wait3A_1617 = tpu.memref_slice %arg7[%squeeze3A_1420, %dma_wait3A_1616] : memref<128x4096xf32, #tpu.memory_space<vmem_shared>> -> memref<1x4096xf32, #tpu.memory_space<vmem_shared>>
      %dma_wait3A_1618 = tpu.memref_squeeze %dma_wait3A_1617 : memref<1x4096xf32, #tpu.memory_space<vmem_shared>> -> memref<4096xf32, #tpu.memory_space<vmem_shared>>
      tpu.wait_dma2 semaphore(%arg8 : memref<!tpu.dma_semaphore, #tpu.memory_space<semaphore_mem>>) src(%dma_wait3A_1618 : memref<4096xf32, #tpu.memory_space<vmem_shared>>) dst(%dma_wait3A_1615 : memref<4096xf32, #tpu.memory_space<vmem>>)
      %mul3A_1619 = arith.constant 8 : i32
      %mul3A_1620 = arith.muli %add3A_1227, %mul3A_1619 : i32
      %add3A_1621 = arith.addi %mul3A_2, %mul3A_1620 : i32
      %dma_start3A_1622 = arith.constant 1 : i32
      %dma_start3A_1623 = arith.constant 0 : i32
      %dma_start3A_1624 = arith.constant 0 : i32
      %dma_start3A_1625 = tpu.memref_slice %arg6[%dma_start3A_1622, %dma_start3A_1623, %dma_start3A_1624] : memref<2x8x4096xf32, #tpu.memory_space<vmem>> -> memref<1x8x4096xf32, #tpu.memory_space<vmem>>
      %dma_start3A_1626 = tpu.memref_squeeze %dma_start3A_1625 : memref<1x8x4096xf32, #tpu.memory_space<vmem>> -> memref<8x4096xf32, #tpu.memory_space<vmem>>
      %dma_start3A_1627 = arith.constant 0 : i32
      %dma_start3A_1628 = tpu.memref_slice %arg4[%add3A_1621, %dma_start3A_1627] : memref<8192x4096xf32, #tpu.memory_space<hbm>> -> memref<8x4096xf32, #tpu.memory_space<hbm>>
      %dma_start3A_1629 = arith.constant 0 : i32
      %dma_start3A_1630 = tpu.memref_slice %arg4[%add3A_1621, %dma_start3A_1629] : memref<8192x4096xf32, #tpu.memory_space<hbm>> -> memref<8x4096xf32, #tpu.memory_space<hbm>>
      %dma_start3A_1631 = arith.constant 0 : i32
      %dma_start3A_1632 = arith.constant 0 : i32
      %dma_start3A_1633 = tpu.memref_slice %arg6[%dma_start3A_1622, %dma_start3A_1631, %dma_start3A_1632] : memref<2x8x4096xf32, #tpu.memory_space<vmem>> -> memref<1x8x4096xf32, #tpu.memory_space<vmem>>
      %dma_start3A_1634 = tpu.memref_squeeze %dma_start3A_1633 : memref<1x8x4096xf32, #tpu.memory_space<vmem>> -> memref<8x4096xf32, #tpu.memory_space<vmem>>
      tpu.enqueue_dma source(%dma_start3A_1634 : memref<8x4096xf32, #tpu.memory_space<vmem>>) target(%dma_start3A_1630 : memref<8x4096xf32, #tpu.memory_space<hbm>>) target_semaphore(%arg10 : memref<!tpu.dma_semaphore, #tpu.memory_space<semaphore_mem>>)
    }
    %scan3A_778 = arith.constant 15 : i32
    %add3A_779 = arith.constant 240 : i32
    %add3A_780 = arith.addi %mul3A_2, %add3A_779 : i32
    %dma_wait3A_781 = arith.constant 0 : i32
    %dma_wait3A_782 = arith.constant 0 : i32
    %dma_wait3A_783 = arith.constant 0 : i32
    %dma_wait3A_784 = tpu.memref_slice %arg6[%dma_wait3A_781, %dma_wait3A_782, %dma_wait3A_783] : memref<2x8x4096xf32, #tpu.memory_space<vmem>> -> memref<1x8x4096xf32, #tpu.memory_space<vmem>>
    %dma_wait3A_785 = tpu.memref_squeeze %dma_wait3A_784 : memref<1x8x4096xf32, #tpu.memory_space<vmem>> -> memref<8x4096xf32, #tpu.memory_space<vmem>>
    %dma_wait3A_786 = arith.constant 0 : i32
    %dma_wait3A_787 = tpu.memref_slice %arg4[%add3A_780, %dma_wait3A_786] : memref<8192x4096xf32, #tpu.memory_space<hbm>> -> memref<8x4096xf32, #tpu.memory_space<hbm>>
    %dma_wait3A_788 = arith.constant 0 : i32
    %dma_wait3A_789 = tpu.memref_slice %arg4[%add3A_780, %dma_wait3A_788] : memref<8192x4096xf32, #tpu.memory_space<hbm>> -> memref<8x4096xf32, #tpu.memory_space<hbm>>
    %dma_wait3A_790 = arith.constant 0 : i32
    %dma_wait3A_791 = arith.constant 0 : i32
    %dma_wait3A_792 = tpu.memref_slice %arg6[%dma_wait3A_781, %dma_wait3A_790, %dma_wait3A_791] : memref<2x8x4096xf32, #tpu.memory_space<vmem>> -> memref<1x8x4096xf32, #tpu.memory_space<vmem>>
    %dma_wait3A_793 = tpu.memref_squeeze %dma_wait3A_792 : memref<1x8x4096xf32, #tpu.memory_space<vmem>> -> memref<8x4096xf32, #tpu.memory_space<vmem>>
    tpu.wait_dma2 semaphore(%arg9 : memref<!tpu.dma_semaphore, #tpu.memory_space<semaphore_mem>>) src(%dma_wait3A_793 : memref<8x4096xf32, #tpu.memory_space<vmem>>) dst(%dma_wait3A_789 : memref<8x4096xf32, #tpu.memory_space<hbm>>)
    %add3A_794 = arith.constant 248 : i32
    %add3A_795 = arith.addi %mul3A_2, %add3A_794 : i32
    %dma_wait3A_796 = arith.constant 1 : i32
    %dma_wait3A_797 = arith.constant 0 : i32
    %dma_wait3A_798 = arith.constant 0 : i32
    %dma_wait3A_799 = tpu.memref_slice %arg6[%dma_wait3A_796, %dma_wait3A_797, %dma_wait3A_798] : memref<2x8x4096xf32, #tpu.memory_space<vmem>> -> memref<1x8x4096xf32, #tpu.memory_space<vmem>>
    %dma_wait3A_800 = tpu.memref_squeeze %dma_wait3A_799 : memref<1x8x4096xf32, #tpu.memory_space<vmem>> -> memref<8x4096xf32, #tpu.memory_space<vmem>>
    %dma_wait3A_801 = arith.constant 0 : i32
    %dma_wait3A_802 = tpu.memref_slice %arg4[%add3A_795, %dma_wait3A_801] : memref<8192x4096xf32, #tpu.memory_space<hbm>> -> memref<8x4096xf32, #tpu.memory_space<hbm>>
    %dma_wait3A_803 = arith.constant 0 : i32
    %dma_wait3A_804 = tpu.memref_slice %arg4[%add3A_795, %dma_wait3A_803] : memref<8192x4096xf32, #tpu.memory_space<hbm>> -> memref<8x4096xf32, #tpu.memory_space<hbm>>
    %dma_wait3A_805 = arith.constant 0 : i32
    %dma_wait3A_806 = arith.constant 0 : i32
    %dma_wait3A_807 = tpu.memref_slice %arg6[%dma_wait3A_796, %dma_wait3A_805, %dma_wait3A_806] : memref<2x8x4096xf32, #tpu.memory_space<vmem>> -> memref<1x8x4096xf32, #tpu.memory_space<vmem>>
    %dma_wait3A_808 = tpu.memref_squeeze %dma_wait3A_807 : memref<1x8x4096xf32, #tpu.memory_space<vmem>> -> memref<8x4096xf32, #tpu.memory_space<vmem>>
    tpu.wait_dma2 semaphore(%arg10 : memref<!tpu.dma_semaphore, #tpu.memory_space<semaphore_mem>>) src(%dma_wait3A_808 : memref<8x4096xf32, #tpu.memory_space<vmem>>) dst(%dma_wait3A_804 : memref<8x4096xf32, #tpu.memory_space<hbm>>)
    return
  }
}

</mosaic_0001>

<sc_bundles>
// kernel: kernel.3.cloned.1.call-start
scs
__scs_entry_jumppad:
0x0: {  	(pc) =	sbr.rel $0x88, $3  }
0x1: {  	(tag) =	ssettag $0x0;
	lr =	simm.s32 $0x1  }
0x2: {  	[smem:$0x3F9F] =	sst lr;
	_ =	strace $0xD0000000  }
0x3: {  	_ = 	snop  }
0x4: {  	_ = 	snop  }
0x5: {  	_ = 	snop  }
0x6: {  	_ = 	snop  }
0x7: {  	_ = 	snop  }
__scs_overlays_trampoline_lowered:
0x8: {  	[smem:$0x3FAE] =	sst s0  }
0x9: {  	[smem:$0x3FAF] =	sst s1  }
0xa: {  	[smem:$0x3FB0] =	sst s2  }
0xb: {  	[smem:$0x3FB1] =	sst s3  }
0xc: {  	[smem:$0x3FB2] =	sst s4  }
0xd: {  	[smem:$0x3FB3] =	sst s5  }
0xe: {  	[smem:$0x3FB4] =	sst s6  }
0xf: {  	[smem:$0x3FB5] =	sst s7  }
0x10: {  	[smem:$0x3FB6] =	sst s8  }
0x11: {  	[smem:$0x3FB7] =	sst s9;
	s0 =	simm.s32 @!p0 $0x0  }
0x12: {  	s1 =	sld [smem:$0x3F9D];
	s0 =	simm.s32 @p0 $0x1  }
0x13: {  	[smem:$0x3FB8] =	sst s0;
	s0 =	simm.s32 @!p1 $0x0  }
0x14: {  	s2 =	sld [smem:$0x3F9C];
	s0 =	simm.s32 @p1 $0x1  }
0x15: {  	[smem:$0x3FB9] =	sst s0;
	s0 =	simm.s32 @!p2 $0x0  }
0x16: {  	s3 =	sld [smem:$0x3FDB];
	s0 =	simm.s32 @p2 $0x1  }
0x17: {  	s4 =	simm.s32 $0x1BF5;
	[smem:$0x3FBB] =	sst s0  }
0x18: {  	s0 =	sld [smem:$0x3F9E];
	_ =	swait.ge [sflag:s4], $0x0  }
0x19: {  	s7 =	sld [smem:$0x3F9F]  }
0x1a: {  	s8 =	sadd.s32 $0xFFFFE003, lr  }
0x1b: {  	s9 =	sadd.s32 $0xFFFFFEF7, lr;
	s5 =	simm.s32 $0xFFFFFFFF;
	p2 =	slt.u32 s8, $0xFFFFF086  }
0x1c: {  	p1 =	slt.u32 s9, $0xF7A;
	s5 =	simm.s32 @!p2 $0x0  }
0x1d: {  	s5 =	simm.s32 @p1 $0x1;
	p0 =	seq.s32 s7, s2  }
0x1e: {  	s7 =	smul.u32 @!p0 $0xF7A, s2;
	p2 =	seq.s32 @!p0 s5, $0x0  }
0x1f: {  	s9 =	smul.u32 $0xF7A, s1;
	s8 =	simm.s32 @!p0 $0x1BF5;
	p2 =	por !p2, p0  }
0x20: {  	[sflag:s8] =	ssyncset.s32 @!p0 $0xFFFFF086;
	s6 =	sadd.s32 @!p0 s3, s7;
	s7 =	simm.s32 @!p0 $0x108  }
0x21: {  	s3 =	sadd.s32 s3, s9;
	s6 =	sadd.s32 @!p0 $0x88, s6;
	s7 =	simm.s32 @p2 $0x1082  }
0x22: {  	[simem:s7], [sflag:s8] =	dma.local @!p0 [hbm:s6], $0xF7A  }
0x23: {  	s9 =	sor.u32 $0xD0000000, s2;
	s6 =	simm.s32 $0x108;
	_ =	swait.ge @!p0 [sflag:s8], $0x0  }
0x24: {  	s3 =	sadd.s32 $0x88, s3;
	s6 =	simm.s32 @!p1 $0x1082;
	[sflag:s4] =	ssyncset.s32 $0xFFFFF086  }
0x25: {  	[simem:s6], [sflag:s4] =	dma.local [hbm:s3], $0xF7A  }
0x26: {  	[smem:$0x3F9F] =	sst s1;
	(tag) =	ssettag s2;
	_ =	strace s9  }
0x27: {  	s1 =	sld [smem:$0x3FAF]  }
0x28: {  	s2 =	sld [smem:$0x3FB0]  }
0x29: {  	s4 =	sld [smem:$0x3FB2]  }
0x2a: {  	p0 =	seq.s32 s5, $0x0;
	s5 =	sld [smem:$0x3FB3]  }
0x2b: {  	s6 =	sld [smem:$0x3FB4]  }
0x2c: {  	s7 =	sld [smem:$0x3FB5]  }
0x2d: {  	s3 =	simm.s32 $0x108;
	s8 =	sld [smem:$0x3FB6]  }
0x2e: {  	s3 =	simm.s32 @!p0 $0x1082;
	s9 =	sld [smem:$0x3FB7]  }
0x2f: {  	lr =	sadd.s32 s0, s3;
	s0 =	sld [smem:$0x3FAE]  }
0x30: {  	s3 =	sld [smem:$0x3FB1]  }
0x31: {  	[smem:$0x3FBA] =	sst s10  }
0x32: {  	s10 =	sld [smem:$0x3FB8];
	_ =	sdelay $0x3  }
0x33: {  	p0 =	seq.s32 s10, $0x1;
	s10 =	sld [smem:$0x3FBA];
	_ =	sdelay $0x3  }
0x34: {  	[smem:$0x3FBA] =	sst s10  }
0x35: {  	s10 =	sld [smem:$0x3FB9];
	_ =	sdelay $0x3  }
0x36: {  	p1 =	seq.s32 s10, $0x1;
	s10 =	sld [smem:$0x3FBA];
	_ =	sdelay $0x3  }
0x37: {  	[smem:$0x3FBA] =	sst s10  }
0x38: {  	s10 =	sld [smem:$0x3FBB]  }
0x39: {  	_ = 	snop;
	(pc) =	sbr.ind lr, $3  }
0x3a: {  	_ = 	snop  }
0x3b: {  	_ = 	snop  }
0x3c: {  	p2 =	seq.s32 s10, $0x1;
	s10 =	sld [smem:$0x3FBA]  }
0x3d: {  	_ =	shalt  }
0x3e: {  	_ =	shalt  }
0x3f: {  	_ =	shalt  }
0x40: {  	_ =	shalt  }
0x41: {  	_ =	shalt  }
0x42: {  	_ =	shalt  }
0x43: {  	_ =	shalt  }
0x44: {  	_ =	shalt  }
0x45: {  	_ =	shalt  }
0x46: {  	_ =	shalt  }
0x47: {  	_ =	shalt  }
0x48: {  	_ =	shalt  }
0x49: {  	_ =	shalt  }
0x4a: {  	_ =	shalt  }
0x4b: {  	_ =	shalt  }
0x4c: {  	_ =	shalt  }
0x4d: {  	_ =	shalt  }
0x4e: {  	_ =	shalt  }
0x4f: {  	_ =	shalt  }
0x50: {  	_ =	shalt  }
0x51: {  	_ =	shalt  }
0x52: {  	_ =	shalt  }
0x53: {  	_ =	shalt  }
0x54: {  	_ =	shalt  }
0x55: {  	_ =	shalt  }
0x56: {  	_ =	shalt  }
0x57: {  	_ =	shalt  }
0x58: {  	_ =	shalt  }
0x59: {  	_ =	shalt  }
0x5a: {  	_ =	shalt  }
0x5b: {  	_ =	shalt  }
0x5c: {  	_ =	shalt  }
0x5d: {  	_ =	shalt  }
0x5e: {  	_ =	shalt  }
0x5f: {  	_ =	shalt  }
0x60: {  	_ =	shalt  }
0x61: {  	_ =	shalt  }
0x62: {  	_ =	shalt  }
0x63: {  	_ =	shalt  }
0x64: {  	_ =	shalt  }
0x65: {  	_ =	shalt  }
0x66: {  	_ =	shalt  }
0x67: {  	_ =	shalt  }
0x68: {  	_ =	shalt  }
0x69: {  	_ =	shalt  }
0x6a: {  	_ =	shalt  }
0x6b: {  	_ =	shalt  }
0x6c: {  	_ =	shalt  }
0x6d: {  	_ =	shalt  }
0x6e: {  	_ =	shalt  }
0x6f: {  	_ =	shalt  }
0x70: {  	_ =	shalt  }
0x71: {  	_ =	shalt  }
0x72: {  	_ =	shalt  }
0x73: {  	_ =	shalt  }
0x74: {  	_ =	shalt  }
0x75: {  	_ =	shalt  }
0x76: {  	_ =	shalt  }
0x77: {  	_ =	shalt  }
0x78: {  	_ =	shalt  }
0x79: {  	_ =	shalt  }
0x7a: {  	_ =	shalt  }
0x7b: {  	_ =	shalt  }
0x7c: {  	_ =	shalt  }
0x7d: {  	_ =	shalt  }
0x7e: {  	_ =	shalt  }
0x7f: {  	_ =	shalt  }
0x80: {  	_ =	shalt  }
0x81: {  	_ =	shalt  }
0x82: {  	_ =	shalt  }
0x83: {  	_ =	shalt  }
0x84: {  	_ =	shalt  }
0x85: {  	_ =	shalt  }
0x86: {  	_ =	shalt  }
0x87: {  	_ =	shalt  }
.Lfunc_end0:
.L_simem_size_0:
called_computation_lowered:
.L_overlay_start_0:
0x88: {  	s2 =	sld [smem:$0x3FD9]  }
0x89: {  	s3 =	sld [smem:$0x3FFE];
	_ =	sdelay $0x1  }
0x8a: {  	s1 =	srdreg.scid  }
0x8b: {  	s0 =	sand.u32 $0x1, s1  }
0x8c: {  	s18 =	sshll.u32 s0, $0xA;
	s2 =	sadd.s32 s3, s2  }
0x8d: {  	s2 =	sadd.s32 s2, s18  }
0x8e: {  	[smem:$0x3FC6] =	sst s2  }
0x8f: {  	_ = 	snop  }
0x90: {  	s2 =	sld [smem:$0x3FC9]  }
0x91: {  	s19 =	sld [smem:$0x3FC8]  }
0x92: {  	s4 =	sld [smem:$0x3FD0];
	(tm) =	ssettm $0x1  }
0x93: {  	s5 =	sld [smem:$0x3FFB];
	_ =	sdelay $0x3  }
0x94: {  	_ =	strace s5  }
0x95: {  	s5 =	sld [smem:$0x3FFC];
	_ =	sdelay $0x3  }
0x96: {  	_ =	strace s5  }
0x97: {  	s5 =	sld [smem:$0x3FFD];
	_ =	sdelay $0x3  }
0x98: {  	_ =	strace s5  }
0x99: {  	_ =	strace $0x8FFFFFFF  }
0x9a: {  	s20 =	sld [smem:$0x3FDB];
	_ =	sdelay $0x1  }
0x9b: {  	s6 =	simm.s32 $_scs_section_size  }
0x9c: {  	s7 =	simm.s32 $_size__tile_overlayer_lowered;
	s8 =	simm.s32 $_tile_overlayer_lowered  }
0x9d: {  	s23 =	simm.s32 $0x1BFF;
	s22 =	sshll.u32 s8, $0x1;
	s5 =	sadd.s32 s6, s20  }
0x9e: {  	s9 =	simm.s32 $0x0;
	s21 =	sshll.u32 s7, $0x1;
	s7 =	sadd.s32 s22, s5  }
0x9f: {  	[timem:s9], [sflag:s23] =	dma.local [hbm:s7], s21  }
0xa0: {  	_ =	swait.ge [sflag:s23], s21  }
0xa1: {  	s6 =	ssub.s32 $0x0, s21;
	[sflag:s23] =	ssyncset.done $0x0  }
0xa2: {  	[sflag:s23] =	ssyncadd.s32 s6;
	_ =	sdelay $0x1  }
0xa3: {  	s24 =	simm.s32 $0x1B8B  }
0xa4: {  	_ =	swait.ge [sflag:s24], $0x1  }
0xa5: {  	[sflag:s24] =	ssyncset.done $0x0  }
0xa6: {  	s25 =	simm.s32 $0x1B8E;
	[sflag:s24] =	ssyncadd.s32 $0xFFFFFFFF  }
0xa7: {  	s26 =	simm.s32 $execute0_lowered;
	[smem:$0x3FD2] =	sst s25  }
0xa8: {  	s6 =	sshll.u32 s26, $0x1;
	_ =	strace $0x80000046;
	[dreg:$0x1] =	wrdreg $0xFFFFFFFF  }
0xa9: {  	s28 =	simm.s32 $_size_execute0_lowered;
	s5 =	sadd.s32 s5, s6;
	[dreg:$0x0] =	wrdreg $0x0  }
0xaa: {  	s6 =	sshll.u32 s28, $0x1;
	[dreg:$0x2] =	wrdreg s5  }
0xab: {  	[dreg:$0x3] =	wrdreg s6  }
0xac: {  	[dreg:$0x4] =	wrdreg $0xC0  }
0xad: {  	_ =	task [dreg:s9], $0x5FFFF  }
0xae: {  	[dreg:$0x1] =	wrdreg $0xFFFFFFFF  }
0xaf: {  	[dreg:$0x0] =	wrdreg $0x60  }
0xb0: {  	[dreg:$0x2] =	wrdreg s2  }
0xb1: {  	[dreg:$0x3] =	wrdreg s19  }
0xb2: {  	[dreg:$0x4] =	wrdreg s4  }
0xb3: {  	[dreg:$0x5] =	wrdreg $0x101800  }
0xb4: {  	[dreg:$0x6] =	wrdreg $0x9  }
0xb5: {  	_ =	task.clear_ibuf [dreg:s9], $0x7FFFF;
	_ =	strace $0x90000046  }
0xb6: {  	s29 =	simm.s32 $0x9;
	_ =	strace $0x80000048  }
0xb7: {  	_ =	swait.ge [sflag:s29], $0x1  }
0xb8: {  	[sflag:s29] =	ssyncadd.s32 $0xFFFFFFFF  }
0xb9: {  	_ =	strace $0x90000048  }
0xba: {  	_ =	sfence  }
0xbb: {  	s30 =	sld [smem:$0x0];
	_ =	sdelay $0x2  }
0xbc: {  	s31 =	sshll.u32 s1, $0xD;
	s1 =	sshrl.u32 s1, $0x2  }
0xbd: {  	s3 =	sand.u32 $0x4000, s31;
	s1 =	sadd.s32 s1, s30  }
0xbe: {  	s0 =	sor.u32 s3, s0;
	s1 =	sshll.u32 s1, $0x11  }
0xbf: {  	s0 =	sor.u32 s1, s0  }
0xc0: {  	s0 =	sadd.s32 $0x8F2B, s0  }
0xc1: {  	[sflag:s0] =	ssyncadd.remote.s32 $0x1  }
0xc2: {  	_ =	sfence.sel $0xFFFF  }
0xc3: {  	[dreg:$0x0] =	wrdreg $0xFFFFFFFF;
	(pc) =	sbr.abs _section_cstart, $3  }
0xc4: {  	[dreg:$0x1] =	wrdreg $0xFFFFFFFF  }
0xc5: {  	_ =	task.clear_ibuf [dreg:s9], $0x2FFFF;
	_ =	strace $0x9FFFFFFF  }
0xc6: {  	(tm) =	ssettm $0x7FFFFFFF  }
0xc7: {  	_ =	shalt  }
tec
execute0_lowered:
.L_overlay_start_1:
0x0: {  	(tag) =	ssettag $0x1  }
0x1: {  	s9 =	rddreg [dreg:$0x0]  }
0x2: {  	s6 =	rddreg [dreg:$0x1]  }
0x3: {  	s1 =	rddreg [dreg:$0x2]  }
0x4: {  	s2 =	rddreg [dreg:$0x3]  }
0x5: {  	s4 =	srdreg.scid;
	s0 =	rddreg [dreg:$0x4];
	s3 =	simm.s32 $0x0  }
0x6: {  	s13 =	simm.s32 $0x4;
	s14 =	simm.s32 $0x1;
	s15 =	simm.s32 $0x180  }
0x7: {  	s16 =	simm.s32 $0x8180;
	s17 =	simm.s32 $0x2;
	s18 =	simm.s32 $0x3  }
0x8: {  	s19 =	simm.s32 $0x0;
	s5 =	sand.u32 $0x1, s4;
	[smem:$0x7FF] =	sst s3  }
0x9: {  	s4 =	stileid.u32;
	s7 =	ssub.s32 $0x2, s5;
	_ =	strace $0x80000047  }
0xa: {  	s26 =	sshll.u32 s4, $0x9;
	s5 =	sshll.u32 s5, $0x8;
	s28 =	sshll.u32 s4, $0xC  }
0xb: {  	s29 =	sshll.u32 s4, $0xF;
	s31 =	sshll.u32 s4, $0x6;
	s8 =	sshrl.u32 s7, $0x1  }
0xc: {  	s5 =	sor.u32 s5, s26;
	s6 =	sadd.s32 s6, s28;
	s12 =	sadd.s32 s29, s2  }
0xd: {  	s11 =	ssub.s32 s7, s8;
	s30 =	sshll.u32 s5, $0x9;
	s10 =	sshrl.u32 s5, $0x3  }
0xe: {  	s8 =	sor.u32 $0x1C04, s31;
	s12 =	sshrl.u32 s12, $0x3;
	s7 =	sadd.s32 s1, s30  }
0xf: {  	s9 =	sadd.s32 s9, s10;
	s11 =	smax.u32 s11, $0x1;
	s10 =	sadd.s32 $0x1000, s7  }
.LBB2_1:
0x10: {  	[spmem:s12], [sflag:s8] =	dma.local [hbm:s6], $0x1000  }
0x11: {  	_ =	swait.ge [sflag:s13], $0x1000  }
0x12: {  	[sflag:s13] =	ssyncset.done $0x0  }
0x13: {  	[sflag:s13] =	ssyncadd.s32 $0xFFFFF000  }
0x14: {  	[tilespmem:s3], [sflag:$0x4] =	stream.linear.gather [hbm4b:s9+s3], $0x100, $0x38;
	[tilespmem:$0x18180] =	vst v63  }
0x15: {  	_ =	swait.ge [sflag:s13], $0x100  }
0x16: {  	[sflag:s13] =	ssyncset.done $0x0  }
0x17: {  	[sflag:s13] =	ssyncadd.s32 $0xFFFFFF00  }
0x18: {  	[bflag:$0x0] =	sbarrier.arrive $0xFFFF  }
0x19: {  	v0 =	vld [tilespmem:$0x0];
	_ =	sdelay $0x4  }
0x1a: {  	(v2sf) =	vpush v0, $0x0;
	_ =	sdelay $0xe  }
0x1b: {  	s20 =	spop (v2sf)  }
0x1c: {  	s21 =	sshll.u32 s20, $0xC  }
0x1d: {  	s20 =	sshll.u32 s20, $0x7;
	s21 =	sand.u32 $0xFFFF8000, s21  }
0x1e: {  	s20 =	sand.u32 $0x380, s20;
	s21 =	sadd.s32 s21, s2  }
0x1f: {  	s20 =	sadd.s32 s20, s21  }
0x20: {  	s23 =	simm.s32 $0x180;
	s21 =	simm.s32 $0x1000;
	s22 =	sadd.s32 $0x0, s20  }
.LBB2_2:
0x21: {  	[tilespmem:s23], [sflag:$0x1] =	stream.linear.gather [spmem:s22], $0x80, $0x38;
	[tilespmem:$0x18180] =	vst v63  }
0x22: {  	s22 =	smov.u32 s21;
	p0 =	sne.s32 s21, $0x1F000  }
.Ltmp0:
0x23: {  	s21 =	sadd.s32 $0x1000, s21;
	(pc) =	sbr.rel @p0 .LBB2_2-.Ltmp0, $3  }
0x24: {  	_ =	sdelay $0x1  }
0x25: {  	s23 =	sshra.s32 s22, $0x2  }
0x26: {  	s22 =	sadd.s32 s23, s20;
	s23 =	sadd.s32 $0x180, s23  }
0x27: {  	(v2sf) =	vpush v0, $0x1;
	_ =	sdelay $0xd  }
0x28: {  	[tilespmem:s23], [sflag:$0x1] =	stream.linear.gather [spmem:s22], $0x80, $0x38;
	[tilespmem:$0x18180] =	vst v63  }
0x29: {  	s20 =	spop (v2sf)  }
0x2a: {  	s21 =	sshll.u32 s20, $0xC  }
0x2b: {  	s20 =	sshll.u32 s20, $0x7;
	s21 =	sand.u32 $0xFFFF8000, s21  }
0x2c: {  	s20 =	sand.u32 $0x380, s20;
	s21 =	sadd.s32 s21, s2  }
0x2d: {  	s20 =	sadd.s32 s20, s21  }
0x2e: {  	s23 =	simm.s32 $0x200;
	s21 =	simm.s32 $0x1000;
	s22 =	sadd.s32 $0x0, s20  }
.LBB2_4:
0x2f: {  	[tilespmem:s23], [sflag:$0x1] =	stream.linear.gather [spmem:s22], $0x80, $0x38;
	[tilespmem:$0x18180] =	vst v63  }
0x30: {  	s22 =	smov.u32 s21;
	p0 =	sne.s32 s21, $0x1F000  }
.Ltmp1:
0x31: {  	s21 =	sadd.s32 $0x1000, s21;
	(pc) =	sbr.rel @p0 .LBB2_4-.Ltmp1, $3  }
0x32: {  	_ =	sdelay $0x1  }
0x33: {  	s23 =	sshra.s32 s22, $0x2  }
0x34: {  	s22 =	sadd.s32 s23, s20;
	s23 =	sadd.s32 $0x200, s23  }
0x35: {  	(v2sf) =	vpush v0, $0x2;
	_ =	sdelay $0xd  }
0x36: {  	[tilespmem:s23], [sflag:$0x1] =	stream.linear.gather [spmem:s22], $0x80, $0x38;
	[tilespmem:$0x18180] =	vst v63  }
0x37: {  	s20 =	spop (v2sf)  }
0x38: {  	s21 =	sshll.u32 s20, $0xC  }
0x39: {  	s20 =	sshll.u32 s20, $0x7;
	s21 =	sand.u32 $0xFFFF8000, s21  }
0x3a: {  	s20 =	sand.u32 $0x380, s20;
	s21 =	sadd.s32 s21, s2  }
0x3b: {  	s20 =	sadd.s32 s20, s21  }
0x3c: {  	s23 =	simm.s32 $0x280;
	s21 =	simm.s32 $0x1000;
	s22 =	sadd.s32 $0x0, s20  }
.LBB2_6:
0x3d: {  	[tilespmem:s23], [sflag:$0x1] =	stream.linear.gather [spmem:s22], $0x80, $0x38;
	[tilespmem:$0x18180] =	vst v63  }
0x3e: {  	s22 =	smov.u32 s21;
	p0 =	sne.s32 s21, $0x1F000  }
.Ltmp2:
0x3f: {  	s21 =	sadd.s32 $0x1000, s21;
	(pc) =	sbr.rel @p0 .LBB2_6-.Ltmp2, $3  }
0x40: {  	_ =	sdelay $0x1  }
0x41: {  	s23 =	sshra.s32 s22, $0x2  }
0x42: {  	s22 =	sadd.s32 s23, s20;
	s23 =	sadd.s32 $0x280, s23  }
0x43: {  	(v2sf) =	vpush v0, $0x3;
	_ =	sdelay $0xd  }
0x44: {  	[tilespmem:s23], [sflag:$0x1] =	stream.linear.gather [spmem:s22], $0x80, $0x38;
	[tilespmem:$0x18180] =	vst v63  }
0x45: {  	s20 =	spop (v2sf)  }
0x46: {  	s21 =	sshll.u32 s20, $0xC  }
0x47: {  	s20 =	sshll.u32 s20, $0x7;
	s21 =	sand.u32 $0xFFFF8000, s21  }
0x48: {  	s20 =	sand.u32 $0x380, s20;
	s21 =	sadd.s32 s21, s2  }
0x49: {  	s20 =	sadd.s32 s20, s21  }
0x4a: {  	s23 =	simm.s32 $0x300;
	s21 =	simm.s32 $0x1000;
	s22 =	sadd.s32 $0x0, s20  }
.LBB2_8:
0x4b: {  	[tilespmem:s23], [sflag:$0x1] =	stream.linear.gather [spmem:s22], $0x80, $0x38;
	[tilespmem:$0x18180] =	vst v63  }
0x4c: {  	s22 =	smov.u32 s21;
	p0 =	sne.s32 s21, $0x1F000  }
.Ltmp3:
0x4d: {  	s21 =	sadd.s32 $0x1000, s21;
	(pc) =	sbr.rel @p0 .LBB2_8-.Ltmp3, $3  }
0x4e: {  	_ =	sdelay $0x1  }
0x4f: {  	s23 =	sshra.s32 s22, $0x2  }
0x50: {  	s22 =	sadd.s32 s23, s20;
	s23 =	sadd.s32 $0x300, s23  }
0x51: {  	(v2sf) =	vpush v0, $0x4;
	_ =	sdelay $0xd  }
0x52: {  	[tilespmem:s23], [sflag:$0x1] =	stream.linear.gather [spmem:s22], $0x80, $0x38;
	[tilespmem:$0x18180] =	vst v63  }
0x53: {  	s20 =	spop (v2sf)  }
0x54: {  	s21 =	sshll.u32 s20, $0xC  }
0x55: {  	s20 =	sshll.u32 s20, $0x7;
	s21 =	sand.u32 $0xFFFF8000, s21  }
0x56: {  	s20 =	sand.u32 $0x380, s20;
	s21 =	sadd.s32 s21, s2  }
0x57: {  	s20 =	sadd.s32 s20, s21  }
0x58: {  	s23 =	simm.s32 $0x380;
	s21 =	simm.s32 $0x1000;
	s22 =	sadd.s32 $0x0, s20  }
.LBB2_10:
0x59: {  	[tilespmem:s23], [sflag:$0x1] =	stream.linear.gather [spmem:s22], $0x80, $0x38;
	[tilespmem:$0x18180] =	vst v63  }
0x5a: {  	s22 =	smov.u32 s21;
	p0 =	sne.s32 s21, $0x1F000  }
.Ltmp4:
0x5b: {  	s21 =	sadd.s32 $0x1000, s21;
	(pc) =	sbr.rel @p0 .LBB2_10-.Ltmp4, $3  }
0x5c: {  	_ =	sdelay $0x1  }
0x5d: {  	s23 =	sshra.s32 s22, $0x2  }
0x5e: {  	s22 =	sadd.s32 s23, s20;
	s23 =	sadd.s32 $0x380, s23  }
0x5f: {  	(v2sf) =	vpush v0, $0x5;
	_ =	sdelay $0xd  }
0x60: {  	[tilespmem:s23], [sflag:$0x1] =	stream.linear.gather [spmem:s22], $0x80, $0x38;
	[tilespmem:$0x18180] =	vst v63  }
0x61: {  	s20 =	spop (v2sf)  }
0x62: {  	s21 =	sshll.u32 s20, $0xC  }
0x63: {  	s20 =	sshll.u32 s20, $0x7;
	s21 =	sand.u32 $0xFFFF8000, s21  }
0x64: {  	s20 =	sand.u32 $0x380, s20;
	s21 =	sadd.s32 s21, s2  }
0x65: {  	s20 =	sadd.s32 s20, s21  }
0x66: {  	s23 =	simm.s32 $0x400;
	s21 =	simm.s32 $0x1000;
	s22 =	sadd.s32 $0x0, s20  }
.LBB2_12:
0x67: {  	[tilespmem:s23], [sflag:$0x1] =	stream.linear.gather [spmem:s22], $0x80, $0x38;
	[tilespmem:$0x18180] =	vst v63  }
0x68: {  	s22 =	smov.u32 s21;
	p0 =	sne.s32 s21, $0x1F000  }
.Ltmp5:
0x69: {  	s21 =	sadd.s32 $0x1000, s21;
	(pc) =	sbr.rel @p0 .LBB2_12-.Ltmp5, $3  }
0x6a: {  	_ =	sdelay $0x1  }
0x6b: {  	s23 =	sshra.s32 s22, $0x2  }
0x6c: {  	s22 =	sadd.s32 s23, s20;
	s23 =	sadd.s32 $0x400, s23  }
0x6d: {  	(v2sf) =	vpush v0, $0x6;
	_ =	sdelay $0xd  }
0x6e: {  	[tilespmem:s23], [sflag:$0x1] =	stream.linear.gather [spmem:s22], $0x80, $0x38;
	[tilespmem:$0x18180] =	vst v63  }
0x6f: {  	s20 =	spop (v2sf)  }
0x70: {  	s21 =	sshll.u32 s20, $0xC  }
0x71: {  	s20 =	sshll.u32 s20, $0x7;
	s21 =	sand.u32 $0xFFFF8000, s21  }
0x72: {  	s20 =	sand.u32 $0x380, s20;
	s21 =	sadd.s32 s21, s2  }
0x73: {  	s20 =	sadd.s32 s20, s21  }
0x74: {  	s23 =	simm.s32 $0x480;
	s21 =	simm.s32 $0x1000;
	s22 =	sadd.s32 $0x0, s20  }
.LBB2_14:
0x75: {  	[tilespmem:s23], [sflag:$0x1] =	stream.linear.gather [spmem:s22], $0x80, $0x38;
	[tilespmem:$0x18180] =	vst v63  }
0x76: {  	s22 =	smov.u32 s21;
	p0 =	sne.s32 s21, $0x1F000  }
.Ltmp6:
0x77: {  	s21 =	sadd.s32 $0x1000, s21;
	(pc) =	sbr.rel @p0 .LBB2_14-.Ltmp6, $3  }
0x78: {  	_ =	sdelay $0x1  }
0x79: {  	s23 =	sshra.s32 s22, $0x2  }
0x7a: {  	s22 =	sadd.s32 s23, s20;
	s23 =	sadd.s32 $0x480, s23  }
0x7b: {  	(v2sf) =	vpush v0, $0x7;
	_ =	sdelay $0xd  }
0x7c: {  	[tilespmem:s23], [sflag:$0x1] =	stream.linear.gather [spmem:s22], $0x80, $0x38;
	[tilespmem:$0x18180] =	vst v63  }
0x7d: {  	s20 =	spop (v2sf)  }
0x7e: {  	s21 =	sshll.u32 s20, $0xC  }
0x7f: {  	s20 =	sshll.u32 s20, $0x7;
	s21 =	sand.u32 $0xFFFF8000, s21  }
0x80: {  	s20 =	sand.u32 $0x380, s20;
	s21 =	sadd.s32 s21, s2  }
0x81: {  	s20 =	sadd.s32 s20, s21  }
0x82: {  	s23 =	simm.s32 $0x500;
	s21 =	simm.s32 $0x1000;
	s22 =	sadd.s32 $0x0, s20  }
.LBB2_16:
0x83: {  	[tilespmem:s23], [sflag:$0x1] =	stream.linear.gather [spmem:s22], $0x80, $0x38;
	[tilespmem:$0x18180] =	vst v63  }
0x84: {  	s22 =	smov.u32 s21;
	p0 =	sne.s32 s21, $0x1F000  }
.Ltmp7:
0x85: {  	s21 =	sadd.s32 $0x1000, s21;
	(pc) =	sbr.rel @p0 .LBB2_16-.Ltmp7, $3  }
0x86: {  	_ =	sdelay $0x1  }
0x87: {  	s23 =	sshra.s32 s22, $0x2  }
0x88: {  	s22 =	sadd.s32 s23, s20;
	s23 =	sadd.s32 $0x500, s23  }
0x89: {  	[tilespmem:s23], [sflag:$0x1] =	stream.linear.gather [spmem:s22], $0x80, $0x38;
	[tilespmem:$0x18180] =	vst v63  }
0x8a: {  	_ =	swait.ge [sflag:s14], $0x1000  }
0x8b: {  	[sflag:s14] =	ssyncset.done $0x0  }
0x8c: {  	[sflag:s14] =	ssyncadd.s32 $0xFFFFF000  }
0x8d: {  	_ =	swait.ge [sflag:s14], $0x1000  }
0x8e: {  	[sflag:s14] =	ssyncset.done $0x0  }
0x8f: {  	[sflag:s14] =	ssyncadd.s32 $0xFFFFF000  }
0x90: {  	_ =	swait.ge [sflag:s14], $0x1000  }
0x91: {  	[sflag:s14] =	ssyncset.done $0x0  }
0x92: {  	[sflag:s14] =	ssyncadd.s32 $0xFFFFF000  }
0x93: {  	_ =	swait.ge [sflag:s14], $0x1000  }
0x94: {  	[sflag:s14] =	ssyncset.done $0x0  }
0x95: {  	[sflag:s14] =	ssyncadd.s32 $0xFFFFF000  }
0x96: {  	_ =	swait.ge [sflag:s14], $0x1000  }
0x97: {  	[sflag:s14] =	ssyncset.done $0x0  }
0x98: {  	[sflag:s14] =	ssyncadd.s32 $0xFFFFF000  }
0x99: {  	_ =	swait.ge [sflag:s14], $0x1000  }
0x9a: {  	[sflag:s14] =	ssyncset.done $0x0  }
0x9b: {  	[sflag:s14] =	ssyncadd.s32 $0xFFFFF000  }
0x9c: {  	_ =	swait.ge [sflag:s14], $0x1000  }
0x9d: {  	[sflag:s14] =	ssyncset.done $0x0  }
0x9e: {  	[sflag:s14] =	ssyncadd.s32 $0xFFFFF000  }
0x9f: {  	_ =	swait.ge [sflag:s14], $0x1000  }
0xa0: {  	[sflag:s14] =	ssyncset.done $0x0  }
0xa1: {  	s20 =	simm.s32 $0x0;
	[sflag:s14] =	ssyncadd.s32 $0xFFFFF000  }
0xa2: {  	[hbm4b:s7+s20] =	stream.linear.scatter [tilespmem:s15], [sflag:$0x2], $0x8000, $0x38;
	[tilespmem:$0x18180] =	vst v63  }
0xa3: {  	v0 =	vld [tilespmem:$0x8];
	_ =	sdelay $0x4  }
0xa4: {  	(v2sf) =	vpush v0, $0x0;
	_ =	sdelay $0xe  }
0xa5: {  	s31 =	spop (v2sf)  }
0xa6: {  	s21 =	sshll.u32 s31, $0xC  }
0xa7: {  	s20 =	sshll.u32 s31, $0x7;
	s21 =	sand.u32 $0xFFFF8000, s21  }
0xa8: {  	s20 =	sand.u32 $0x380, s20;
	s21 =	sadd.s32 s21, s2  }
0xa9: {  	s20 =	sadd.s32 s20, s21  }
0xaa: {  	s23 =	simm.s32 $0x8180;
	s21 =	simm.s32 $0x1000;
	s22 =	sadd.s32 $0x0, s20  }
.LBB2_18:
0xab: {  	[tilespmem:s23], [sflag:$0x1] =	stream.linear.gather [spmem:s22], $0x80, $0x38;
	[tilespmem:$0x18180] =	vst v63  }
0xac: {  	s22 =	smov.u32 s21;
	p0 =	sne.s32 s21, $0x1F000  }
.Ltmp8:
0xad: {  	s21 =	sadd.s32 $0x1000, s21;
	(pc) =	sbr.rel @p0 .LBB2_18-.Ltmp8, $3  }
0xae: {  	_ =	sdelay $0x1  }
0xaf: {  	s23 =	sshra.s32 s22, $0x2  }
0xb0: {  	s22 =	sadd.s32 s23, s20;
	s23 =	sadd.s32 $0x8180, s23  }
0xb1: {  	(v2sf) =	vpush v0, $0x1;
	_ =	sdelay $0xd  }
0xb2: {  	[tilespmem:s23], [sflag:$0x1] =	stream.linear.gather [spmem:s22], $0x80, $0x38;
	[tilespmem:$0x18180] =	vst v63  }
0xb3: {  	s20 =	spop (v2sf)  }
0xb4: {  	s21 =	sshll.u32 s20, $0xC  }
0xb5: {  	s20 =	sshll.u32 s20, $0x7;
	s21 =	sand.u32 $0xFFFF8000, s21  }
0xb6: {  	s20 =	sand.u32 $0x380, s20;
	s21 =	sadd.s32 s21, s2  }
0xb7: {  	s20 =	sadd.s32 s20, s21  }
0xb8: {  	s23 =	simm.s32 $0x8200;
	s21 =	simm.s32 $0x1000;
	s22 =	sadd.s32 $0x0, s20  }
.LBB2_20:
0xb9: {  	[tilespmem:s23], [sflag:$0x1] =	stream.linear.gather [spmem:s22], $0x80, $0x38;
	[tilespmem:$0x18180] =	vst v63  }
0xba: {  	s22 =	smov.u32 s21;
	p0 =	sne.s32 s21, $0x1F000  }
.Ltmp9:
0xbb: {  	s21 =	sadd.s32 $0x1000, s21;
	(pc) =	sbr.rel @p0 .LBB2_20-.Ltmp9, $3  }
0xbc: {  	_ =	sdelay $0x1  }
0xbd: {  	s23 =	sshra.s32 s22, $0x2  }
0xbe: {  	s22 =	sadd.s32 s23, s20;
	s23 =	sadd.s32 $0x8200, s23  }
0xbf: {  	(v2sf) =	vpush v0, $0x2;
	_ =	sdelay $0xd  }
0xc0: {  	[tilespmem:s23], [sflag:$0x1] =	stream.linear.gather [spmem:s22], $0x80, $0x38;
	[tilespmem:$0x18180] =	vst v63  }
0xc1: {  	s20 =	spop (v2sf)  }
0xc2: {  	s21 =	sshll.u32 s20, $0xC  }
0xc3: {  	s20 =	sshll.u32 s20, $0x7;
	s21 =	sand.u32 $0xFFFF8000, s21  }
0xc4: {  	s20 =	sand.u32 $0x380, s20;
	s21 =	sadd.s32 s21, s2  }
0xc5: {  	s20 =	sadd.s32 s20, s21  }
0xc6: {  	s23 =	simm.s32 $0x8280;
	s21 =	simm.s32 $0x1000;
	s22 =	sadd.s32 $0x0, s20  }
.LBB2_22:
0xc7: {  	[tilespmem:s23], [sflag:$0x1] =	stream.linear.gather [spmem:s22], $0x80, $0x38;
	[tilespmem:$0x18180] =	vst v63  }
0xc8: {  	s22 =	smov.u32 s21;
	p0 =	sne.s32 s21, $0x1F000  }
.Ltmp10:
0xc9: {  	s21 =	sadd.s32 $0x1000, s21;
	(pc) =	sbr.rel @p0 .LBB2_22-.Ltmp10, $3  }
0xca: {  	_ =	sdelay $0x1  }
0xcb: {  	s23 =	sshra.s32 s22, $0x2  }
0xcc: {  	s22 =	sadd.s32 s23, s20;
	s23 =	sadd.s32 $0x8280, s23  }
0xcd: {  	(v2sf) =	vpush v0, $0x3;
	_ =	sdelay $0xd  }
0xce: {  	[tilespmem:s23], [sflag:$0x1] =	stream.linear.gather [spmem:s22], $0x80, $0x38;
	[tilespmem:$0x18180] =	vst v63  }
0xcf: {  	s20 =	spop (v2sf)  }
0xd0: {  	s21 =	sshll.u32 s20, $0xC  }
0xd1: {  	s20 =	sshll.u32 s20, $0x7;
	s21 =	sand.u32 $0xFFFF8000, s21  }
0xd2: {  	s20 =	sand.u32 $0x380, s20;
	s21 =	sadd.s32 s21, s2  }
0xd3: {  	s20 =	sadd.s32 s20, s21  }
0xd4: {  	s23 =	simm.s32 $0x8300;
	s21 =	simm.s32 $0x1000;
	s22 =	sadd.s32 $0x0, s20  }
.LBB2_24:
0xd5: {  	[tilespmem:s23], [sflag:$0x1] =	stream.linear.gather [spmem:s22], $0x80, $0x38;
	[tilespmem:$0x18180] =	vst v63  }
0xd6: {  	s22 =	smov.u32 s21;
	p0 =	sne.s32 s21, $0x1F000  }
.Ltmp11:
0xd7: {  	s21 =	sadd.s32 $0x1000, s21;
	(pc) =	sbr.rel @p0 .LBB2_24-.Ltmp11, $3  }
0xd8: {  	_ =	sdelay $0x1  }
0xd9: {  	s23 =	sshra.s32 s22, $0x2  }
0xda: {  	s22 =	sadd.s32 s23, s20;
	s23 =	sadd.s32 $0x8300, s23  }
0xdb: {  	(v2sf) =	vpush v0, $0x4;
	_ =	sdelay $0xd  }
0xdc: {  	[tilespmem:s23], [sflag:$0x1] =	stream.linear.gather [spmem:s22], $0x80, $0x38;
	[tilespmem:$0x18180] =	vst v63  }
0xdd: {  	s20 =	spop (v2sf)  }
0xde: {  	s21 =	sshll.u32 s20, $0xC  }
0xdf: {  	s20 =	sshll.u32 s20, $0x7;
	s21 =	sand.u32 $0xFFFF8000, s21  }
0xe0: {  	s20 =	sand.u32 $0x380, s20;
	s21 =	sadd.s32 s21, s2  }
0xe1: {  	s20 =	sadd.s32 s20, s21  }
0xe2: {  	s23 =	simm.s32 $0x8380;
	s21 =	simm.s32 $0x1000;
	s22 =	sadd.s32 $0x0, s20  }
.LBB2_26:
0xe3: {  	[tilespmem:s23], [sflag:$0x1] =	stream.linear.gather [spmem:s22], $0x80, $0x38;
	[tilespmem:$0x18180] =	vst v63  }
0xe4: {  	s22 =	smov.u32 s21;
	p0 =	sne.s32 s21, $0x1F000  }
.Ltmp12:
0xe5: {  	s21 =	sadd.s32 $0x1000, s21;
	(pc) =	sbr.rel @p0 .LBB2_26-.Ltmp12, $3  }
0xe6: {  	_ =	sdelay $0x1  }
0xe7: {  	s23 =	sshra.s32 s22, $0x2  }
0xe8: {  	s22 =	sadd.s32 s23, s20;
	s23 =	sadd.s32 $0x8380, s23  }
0xe9: {  	(v2sf) =	vpush v0, $0x5;
	_ =	sdelay $0xd  }
0xea: {  	[tilespmem:s23], [sflag:$0x1] =	stream.linear.gather [spmem:s22], $0x80, $0x38;
	[tilespmem:$0x18180] =	vst v63  }
0xeb: {  	s20 =	spop (v2sf)  }
0xec: {  	s21 =	sshll.u32 s20, $0xC  }
0xed: {  	s20 =	sshll.u32 s20, $0x7;
	s21 =	sand.u32 $0xFFFF8000, s21  }
0xee: {  	s20 =	sand.u32 $0x380, s20;
	s21 =	sadd.s32 s21, s2  }
0xef: {  	s20 =	sadd.s32 s20, s21  }
0xf0: {  	s23 =	simm.s32 $0x8400;
	s21 =	simm.s32 $0x1000;
	s22 =	sadd.s32 $0x0, s20  }
.LBB2_28:
0xf1: {  	[tilespmem:s23], [sflag:$0x1] =	stream.linear.gather [spmem:s22], $0x80, $0x38;
	[tilespmem:$0x18180] =	vst v63  }
0xf2: {  	s22 =	smov.u32 s21;
	p0 =	sne.s32 s21, $0x1F000  }
.Ltmp13:
0xf3: {  	s21 =	sadd.s32 $0x1000, s21;
	(pc) =	sbr.rel @p0 .LBB2_28-.Ltmp13, $3  }
0xf4: {  	_ =	sdelay $0x1  }
0xf5: {  	s23 =	sshra.s32 s22, $0x2  }
0xf6: {  	s22 =	sadd.s32 s23, s20;
	s23 =	sadd.s32 $0x8400, s23  }
0xf7: {  	(v2sf) =	vpush v0, $0x6;
	_ =	sdelay $0xd  }
0xf8: {  	[tilespmem:s23], [sflag:$0x1] =	stream.linear.gather [spmem:s22], $0x80, $0x38;
	[tilespmem:$0x18180] =	vst v63  }
0xf9: {  	s20 =	spop (v2sf)  }
0xfa: {  	s21 =	sshll.u32 s20, $0xC  }
0xfb: {  	s20 =	sshll.u32 s20, $0x7;
	s21 =	sand.u32 $0xFFFF8000, s21  }
0xfc: {  	s20 =	sand.u32 $0x380, s20;
	s21 =	sadd.s32 s21, s2  }
0xfd: {  	s20 =	sadd.s32 s20, s21  }
0xfe: {  	s23 =	simm.s32 $0x8480;
	s21 =	simm.s32 $0x1000;
	s22 =	sadd.s32 $0x0, s20  }
.LBB2_30:
0xff: {  	[tilespmem:s23], [sflag:$0x1] =	stream.linear.gather [spmem:s22], $0x80, $0x38;
	[tilespmem:$0x18180] =	vst v63  }
0x100: {  	s22 =	smov.u32 s21;
	p0 =	sne.s32 s21, $0x1F000  }
.Ltmp14:
0x101: {  	s21 =	sadd.s32 $0x1000, s21;
	(pc) =	sbr.rel @p0 .LBB2_30-.Ltmp14, $3  }
0x102: {  	_ =	sdelay $0x1  }
0x103: {  	s23 =	sshra.s32 s22, $0x2  }
0x104: {  	s22 =	sadd.s32 s23, s20;
	s23 =	sadd.s32 $0x8480, s23  }
0x105: {  	(v2sf) =	vpush v0, $0x7;
	_ =	sdelay $0xd  }
0x106: {  	[tilespmem:s23], [sflag:$0x1] =	stream.linear.gather [spmem:s22], $0x80, $0x38;
	[tilespmem:$0x18180] =	vst v63  }
0x107: {  	s20 =	spop (v2sf)  }
0x108: {  	s21 =	sshll.u32 s20, $0xC  }
0x109: {  	s20 =	sshll.u32 s20, $0x7;
	s21 =	sand.u32 $0xFFFF8000, s21  }
0x10a: {  	s20 =	sand.u32 $0x380, s20;
	s21 =	sadd.s32 s21, s2  }
0x10b: {  	s20 =	sadd.s32 s20, s21  }
0x10c: {  	s23 =	simm.s32 $0x8500;
	s21 =	simm.s32 $0x1000;
	s22 =	sadd.s32 $0x0, s20  }
.LBB2_32:
0x10d: {  	[tilespmem:s23], [sflag:$0x1] =	stream.linear.gather [spmem:s22], $0x80, $0x38;
	[tilespmem:$0x18180] =	vst v63  }
0x10e: {  	s22 =	smov.u32 s21;
	p0 =	sne.s32 s21, $0x1F000  }
.Ltmp15:
0x10f: {  	s21 =	sadd.s32 $0x1000, s21;
	(pc) =	sbr.rel @p0 .LBB2_32-.Ltmp15, $3  }
0x110: {  	_ =	sdelay $0x1  }
0x111: {  	s23 =	sshra.s32 s22, $0x2  }
0x112: {  	s22 =	sadd.s32 s23, s20;
	s23 =	sadd.s32 $0x8500, s23  }
0x113: {  	[tilespmem:s23], [sflag:$0x1] =	stream.linear.gather [spmem:s22], $0x80, $0x38;
	[tilespmem:$0x18180] =	vst v63  }
0x114: {  	_ =	swait.ge [sflag:s14], $0x1000  }
0x115: {  	[sflag:s14] =	ssyncset.done $0x0  }
0x116: {  	[sflag:s14] =	ssyncadd.s32 $0xFFFFF000  }
0x117: {  	_ =	swait.ge [sflag:s14], $0x1000  }
0x118: {  	[sflag:s14] =	ssyncset.done $0x0  }
0x119: {  	[sflag:s14] =	ssyncadd.s32 $0xFFFFF000  }
0x11a: {  	_ =	swait.ge [sflag:s14], $0x1000  }
0x11b: {  	[sflag:s14] =	ssyncset.done $0x0  }
0x11c: {  	[sflag:s14] =	ssyncadd.s32 $0xFFFFF000  }
0x11d: {  	_ =	swait.ge [sflag:s14], $0x1000  }
0x11e: {  	[sflag:s14] =	ssyncset.done $0x0  }
0x11f: {  	[sflag:s14] =	ssyncadd.s32 $0xFFFFF000  }
0x120: {  	_ =	swait.ge [sflag:s14], $0x1000  }
0x121: {  	[sflag:s14] =	ssyncset.done $0x0  }
0x122: {  	[sflag:s14] =	ssyncadd.s32 $0xFFFFF000  }
0x123: {  	_ =	swait.ge [sflag:s14], $0x1000  }
0x124: {  	[sflag:s14] =	ssyncset.done $0x0  }
0x125: {  	[sflag:s14] =	ssyncadd.s32 $0xFFFFF000  }
0x126: {  	_ =	swait.ge [sflag:s14], $0x1000  }
0x127: {  	[sflag:s14] =	ssyncset.done $0x0  }
0x128: {  	[sflag:s14] =	ssyncadd.s32 $0xFFFFF000  }
0x129: {  	_ =	swait.ge [sflag:s14], $0x1000  }
0x12a: {  	[sflag:s14] =	ssyncset.done $0x0  }
0x12b: {  	s20 =	simm.s32 $0x0;
	[sflag:s14] =	ssyncadd.s32 $0xFFFFF000  }
0x12c: {  	[hbm4b:s10+s20] =	stream.linear.scatter [tilespmem:s16], [sflag:$0x3], $0x8000, $0x38;
	[tilespmem:$0x18180] =	vst v63  }
.LBB2_34:
0x12d: {  	_ =	swait.ge [sflag:s17], $0x8000  }
0x12e: {  	[sflag:s17] =	ssyncset.done $0x0  }
0x12f: {  	s21 =	sshll.u32 s20, $0x4;
	[sflag:s17] =	ssyncadd.s32 $0xFFFF8000  }
0x130: {  	v0 =	vld [tilespmem:s21+$0x10];
	_ =	sdelay $0x4  }
0x131: {  	(v2sf) =	vpush v0, $0x0;
	_ =	sdelay $0xe  }
0x132: {  	s22 =	spop (v2sf)  }
0x133: {  	s23 =	sshll.u32 s22, $0xC  }
0x134: {  	s22 =	sshll.u32 s22, $0x7;
	s23 =	sand.u32 $0xFFFF8000, s23  }
0x135: {  	s24 =	sand.u32 $0x380, s22;
	s23 =	sadd.s32 s23, s2  }
0x136: {  	s26 =	simm.s32 $0x180;
	s23 =	sadd.s32 s24, s23  }
0x137: {  	s22 =	sadd.s32 $0x10, s21;
	s24 =	simm.s32 $0x1000;
	s25 =	sadd.s32 $0x0, s23  }
.LBB2_35:
0x138: {  	[tilespmem:s26], [sflag:$0x1] =	stream.linear.gather [spmem:s25], $0x80, $0x38;
	[tilespmem:$0x18180] =	vst v63  }
0x139: {  	s25 =	smov.u32 s24;
	p0 =	sne.s32 s24, $0x1F000  }
.Ltmp16:
0x13a: {  	s24 =	sadd.s32 $0x1000, s24;
	(pc) =	sbr.rel @p0 .LBB2_35-.Ltmp16, $3  }
0x13b: {  	_ =	sdelay $0x1  }
0x13c: {  	s26 =	sshra.s32 s25, $0x2  }
0x13d: {  	s25 =	sadd.s32 s26, s23;
	s26 =	sadd.s32 $0x180, s26  }
0x13e: {  	(v2sf) =	vpush v0, $0x1;
	_ =	sdelay $0xd  }
0x13f: {  	[tilespmem:s26], [sflag:$0x1] =	stream.linear.gather [spmem:s25], $0x80, $0x38;
	[tilespmem:$0x18180] =	vst v63  }
0x140: {  	s23 =	spop (v2sf)  }
0x141: {  	s24 =	sshll.u32 s23, $0xC  }
0x142: {  	s23 =	sshll.u32 s23, $0x7;
	s24 =	sand.u32 $0xFFFF8000, s24  }
0x143: {  	s23 =	sand.u32 $0x380, s23;
	s24 =	sadd.s32 s24, s2  }
0x144: {  	s23 =	sadd.s32 s23, s24  }
0x145: {  	s26 =	simm.s32 $0x200;
	s24 =	simm.s32 $0x1000;
	s25 =	sadd.s32 $0x0, s23  }
.LBB2_37:
0x146: {  	[tilespmem:s26], [sflag:$0x1] =	stream.linear.gather [spmem:s25], $0x80, $0x38;
	[tilespmem:$0x18180] =	vst v63  }
0x147: {  	s25 =	smov.u32 s24;
	p0 =	sne.s32 s24, $0x1F000  }
.Ltmp17:
0x148: {  	s24 =	sadd.s32 $0x1000, s24;
	(pc) =	sbr.rel @p0 .LBB2_37-.Ltmp17, $3  }
0x149: {  	_ =	sdelay $0x1  }
0x14a: {  	s26 =	sshra.s32 s25, $0x2  }
0x14b: {  	s25 =	sadd.s32 s26, s23;
	s26 =	sadd.s32 $0x200, s26  }
0x14c: {  	(v2sf) =	vpush v0, $0x2;
	_ =	sdelay $0xd  }
0x14d: {  	[tilespmem:s26], [sflag:$0x1] =	stream.linear.gather [spmem:s25], $0x80, $0x38;
	[tilespmem:$0x18180] =	vst v63  }
0x14e: {  	s23 =	spop (v2sf)  }
0x14f: {  	s24 =	sshll.u32 s23, $0xC  }
0x150: {  	s23 =	sshll.u32 s23, $0x7;
	s24 =	sand.u32 $0xFFFF8000, s24  }
0x151: {  	s23 =	sand.u32 $0x380, s23;
	s24 =	sadd.s32 s24, s2  }
0x152: {  	s23 =	sadd.s32 s23, s24  }
0x153: {  	s26 =	simm.s32 $0x280;
	s24 =	simm.s32 $0x1000;
	s25 =	sadd.s32 $0x0, s23  }
.LBB2_39:
0x154: {  	[tilespmem:s26], [sflag:$0x1] =	stream.linear.gather [spmem:s25], $0x80, $0x38;
	[tilespmem:$0x18180] =	vst v63  }
0x155: {  	s25 =	smov.u32 s24;
	p0 =	sne.s32 s24, $0x1F000  }
.Ltmp18:
0x156: {  	s24 =	sadd.s32 $0x1000, s24;
	(pc) =	sbr.rel @p0 .LBB2_39-.Ltmp18, $3  }
0x157: {  	_ =	sdelay $0x1  }
0x158: {  	s26 =	sshra.s32 s25, $0x2  }
0x159: {  	s25 =	sadd.s32 s26, s23;
	s26 =	sadd.s32 $0x280, s26  }
0x15a: {  	(v2sf) =	vpush v0, $0x3;
	_ =	sdelay $0xd  }
0x15b: {  	[tilespmem:s26], [sflag:$0x1] =	stream.linear.gather [spmem:s25], $0x80, $0x38;
	[tilespmem:$0x18180] =	vst v63  }
0x15c: {  	s23 =	spop (v2sf)  }
0x15d: {  	s24 =	sshll.u32 s23, $0xC  }
0x15e: {  	s23 =	sshll.u32 s23, $0x7;
	s24 =	sand.u32 $0xFFFF8000, s24  }
0x15f: {  	s23 =	sand.u32 $0x380, s23;
	s24 =	sadd.s32 s24, s2  }
0x160: {  	s23 =	sadd.s32 s23, s24  }
0x161: {  	s26 =	simm.s32 $0x300;
	s24 =	simm.s32 $0x1000;
	s25 =	sadd.s32 $0x0, s23  }
.LBB2_41:
0x162: {  	[tilespmem:s26], [sflag:$0x1] =	stream.linear.gather [spmem:s25], $0x80, $0x38;
	[tilespmem:$0x18180] =	vst v63  }
0x163: {  	s25 =	smov.u32 s24;
	p0 =	sne.s32 s24, $0x1F000  }
.Ltmp19:
0x164: {  	s24 =	sadd.s32 $0x1000, s24;
	(pc) =	sbr.rel @p0 .LBB2_41-.Ltmp19, $3  }
0x165: {  	_ =	sdelay $0x1  }
0x166: {  	s26 =	sshra.s32 s25, $0x2  }
0x167: {  	s25 =	sadd.s32 s26, s23;
	s26 =	sadd.s32 $0x300, s26  }
0x168: {  	(v2sf) =	vpush v0, $0x4;
	_ =	sdelay $0xd  }
0x169: {  	[tilespmem:s26], [sflag:$0x1] =	stream.linear.gather [spmem:s25], $0x80, $0x38;
	[tilespmem:$0x18180] =	vst v63  }
0x16a: {  	s23 =	spop (v2sf)  }
0x16b: {  	s24 =	sshll.u32 s23, $0xC  }
0x16c: {  	s23 =	sshll.u32 s23, $0x7;
	s24 =	sand.u32 $0xFFFF8000, s24  }
0x16d: {  	s23 =	sand.u32 $0x380, s23;
	s24 =	sadd.s32 s24, s2  }
0x16e: {  	s23 =	sadd.s32 s23, s24  }
0x16f: {  	s26 =	simm.s32 $0x380;
	s24 =	simm.s32 $0x1000;
	s25 =	sadd.s32 $0x0, s23  }
.LBB2_43:
0x170: {  	[tilespmem:s26], [sflag:$0x1] =	stream.linear.gather [spmem:s25], $0x80, $0x38;
	[tilespmem:$0x18180] =	vst v63  }
0x171: {  	s25 =	smov.u32 s24;
	p0 =	sne.s32 s24, $0x1F000  }
.Ltmp20:
0x172: {  	s24 =	sadd.s32 $0x1000, s24;
	(pc) =	sbr.rel @p0 .LBB2_43-.Ltmp20, $3  }
0x173: {  	_ =	sdelay $0x1  }
0x174: {  	s26 =	sshra.s32 s25, $0x2  }
0x175: {  	s25 =	sadd.s32 s26, s23;
	s26 =	sadd.s32 $0x380, s26  }
0x176: {  	(v2sf) =	vpush v0, $0x5;
	_ =	sdelay $0xd  }
0x177: {  	[tilespmem:s26], [sflag:$0x1] =	stream.linear.gather [spmem:s25], $0x80, $0x38;
	[tilespmem:$0x18180] =	vst v63  }
0x178: {  	s23 =	spop (v2sf)  }
0x179: {  	s24 =	sshll.u32 s23, $0xC  }
0x17a: {  	s23 =	sshll.u32 s23, $0x7;
	s24 =	sand.u32 $0xFFFF8000, s24  }
0x17b: {  	s23 =	sand.u32 $0x380, s23;
	s24 =	sadd.s32 s24, s2  }
0x17c: {  	s23 =	sadd.s32 s23, s24  }
0x17d: {  	s26 =	simm.s32 $0x400;
	s24 =	simm.s32 $0x1000;
	s25 =	sadd.s32 $0x0, s23  }
.LBB2_45:
0x17e: {  	[tilespmem:s26], [sflag:$0x1] =	stream.linear.gather [spmem:s25], $0x80, $0x38;
	[tilespmem:$0x18180] =	vst v63  }
0x17f: {  	s25 =	smov.u32 s24;
	p0 =	sne.s32 s24, $0x1F000  }
.Ltmp21:
0x180: {  	s24 =	sadd.s32 $0x1000, s24;
	(pc) =	sbr.rel @p0 .LBB2_45-.Ltmp21, $3  }
0x181: {  	_ =	sdelay $0x1  }
0x182: {  	s26 =	sshra.s32 s25, $0x2  }
0x183: {  	s25 =	sadd.s32 s26, s23;
	s26 =	sadd.s32 $0x400, s26  }
0x184: {  	(v2sf) =	vpush v0, $0x6;
	_ =	sdelay $0xd  }
0x185: {  	[tilespmem:s26], [sflag:$0x1] =	stream.linear.gather [spmem:s25], $0x80, $0x38;
	[tilespmem:$0x18180] =	vst v63  }
0x186: {  	s23 =	spop (v2sf)  }
0x187: {  	s24 =	sshll.u32 s23, $0xC  }
0x188: {  	s23 =	sshll.u32 s23, $0x7;
	s24 =	sand.u32 $0xFFFF8000, s24  }
0x189: {  	s23 =	sand.u32 $0x380, s23;
	s24 =	sadd.s32 s24, s2  }
0x18a: {  	s23 =	sadd.s32 s23, s24  }
0x18b: {  	s26 =	simm.s32 $0x480;
	s24 =	simm.s32 $0x1000;
	s25 =	sadd.s32 $0x0, s23  }
.LBB2_47:
0x18c: {  	[tilespmem:s26], [sflag:$0x1] =	stream.linear.gather [spmem:s25], $0x80, $0x38;
	[tilespmem:$0x18180] =	vst v63  }
0x18d: {  	s25 =	smov.u32 s24;
	p0 =	sne.s32 s24, $0x1F000  }
.Ltmp22:
0x18e: {  	s24 =	sadd.s32 $0x1000, s24;
	(pc) =	sbr.rel @p0 .LBB2_47-.Ltmp22, $3  }
0x18f: {  	_ =	sdelay $0x1  }
0x190: {  	s26 =	sshra.s32 s25, $0x2  }
0x191: {  	s25 =	sadd.s32 s26, s23;
	s26 =	sadd.s32 $0x480, s26  }
0x192: {  	(v2sf) =	vpush v0, $0x7;
	_ =	sdelay $0xd  }
0x193: {  	[tilespmem:s26], [sflag:$0x1] =	stream.linear.gather [spmem:s25], $0x80, $0x38;
	[tilespmem:$0x18180] =	vst v63  }
0x194: {  	s23 =	spop (v2sf)  }
0x195: {  	s24 =	sshll.u32 s23, $0xC  }
0x196: {  	s23 =	sshll.u32 s23, $0x7;
	s24 =	sand.u32 $0xFFFF8000, s24  }
0x197: {  	s23 =	sand.u32 $0x380, s23;
	s24 =	sadd.s32 s24, s2  }
0x198: {  	s23 =	sadd.s32 s23, s24  }
0x199: {  	s26 =	simm.s32 $0x500;
	s24 =	simm.s32 $0x1000;
	s25 =	sadd.s32 $0x0, s23  }
.LBB2_49:
0x19a: {  	[tilespmem:s26], [sflag:$0x1] =	stream.linear.gather [spmem:s25], $0x80, $0x38;
	[tilespmem:$0x18180] =	vst v63  }
0x19b: {  	s25 =	smov.u32 s24;
	p0 =	sne.s32 s24, $0x1F000  }
.Ltmp23:
0x19c: {  	s24 =	sadd.s32 $0x1000, s24;
	(pc) =	sbr.rel @p0 .LBB2_49-.Ltmp23, $3  }
0x19d: {  	_ =	sdelay $0x1  }
0x19e: {  	s26 =	sshra.s32 s25, $0x2  }
0x19f: {  	s25 =	sadd.s32 s26, s23;
	s26 =	sadd.s32 $0x500, s26  }
0x1a0: {  	[tilespmem:s26], [sflag:$0x1] =	stream.linear.gather [spmem:s25], $0x80, $0x38;
	[tilespmem:$0x18180] =	vst v63  }
0x1a1: {  	_ =	swait.ge [sflag:s14], $0x1000  }
0x1a2: {  	[sflag:s14] =	ssyncset.done $0x0  }
0x1a3: {  	[sflag:s14] =	ssyncadd.s32 $0xFFFFF000  }
0x1a4: {  	_ =	swait.ge [sflag:s14], $0x1000  }
0x1a5: {  	[sflag:s14] =	ssyncset.done $0x0  }
0x1a6: {  	[sflag:s14] =	ssyncadd.s32 $0xFFFFF000  }
0x1a7: {  	_ =	swait.ge [sflag:s14], $0x1000  }
0x1a8: {  	[sflag:s14] =	ssyncset.done $0x0  }
0x1a9: {  	[sflag:s14] =	ssyncadd.s32 $0xFFFFF000  }
0x1aa: {  	_ =	swait.ge [sflag:s14], $0x1000  }
0x1ab: {  	[sflag:s14] =	ssyncset.done $0x0  }
0x1ac: {  	[sflag:s14] =	ssyncadd.s32 $0xFFFFF000  }
0x1ad: {  	_ =	swait.ge [sflag:s14], $0x1000  }
0x1ae: {  	[sflag:s14] =	ssyncset.done $0x0  }
0x1af: {  	[sflag:s14] =	ssyncadd.s32 $0xFFFFF000  }
0x1b0: {  	_ =	swait.ge [sflag:s14], $0x1000  }
0x1b1: {  	[sflag:s14] =	ssyncset.done $0x0  }
0x1b2: {  	[sflag:s14] =	ssyncadd.s32 $0xFFFFF000  }
0x1b3: {  	_ =	swait.ge [sflag:s14], $0x1000  }
0x1b4: {  	[sflag:s14] =	ssyncset.done $0x0  }
0x1b5: {  	[sflag:s14] =	ssyncadd.s32 $0xFFFFF000  }
0x1b6: {  	s22 =	sadd.s32 s5, s22;
	_ =	swait.ge [sflag:s14], $0x1000  }
0x1b7: {  	s22 =	sshll.u32 s22, $0x9;
	[sflag:s14] =	ssyncset.done $0x0  }
0x1b8: {  	s23 =	simm.s32 $0x0;
	s22 =	sadd.s32 s1, s22;
	[sflag:s14] =	ssyncadd.s32 $0xFFFFF000  }
0x1b9: {  	[hbm4b:s22+s23] =	stream.linear.scatter [tilespmem:s15], [sflag:$0x2], $0x8000, $0x38;
	[tilespmem:$0x18180] =	vst v63  }
0x1ba: {  	_ =	swait.ge [sflag:s18], $0x8000  }
0x1bb: {  	[sflag:s18] =	ssyncset.done $0x0  }
0x1bc: {  	[sflag:s18] =	ssyncadd.s32 $0xFFFF8000  }
0x1bd: {  	v0 =	vld [tilespmem:s21+$0x18];
	_ =	sdelay $0x4  }
0x1be: {  	(v2sf) =	vpush v0, $0x0;
	_ =	sdelay $0xe  }
0x1bf: {  	s30 =	spop (v2sf)  }
0x1c0: {  	s31 =	sshll.u32 s30, $0xC  }
0x1c1: {  	s22 =	sshll.u32 s30, $0x7;
	s23 =	sand.u32 $0xFFFF8000, s31  }
0x1c2: {  	s22 =	sand.u32 $0x380, s22;
	s23 =	sadd.s32 s23, s2  }
0x1c3: {  	s25 =	simm.s32 $0x8180;
	s22 =	sadd.s32 s22, s23  }
0x1c4: {  	s21 =	sadd.s32 $0x18, s21;
	s23 =	simm.s32 $0x1000;
	s24 =	sadd.s32 $0x0, s22  }
.LBB2_51:
0x1c5: {  	[tilespmem:s25], [sflag:$0x1] =	stream.linear.gather [spmem:s24], $0x80, $0x38;
	[tilespmem:$0x18180] =	vst v63  }
0x1c6: {  	s24 =	smov.u32 s23;
	p0 =	sne.s32 s23, $0x1F000  }
.Ltmp24:
0x1c7: {  	s23 =	sadd.s32 $0x1000, s23;
	(pc) =	sbr.rel @p0 .LBB2_51-.Ltmp24, $3  }
0x1c8: {  	_ =	sdelay $0x1  }
0x1c9: {  	s25 =	sshra.s32 s24, $0x2  }
0x1ca: {  	s24 =	sadd.s32 s25, s22;
	s25 =	sadd.s32 $0x8180, s25  }
0x1cb: {  	(v2sf) =	vpush v0, $0x1;
	_ =	sdelay $0xd  }
0x1cc: {  	[tilespmem:s25], [sflag:$0x1] =	stream.linear.gather [spmem:s24], $0x80, $0x38;
	[tilespmem:$0x18180] =	vst v63  }
0x1cd: {  	s22 =	spop (v2sf)  }
0x1ce: {  	s23 =	sshll.u32 s22, $0xC  }
0x1cf: {  	s22 =	sshll.u32 s22, $0x7;
	s23 =	sand.u32 $0xFFFF8000, s23  }
0x1d0: {  	s22 =	sand.u32 $0x380, s22;
	s23 =	sadd.s32 s23, s2  }
0x1d1: {  	s22 =	sadd.s32 s22, s23  }
0x1d2: {  	s25 =	simm.s32 $0x8200;
	s23 =	simm.s32 $0x1000;
	s24 =	sadd.s32 $0x0, s22  }
.LBB2_53:
0x1d3: {  	[tilespmem:s25], [sflag:$0x1] =	stream.linear.gather [spmem:s24], $0x80, $0x38;
	[tilespmem:$0x18180] =	vst v63  }
0x1d4: {  	s24 =	smov.u32 s23;
	p0 =	sne.s32 s23, $0x1F000  }
.Ltmp25:
0x1d5: {  	s23 =	sadd.s32 $0x1000, s23;
	(pc) =	sbr.rel @p0 .LBB2_53-.Ltmp25, $3  }
0x1d6: {  	_ =	sdelay $0x1  }
0x1d7: {  	s25 =	sshra.s32 s24, $0x2  }
0x1d8: {  	s24 =	sadd.s32 s25, s22;
	s25 =	sadd.s32 $0x8200, s25  }
0x1d9: {  	(v2sf) =	vpush v0, $0x2;
	_ =	sdelay $0xd  }
0x1da: {  	[tilespmem:s25], [sflag:$0x1] =	stream.linear.gather [spmem:s24], $0x80, $0x38;
	[tilespmem:$0x18180] =	vst v63  }
0x1db: {  	s22 =	spop (v2sf)  }
0x1dc: {  	s23 =	sshll.u32 s22, $0xC  }
0x1dd: {  	s22 =	sshll.u32 s22, $0x7;
	s23 =	sand.u32 $0xFFFF8000, s23  }
0x1de: {  	s22 =	sand.u32 $0x380, s22;
	s23 =	sadd.s32 s23, s2  }
0x1df: {  	s22 =	sadd.s32 s22, s23  }
0x1e0: {  	s25 =	simm.s32 $0x8280;
	s23 =	simm.s32 $0x1000;
	s24 =	sadd.s32 $0x0, s22  }
.LBB2_55:
0x1e1: {  	[tilespmem:s25], [sflag:$0x1] =	stream.linear.gather [spmem:s24], $0x80, $0x38;
	[tilespmem:$0x18180] =	vst v63  }
0x1e2: {  	s24 =	smov.u32 s23;
	p0 =	sne.s32 s23, $0x1F000  }
.Ltmp26:
0x1e3: {  	s23 =	sadd.s32 $0x1000, s23;
	(pc) =	sbr.rel @p0 .LBB2_55-.Ltmp26, $3  }
0x1e4: {  	_ =	sdelay $0x1  }
0x1e5: {  	s25 =	sshra.s32 s24, $0x2  }
0x1e6: {  	s24 =	sadd.s32 s25, s22;
	s25 =	sadd.s32 $0x8280, s25  }
0x1e7: {  	(v2sf) =	vpush v0, $0x3;
	_ =	sdelay $0xd  }
0x1e8: {  	[tilespmem:s25], [sflag:$0x1] =	stream.linear.gather [spmem:s24], $0x80, $0x38;
	[tilespmem:$0x18180] =	vst v63  }
0x1e9: {  	s22 =	spop (v2sf)  }
0x1ea: {  	s23 =	sshll.u32 s22, $0xC  }
0x1eb: {  	s22 =	sshll.u32 s22, $0x7;
	s23 =	sand.u32 $0xFFFF8000, s23  }
0x1ec: {  	s22 =	sand.u32 $0x380, s22;
	s23 =	sadd.s32 s23, s2  }
0x1ed: {  	s22 =	sadd.s32 s22, s23  }
0x1ee: {  	s25 =	simm.s32 $0x8300;
	s23 =	simm.s32 $0x1000;
	s24 =	sadd.s32 $0x0, s22  }
.LBB2_57:
0x1ef: {  	[tilespmem:s25], [sflag:$0x1] =	stream.linear.gather [spmem:s24], $0x80, $0x38;
	[tilespmem:$0x18180] =	vst v63  }
0x1f0: {  	s24 =	smov.u32 s23;
	p0 =	sne.s32 s23, $0x1F000  }
.Ltmp27:
0x1f1: {  	s23 =	sadd.s32 $0x1000, s23;
	(pc) =	sbr.rel @p0 .LBB2_57-.Ltmp27, $3  }
0x1f2: {  	_ =	sdelay $0x1  }
0x1f3: {  	s25 =	sshra.s32 s24, $0x2  }
0x1f4: {  	s24 =	sadd.s32 s25, s22;
	s25 =	sadd.s32 $0x8300, s25  }
0x1f5: {  	(v2sf) =	vpush v0, $0x4;
	_ =	sdelay $0xd  }
0x1f6: {  	[tilespmem:s25], [sflag:$0x1] =	stream.linear.gather [spmem:s24], $0x80, $0x38;
	[tilespmem:$0x18180] =	vst v63  }
0x1f7: {  	s22 =	spop (v2sf)  }
0x1f8: {  	s23 =	sshll.u32 s22, $0xC  }
0x1f9: {  	s22 =	sshll.u32 s22, $0x7;
	s23 =	sand.u32 $0xFFFF8000, s23  }
0x1fa: {  	s22 =	sand.u32 $0x380, s22;
	s23 =	sadd.s32 s23, s2  }
0x1fb: {  	s22 =	sadd.s32 s22, s23  }
0x1fc: {  	s25 =	simm.s32 $0x8380;
	s23 =	simm.s32 $0x1000;
	s24 =	sadd.s32 $0x0, s22  }
.LBB2_59:
0x1fd: {  	[tilespmem:s25], [sflag:$0x1] =	stream.linear.gather [spmem:s24], $0x80, $0x38;
	[tilespmem:$0x18180] =	vst v63  }
0x1fe: {  	s24 =	smov.u32 s23;
	p0 =	sne.s32 s23, $0x1F000  }
.Ltmp28:
0x1ff: {  	s23 =	sadd.s32 $0x1000, s23;
	(pc) =	sbr.rel @p0 .LBB2_59-.Ltmp28, $3  }
0x200: {  	_ =	sdelay $0x1  }
0x201: {  	s25 =	sshra.s32 s24, $0x2  }
0x202: {  	s24 =	sadd.s32 s25, s22;
	s25 =	sadd.s32 $0x8380, s25  }
0x203: {  	(v2sf) =	vpush v0, $0x5;
	_ =	sdelay $0xd  }
0x204: {  	[tilespmem:s25], [sflag:$0x1] =	stream.linear.gather [spmem:s24], $0x80, $0x38;
	[tilespmem:$0x18180] =	vst v63  }
0x205: {  	s22 =	spop (v2sf)  }
0x206: {  	s23 =	sshll.u32 s22, $0xC  }
0x207: {  	s22 =	sshll.u32 s22, $0x7;
	s23 =	sand.u32 $0xFFFF8000, s23  }
0x208: {  	s22 =	sand.u32 $0x380, s22;
	s23 =	sadd.s32 s23, s2  }
0x209: {  	s22 =	sadd.s32 s22, s23  }
0x20a: {  	s25 =	simm.s32 $0x8400;
	s23 =	simm.s32 $0x1000;
	s24 =	sadd.s32 $0x0, s22  }
.LBB2_61:
0x20b: {  	[tilespmem:s25], [sflag:$0x1] =	stream.linear.gather [spmem:s24], $0x80, $0x38;
	[tilespmem:$0x18180] =	vst v63  }
0x20c: {  	s24 =	smov.u32 s23;
	p0 =	sne.s32 s23, $0x1F000  }
.Ltmp29:
0x20d: {  	s23 =	sadd.s32 $0x1000, s23;
	(pc) =	sbr.rel @p0 .LBB2_61-.Ltmp29, $3  }
0x20e: {  	_ =	sdelay $0x1  }
0x20f: {  	s25 =	sshra.s32 s24, $0x2  }
0x210: {  	s24 =	sadd.s32 s25, s22;
	s25 =	sadd.s32 $0x8400, s25  }
0x211: {  	(v2sf) =	vpush v0, $0x6;
	_ =	sdelay $0xd  }
0x212: {  	[tilespmem:s25], [sflag:$0x1] =	stream.linear.gather [spmem:s24], $0x80, $0x38;
	[tilespmem:$0x18180] =	vst v63  }
0x213: {  	s22 =	spop (v2sf)  }
0x214: {  	s23 =	sshll.u32 s22, $0xC  }
0x215: {  	s22 =	sshll.u32 s22, $0x7;
	s23 =	sand.u32 $0xFFFF8000, s23  }
0x216: {  	s22 =	sand.u32 $0x380, s22;
	s23 =	sadd.s32 s23, s2  }
0x217: {  	s22 =	sadd.s32 s22, s23  }
0x218: {  	s25 =	simm.s32 $0x8480;
	s23 =	simm.s32 $0x1000;
	s24 =	sadd.s32 $0x0, s22  }
.LBB2_63:
0x219: {  	[tilespmem:s25], [sflag:$0x1] =	stream.linear.gather [spmem:s24], $0x80, $0x38;
	[tilespmem:$0x18180] =	vst v63  }
0x21a: {  	s24 =	smov.u32 s23;
	p0 =	sne.s32 s23, $0x1F000  }
.Ltmp30:
0x21b: {  	s23 =	sadd.s32 $0x1000, s23;
	(pc) =	sbr.rel @p0 .LBB2_63-.Ltmp30, $3  }
0x21c: {  	_ =	sdelay $0x1  }
0x21d: {  	s25 =	sshra.s32 s24, $0x2  }
0x21e: {  	s24 =	sadd.s32 s25, s22;
	s25 =	sadd.s32 $0x8480, s25  }
0x21f: {  	(v2sf) =	vpush v0, $0x7;
	_ =	sdelay $0xd  }
0x220: {  	[tilespmem:s25], [sflag:$0x1] =	stream.linear.gather [spmem:s24], $0x80, $0x38;
	[tilespmem:$0x18180] =	vst v63  }
0x221: {  	s22 =	spop (v2sf)  }
0x222: {  	s23 =	sshll.u32 s22, $0xC  }
0x223: {  	s22 =	sshll.u32 s22, $0x7;
	s23 =	sand.u32 $0xFFFF8000, s23  }
0x224: {  	s22 =	sand.u32 $0x380, s22;
	s23 =	sadd.s32 s23, s2  }
0x225: {  	s22 =	sadd.s32 s22, s23  }
0x226: {  	s25 =	simm.s32 $0x8500;
	s23 =	simm.s32 $0x1000;
	s24 =	sadd.s32 $0x0, s22  }
.LBB2_65:
0x227: {  	[tilespmem:s25], [sflag:$0x1] =	stream.linear.gather [spmem:s24], $0x80, $0x38;
	[tilespmem:$0x18180] =	vst v63  }
0x228: {  	s24 =	smov.u32 s23;
	p0 =	sne.s32 s23, $0x1F000  }
.Ltmp31:
0x229: {  	s23 =	sadd.s32 $0x1000, s23;
	(pc) =	sbr.rel @p0 .LBB2_65-.Ltmp31, $3  }
0x22a: {  	_ =	sdelay $0x1  }
0x22b: {  	s25 =	sshra.s32 s24, $0x2  }
0x22c: {  	s24 =	sadd.s32 s25, s22;
	s25 =	sadd.s32 $0x8500, s25  }
0x22d: {  	[tilespmem:s25], [sflag:$0x1] =	stream.linear.gather [spmem:s24], $0x80, $0x38;
	[tilespmem:$0x18180] =	vst v63  }
0x22e: {  	_ =	swait.ge [sflag:s14], $0x1000  }
0x22f: {  	[sflag:s14] =	ssyncset.done $0x0  }
0x230: {  	[sflag:s14] =	ssyncadd.s32 $0xFFFFF000  }
0x231: {  	_ =	swait.ge [sflag:s14], $0x1000  }
0x232: {  	[sflag:s14] =	ssyncset.done $0x0  }
0x233: {  	[sflag:s14] =	ssyncadd.s32 $0xFFFFF000  }
0x234: {  	_ =	swait.ge [sflag:s14], $0x1000  }
0x235: {  	[sflag:s14] =	ssyncset.done $0x0  }
0x236: {  	[sflag:s14] =	ssyncadd.s32 $0xFFFFF000  }
0x237: {  	_ =	swait.ge [sflag:s14], $0x1000  }
0x238: {  	[sflag:s14] =	ssyncset.done $0x0  }
0x239: {  	[sflag:s14] =	ssyncadd.s32 $0xFFFFF000  }
0x23a: {  	_ =	swait.ge [sflag:s14], $0x1000  }
0x23b: {  	[sflag:s14] =	ssyncset.done $0x0  }
0x23c: {  	[sflag:s14] =	ssyncadd.s32 $0xFFFFF000  }
0x23d: {  	_ =	swait.ge [sflag:s14], $0x1000  }
0x23e: {  	[sflag:s14] =	ssyncset.done $0x0  }
0x23f: {  	[sflag:s14] =	ssyncadd.s32 $0xFFFFF000  }
0x240: {  	s20 =	sadd.s32 $0x1, s20;
	_ =	swait.ge [sflag:s14], $0x1000  }
0x241: {  	p0 =	sne.s32 s20, $0xF;
	[sflag:s14] =	ssyncset.done $0x0  }
.Ltmp32:
0x242: {  	[sflag:s14] =	ssyncadd.s32 $0xFFFFF000;
	(pc) =	sbr.rel @p0 .LBB2_34-.Ltmp32, $4  }
0x243: {  	s21 =	sadd.s32 s5, s21;
	_ =	swait.ge [sflag:s14], $0x1000  }
0x244: {  	s21 =	sshll.u32 s21, $0x9;
	[sflag:s14] =	ssyncset.done $0x0  }
0x245: {  	s21 =	sadd.s32 s1, s21;
	[sflag:s14] =	ssyncadd.s32 $0xFFFFF000  }
0x246: {  	[hbm4b:s21+s3] =	stream.linear.scatter [tilespmem:s16], [sflag:$0x3], $0x8000, $0x38;
	[tilespmem:$0x18180] =	vst v63  }
0x247: {  	s19 =	sadd.s32 $0x1, s19  }
0x248: {  	_ =	swait.ge [sflag:s17], $0x8000;
	p0 =	sne.s32 s19, s11  }
.Ltmp33:
0x249: {  	[sflag:s17] =	ssyncset.done $0x0;
	(pc) =	sbr.rel @p0 .LBB2_1-.Ltmp33, $4  }
0x24a: {  	[sflag:s17] =	ssyncadd.s32 $0xFFFF8000  }
0x24b: {  	_ =	swait.ge [sflag:s18], $0x8000  }
0x24c: {  	[sflag:s18] =	ssyncset.done $0x0  }
0x24d: {  	[sflag:s18] =	ssyncadd.s32 $0xFFFF8000  }
0x24e: {  	_ =	sfence.sel $0x180000  }
0x24f: {  	[bflag:$0x0] =	sbarrier.arrive $0xFFFF  }
0x250: {  	p0 =	sne.s32 s4, $0x0;
	_ =	strace $0x90000047  }
0x251: {  	s0 =	sadd.s32 @!p0 $0x100000, s0;
	[bflag:$0x2] =	sbarrier.arrive $0xFFFF  }
0x252: {  	[sflag:s0] =	ssyncadd.tile.s32 @!p0 $0x1;
	_ =	shalt  }
.Lfunc_end2:
_tile_overlayer_lowered:
.L_overlay_start_2:
0x253: {  	(tag) =	ssettag $0x2  }
0x254: {  	s0 =	rddreg [dreg:$0x0];
	s2 =	stileid.u32  }
0x255: {  	s1 =	rddreg [dreg:$0x1];
	p0 =	sne.s32 s2, $0x0  }
0x256: {  	s3 =	rddreg [dreg:$0x2];
	[bflag:$0x3] =	sbarrier.arrive $0xFFFF;
	s2 =	simm.s32 @!p0 $0x1C04  }
0x257: {  	[timem:s3], [sflag:s2] =	dma.local @!p0 [hbm:s0], s1  }
0x258: {  	s0 =	simm.s32 @!p0 $0x4  }
0x259: {  	_ =	swait.ge @!p0 [sflag:s0], s1  }
0x25a: {  	s1 =	ssub.s32 @!p0 $0x0, s1;
	[sflag:s0] =	ssyncset.done @!p0 $0x0  }
0x25b: {  	[sflag:s0] =	ssyncadd.s32 @!p0 s1  }
0x25c: {  	[bflag:$0x3] =	sbarrier.arrive $0xFFFF  }
0x25d: {  	_ =	shalt  }

</sc_bundles>
